<compile_context>
chip_gen: v7x
topology: tpu7x:2x2x1
jax: 0.10.2.dev20260603
libtpu: 0.0.44.dev20260713+nightly
codegen_flags: <defaults>
</compile_context>

<pallas_src>
import functools

import jax
import jax.numpy as jnp
from jax import lax
from jax.experimental import pallas as pl
from jax.experimental.pallas import tpu as pltpu
from jax.experimental.pallas import tpu_sc as plsc

B = 1024
N = 200
COORD = 128
T = B * N
D_OUT = 6 * COORD
NW = 32
TPW = T // NW
C = 64
NCHUNK = TPW // C
NPAIR = NCHUNK // 2


def _make_sc_kernel():
    mesh = plsc.VectorSubcoreMesh(core_axis_name="c", subcore_axis_name="s")

    @functools.partial(
        pl.kernel,
        out_type=jax.ShapeDtypeStruct((T, D_OUT), jnp.float32),
        mesh=mesh,
        scratch_types=[
            pltpu.VMEM((4, 2 * C), jnp.int32),
            [[pltpu.VMEM((C,), jnp.int32) for _ in range(6)] for _ in range(2)],
            [[pltpu.VMEM((C, COORD), jnp.float32) for _ in range(6)] for _ in range(2)],
            [pltpu.SemaphoreType.DMA for _ in range(2)],
            [pltpu.SemaphoreType.DMA for _ in range(2)],
            [pltpu.VMEM_SHARED((1024, COORD), jnp.float32) for _ in range(3)],
        ],
    )
    def body(bbox_hbm, x_hbm, y_hbm, h_hbm, w_hbm, out_hbm,
             bb_v, idx_v, row_v, gsem, ssem, sp):
        sid = lax.axis_index("s")
        wid = sid * 2 + lax.axis_index("c")
        wbase = wid * TPW

        for t, src in enumerate((x_hbm, y_hbm, h_hbm)):
            stripe = pl.ds(sid * 64, 64)
            pltpu.sync_copy(src.at[stripe, :], row_v[0][0])
            pltpu.sync_copy(row_v[0][0], sp[t].at[stripe, :])
        plsc.subcore_barrier()

        sp_tables = (sp[0], sp[1], sp[0], sp[1], sp[2])

        def out_slice(ci, g):
            return out_hbm.at[pl.ds(wbase + ci * C, C),
                              pl.ds(g * COORD, COORD)]

        def ws(ci, s):
            for g in range(6):
                pltpu.make_async_copy(
                    row_v[s][g], out_slice(ci, g), ssem[s]).wait()

        def process(ci, s, first=False):
            if not first:
                ws(ci - 2, s)
            if s == 0:
                pltpu.sync_copy(
                    bbox_hbm.at[:, pl.ds(wbase + ci * C, 2 * C)], bb_v)
            for i in range(C // 16):
                sl = pl.ds(i * 16, 16)
                bsl = pl.ds(s * C + i * 16, 16)
                c0 = bb_v[0, bsl]
                c1 = bb_v[1, bsl]
                c2 = bb_v[2, bsl]
                c3 = bb_v[3, bsl]
                idx_v[s][0][sl] = c0
                idx_v[s][1][sl] = c1
                idx_v[s][2][sl] = c2
                idx_v[s][3][sl] = c3
                idx_v[s][4][sl] = c3 - c1
                idx_v[s][5][sl] = c2 - c0
            pltpu.async_copy(w_hbm.at[idx_v[s][5]], row_v[s][5], gsem[s])
            pltpu.async_copy(y_hbm.at[idx_v[s][3]], row_v[s][3], gsem[s])
            for g in (0, 1, 2, 4):
                pltpu.sync_copy(sp_tables[g].at[idx_v[s][g]], row_v[s][g])
                pltpu.async_copy(row_v[s][g], out_slice(ci, g), ssem[s])
            for g, src in ((3, y_hbm), (5, w_hbm)):
                pltpu.make_async_copy(
                    src.at[idx_v[s][g]], row_v[s][g], gsem[s]).wait()
                pltpu.async_copy(row_v[s][g], out_slice(ci, g), ssem[s])

        process(0, 0, first=True)
        process(1, 1, first=True)

        def pair(p, _):
            process(2 * p, 0)
            process(2 * p + 1, 1)
            return 0

        lax.fori_loop(1, NPAIR, pair, 0)
        ws(NCHUNK - 2, 0)
        ws(NCHUNK - 1, 1)

    return body


_sc_kernel = _make_sc_kernel()


def kernel(bbox, x_table, y_table, h_table, w_table):
    bbox_t = jnp.transpose(bbox.reshape(T, 4))
    out = _sc_kernel(bbox_t, x_table, y_table, h_table, w_table)
    return out.reshape(B, N, D_OUT)

# --- scband reference (transcript-rebuilt; emitter-appended) ---
"""Pipeline reference for scband-layout-lmv2-embedding-6296422056368 (READ-ONLY COPY).

The authoritative reference and input builder live on the scoring server;
editing this copy changes nothing except your own understanding.
"""

import jax, jax.numpy as jnp
import numpy as np

B = 1024
N = 200
MAX_2D = 1024
COORD = 128
SHAPE = 128


def setup_inputs(seed: int = 0) -> dict:
    key = jax.random.key(seed)
    kb, kx, ky, kh, kw = jax.random.split(key, 5)
    # sorted along last dim guarantees bbox[...,3] >= bbox[...,1] and bbox[...,2] >= bbox[...,0]
    bbox = jnp.sort(jax.random.randint(kb, (B, N, 4), 0, MAX_2D), axis=-1).astype(jnp.int32)
    x_table = jax.random.normal(kx, (MAX_2D, COORD), dtype=jnp.float32) * 0.02
    y_table = jax.random.normal(ky, (MAX_2D, COORD), dtype=jnp.float32) * 0.02
    h_table = jax.random.normal(kh, (MAX_2D, SHAPE), dtype=jnp.float32) * 0.02
    w_table = jax.random.normal(kw, (MAX_2D, SHAPE), dtype=jnp.float32) * 0.02
    return {"bbox": bbox, "x_table": x_table, "y_table": y_table, "h_table": h_table, "w_table": w_table}


def reference(bbox, x_table, y_table, h_table, w_table):
    left = jnp.take(x_table, bbox[:, :, 0], axis=0)
    upper = jnp.take(y_table, bbox[:, :, 1], axis=0)
    right = jnp.take(x_table, bbox[:, :, 2], axis=0)
    lower = jnp.take(y_table, bbox[:, :, 3], axis=0)
    h_emb = jnp.take(h_table, bbox[:, :, 3] - bbox[:, :, 1], axis=0)
    w_emb = jnp.take(w_table, bbox[:, :, 2] - bbox[:, :, 0], axis=0)
    spatial = jnp.concatenate([left, upper, right, lower, h_emb, w_emb], axis=-1)
    return spatial

if __name__ == "__main__":
    import jax
    _d = setup_inputs()
    print(jax.jit(kernel)(*tuple(_d.values())))

</pallas_src>

<mosaic_0001>
#map = affine_map<(d0, d1) -> (0, 0)>
module attributes {stable_mosaic.version = 14 : i64} {
  func.func @body(%arg0: i32, %arg1: i32, %arg2: memref<4x204800xi32, #tpu.memory_space<hbm>>, %arg3: memref<1024x128xf32, #tpu.memory_space<hbm>>, %arg4: memref<1024x128xf32, #tpu.memory_space<hbm>>, %arg5: memref<1024x128xf32, #tpu.memory_space<hbm>>, %arg6: memref<1024x128xf32, #tpu.memory_space<hbm>>, %arg7: memref<204800x768xf32, #tpu.memory_space<hbm>>, %arg8: memref<4x128xi32, #tpu.memory_space<vmem>>, %arg9: memref<64xi32, #tpu.memory_space<vmem>>, %arg10: memref<64xi32, #tpu.memory_space<vmem>>, %arg11: memref<64xi32, #tpu.memory_space<vmem>>, %arg12: memref<64xi32, #tpu.memory_space<vmem>>, %arg13: memref<64xi32, #tpu.memory_space<vmem>>, %arg14: memref<64xi32, #tpu.memory_space<vmem>>, %arg15: memref<64xi32, #tpu.memory_space<vmem>>, %arg16: memref<64xi32, #tpu.memory_space<vmem>>, %arg17: memref<64xi32, #tpu.memory_space<vmem>>, %arg18: memref<64xi32, #tpu.memory_space<vmem>>, %arg19: memref<64xi32, #tpu.memory_space<vmem>>, %arg20: memref<64xi32, #tpu.memory_space<vmem>>, %arg21: memref<64x128xf32, #tpu.memory_space<vmem>>, %arg22: memref<64x128xf32, #tpu.memory_space<vmem>>, %arg23: memref<64x128xf32, #tpu.memory_space<vmem>>, %arg24: memref<64x128xf32, #tpu.memory_space<vmem>>, %arg25: memref<64x128xf32, #tpu.memory_space<vmem>>, %arg26: memref<64x128xf32, #tpu.memory_space<vmem>>, %arg27: memref<64x128xf32, #tpu.memory_space<vmem>>, %arg28: memref<64x128xf32, #tpu.memory_space<vmem>>, %arg29: memref<64x128xf32, #tpu.memory_space<vmem>>, %arg30: memref<64x128xf32, #tpu.memory_space<vmem>>, %arg31: memref<64x128xf32, #tpu.memory_space<vmem>>, %arg32: memref<64x128xf32, #tpu.memory_space<vmem>>, %arg33: memref<!tpu.dma_semaphore, #tpu.memory_space<semaphore_mem>>, %arg34: memref<!tpu.dma_semaphore, #tpu.memory_space<semaphore_mem>>, %arg35: memref<!tpu.dma_semaphore, #tpu.memory_space<semaphore_mem>>, %arg36: memref<!tpu.dma_semaphore, #tpu.memory_space<semaphore_mem>>, %arg37: memref<1024x128xf32, #tpu.memory_space<vmem_shared>>, %arg38: memref<1024x128xf32, #tpu.memory_space<vmem_shared>>, %arg39: memref<1024x128xf32, #tpu.memory_space<vmem_shared>>) attributes {dimension_semantics = [#tpu.dimension_semantics<core_parallel>, #tpu.dimension_semantics<subcore_parallel>], iteration_bounds = array<i64: 2, 16>, scalar_prefetch = 0 : i64, scratch_operands = 32 : i64, tpu.core_type = #tpu.core_type<sc_vector_subcore>, window_params = [{transform_indices = #map}, {transform_indices = #map}, {transform_indices = #map}, {transform_indices = #map}, {transform_indices = #map}, {transform_indices = #map}]} {
    %mul3A = arith.constant 2 : i32
    %mul3A_0 = arith.muli %arg1, %mul3A : i32
    %add3A = arith.addi %mul3A_0, %arg0 : i32
    %mul3A_1 = arith.constant 6400 : i32
    %mul3A_2 = arith.muli %add3A, %mul3A_1 : i32
    %mul3A_3 = arith.constant 64 : i32
    %mul3A_4 = arith.muli %arg1, %mul3A_3 : i32
    "tpu.region"() ({
      %run_scoped3A = tpu.sem_alloc : memref<!tpu.dma_semaphore, #tpu.memory_space<semaphore_mem>>
      %dma_start3A_548 = arith.constant 0 : i32
      %dma_start3A_549 = tpu.memref_slice %arg3[%mul3A_4, %dma_start3A_548] : memref<1024x128xf32, #tpu.memory_space<hbm>> -> memref<64x128xf32, #tpu.memory_space<hbm>>
      %dma_start3A_550 = arith.constant 0 : i32
      %dma_start3A_551 = tpu.memref_slice %arg3[%mul3A_4, %dma_start3A_550] : memref<1024x128xf32, #tpu.memory_space<hbm>> -> memref<64x128xf32, #tpu.memory_space<hbm>>
      tpu.enqueue_dma source(%dma_start3A_551 : memref<64x128xf32, #tpu.memory_space<hbm>>) target(%arg21 : memref<64x128xf32, #tpu.memory_space<vmem>>) target_semaphore(%run_scoped3A : memref<!tpu.dma_semaphore, #tpu.memory_space<semaphore_mem>>)
      %dma_wait3A_552 = arith.constant 0 : i32
      %dma_wait3A_553 = tpu.memref_slice %arg3[%mul3A_4, %dma_wait3A_552] : memref<1024x128xf32, #tpu.memory_space<hbm>> -> memref<64x128xf32, #tpu.memory_space<hbm>>
      %dma_wait3A_554 = arith.constant 0 : i32
      %dma_wait3A_555 = tpu.memref_slice %arg3[%mul3A_4, %dma_wait3A_554] : memref<1024x128xf32, #tpu.memory_space<hbm>> -> memref<64x128xf32, #tpu.memory_space<hbm>>
      tpu.wait_dma2 semaphore(%run_scoped3A : memref<!tpu.dma_semaphore, #tpu.memory_space<semaphore_mem>>) src(%dma_wait3A_555 : memref<64x128xf32, #tpu.memory_space<hbm>>) dst(%arg21 : memref<64x128xf32, #tpu.memory_space<vmem>>)
      tpu.yield
    }) : () -> ()
    "tpu.region"() ({
      %run_scoped3A = tpu.sem_alloc : memref<!tpu.dma_semaphore, #tpu.memory_space<semaphore_mem>>
      %dma_start3A_548 = arith.constant 0 : i32
      %dma_start3A_549 = tpu.memref_slice %arg37[%mul3A_4, %dma_start3A_548] : memref<1024x128xf32, #tpu.memory_space<vmem_shared>> -> memref<64x128xf32, #tpu.memory_space<vmem_shared>>
      %dma_start3A_550 = arith.constant 0 : i32
      %dma_start3A_551 = tpu.memref_slice %arg37[%mul3A_4, %dma_start3A_550] : memref<1024x128xf32, #tpu.memory_space<vmem_shared>> -> memref<64x128xf32, #tpu.memory_space<vmem_shared>>
      tpu.enqueue_dma source(%arg21 : memref<64x128xf32, #tpu.memory_space<vmem>>) target(%dma_start3A_551 : memref<64x128xf32, #tpu.memory_space<vmem_shared>>) target_semaphore(%run_scoped3A : memref<!tpu.dma_semaphore, #tpu.memory_space<semaphore_mem>>)
      %dma_wait3A_552 = arith.constant 0 : i32
      %dma_wait3A_553 = tpu.memref_slice %arg37[%mul3A_4, %dma_wait3A_552] : memref<1024x128xf32, #tpu.memory_space<vmem_shared>> -> memref<64x128xf32, #tpu.memory_space<vmem_shared>>
      %dma_wait3A_554 = arith.constant 0 : i32
      %dma_wait3A_555 = tpu.memref_slice %arg37[%mul3A_4, %dma_wait3A_554] : memref<1024x128xf32, #tpu.memory_space<vmem_shared>> -> memref<64x128xf32, #tpu.memory_space<vmem_shared>>
      tpu.wait_dma2 semaphore(%run_scoped3A : memref<!tpu.dma_semaphore, #tpu.memory_space<semaphore_mem>>) src(%arg21 : memref<64x128xf32, #tpu.memory_space<vmem>>) dst(%dma_wait3A_555 : memref<64x128xf32, #tpu.memory_space<vmem_shared>>)
      tpu.yield
    }) : () -> ()
    %mul3A_5 = arith.constant 64 : i32
    %mul3A_6 = arith.muli %arg1, %mul3A_5 : i32
    "tpu.region"() ({
      %run_scoped3A = tpu.sem_alloc : memref<!tpu.dma_semaphore, #tpu.memory_space<semaphore_mem>>
      %dma_start3A_548 = arith.constant 0 : i32
      %dma_start3A_549 = tpu.memref_slice %arg4[%mul3A_6, %dma_start3A_548] : memref<1024x128xf32, #tpu.memory_space<hbm>> -> memref<64x128xf32, #tpu.memory_space<hbm>>
      %dma_start3A_550 = arith.constant 0 : i32
      %dma_start3A_551 = tpu.memref_slice %arg4[%mul3A_6, %dma_start3A_550] : memref<1024x128xf32, #tpu.memory_space<hbm>> -> memref<64x128xf32, #tpu.memory_space<hbm>>
      tpu.enqueue_dma source(%dma_start3A_551 : memref<64x128xf32, #tpu.memory_space<hbm>>) target(%arg21 : memref<64x128xf32, #tpu.memory_space<vmem>>) target_semaphore(%run_scoped3A : memref<!tpu.dma_semaphore, #tpu.memory_space<semaphore_mem>>)
      %dma_wait3A_552 = arith.constant 0 : i32
      %dma_wait3A_553 = tpu.memref_slice %arg4[%mul3A_6, %dma_wait3A_552] : memref<1024x128xf32, #tpu.memory_space<hbm>> -> memref<64x128xf32, #tpu.memory_space<hbm>>
      %dma_wait3A_554 = arith.constant 0 : i32
      %dma_wait3A_555 = tpu.memref_slice %arg4[%mul3A_6, %dma_wait3A_554] : memref<1024x128xf32, #tpu.memory_space<hbm>> -> memref<64x128xf32, #tpu.memory_space<hbm>>
      tpu.wait_dma2 semaphore(%run_scoped3A : memref<!tpu.dma_semaphore, #tpu.memory_space<semaphore_mem>>) src(%dma_wait3A_555 : memref<64x128xf32, #tpu.memory_space<hbm>>) dst(%arg21 : memref<64x128xf32, #tpu.memory_space<vmem>>)
      tpu.yield
    }) : () -> ()
    "tpu.region"() ({
      %run_scoped3A = tpu.sem_alloc : memref<!tpu.dma_semaphore, #tpu.memory_space<semaphore_mem>>
      %dma_start3A_548 = arith.constant 0 : i32
      %dma_start3A_549 = tpu.memref_slice %arg38[%mul3A_6, %dma_start3A_548] : memref<1024x128xf32, #tpu.memory_space<vmem_shared>> -> memref<64x128xf32, #tpu.memory_space<vmem_shared>>
      %dma_start3A_550 = arith.constant 0 : i32
      %dma_start3A_551 = tpu.memref_slice %arg38[%mul3A_6, %dma_start3A_550] : memref<1024x128xf32, #tpu.memory_space<vmem_shared>> -> memref<64x128xf32, #tpu.memory_space<vmem_shared>>
      tpu.enqueue_dma source(%arg21 : memref<64x128xf32, #tpu.memory_space<vmem>>) target(%dma_start3A_551 : memref<64x128xf32, #tpu.memory_space<vmem_shared>>) target_semaphore(%run_scoped3A : memref<!tpu.dma_semaphore, #tpu.memory_space<semaphore_mem>>)
      %dma_wait3A_552 = arith.constant 0 : i32
      %dma_wait3A_553 = tpu.memref_slice %arg38[%mul3A_6, %dma_wait3A_552] : memref<1024x128xf32, #tpu.memory_space<vmem_shared>> -> memref<64x128xf32, #tpu.memory_space<vmem_shared>>
      %dma_wait3A_554 = arith.constant 0 : i32
      %dma_wait3A_555 = tpu.memref_slice %arg38[%mul3A_6, %dma_wait3A_554] : memref<1024x128xf32, #tpu.memory_space<vmem_shared>> -> memref<64x128xf32, #tpu.memory_space<vmem_shared>>
      tpu.wait_dma2 semaphore(%run_scoped3A : memref<!tpu.dma_semaphore, #tpu.memory_space<semaphore_mem>>) src(%arg21 : memref<64x128xf32, #tpu.memory_space<vmem>>) dst(%dma_wait3A_555 : memref<64x128xf32, #tpu.memory_space<vmem_shared>>)
      tpu.yield
    }) : () -> ()
    %mul3A_7 = arith.constant 64 : i32
    %mul3A_8 = arith.muli %arg1, %mul3A_7 : i32
    "tpu.region"() ({
      %run_scoped3A = tpu.sem_alloc : memref<!tpu.dma_semaphore, #tpu.memory_space<semaphore_mem>>
      %dma_start3A_548 = arith.constant 0 : i32
      %dma_start3A_549 = tpu.memref_slice %arg5[%mul3A_8, %dma_start3A_548] : memref<1024x128xf32, #tpu.memory_space<hbm>> -> memref<64x128xf32, #tpu.memory_space<hbm>>
      %dma_start3A_550 = arith.constant 0 : i32
      %dma_start3A_551 = tpu.memref_slice %arg5[%mul3A_8, %dma_start3A_550] : memref<1024x128xf32, #tpu.memory_space<hbm>> -> memref<64x128xf32, #tpu.memory_space<hbm>>
      tpu.enqueue_dma source(%dma_start3A_551 : memref<64x128xf32, #tpu.memory_space<hbm>>) target(%arg21 : memref<64x128xf32, #tpu.memory_space<vmem>>) target_semaphore(%run_scoped3A : memref<!tpu.dma_semaphore, #tpu.memory_space<semaphore_mem>>)
      %dma_wait3A_552 = arith.constant 0 : i32
      %dma_wait3A_553 = tpu.memref_slice %arg5[%mul3A_8, %dma_wait3A_552] : memref<1024x128xf32, #tpu.memory_space<hbm>> -> memref<64x128xf32, #tpu.memory_space<hbm>>
      %dma_wait3A_554 = arith.constant 0 : i32
      %dma_wait3A_555 = tpu.memref_slice %arg5[%mul3A_8, %dma_wait3A_554] : memref<1024x128xf32, #tpu.memory_space<hbm>> -> memref<64x128xf32, #tpu.memory_space<hbm>>
      tpu.wait_dma2 semaphore(%run_scoped3A : memref<!tpu.dma_semaphore, #tpu.memory_space<semaphore_mem>>) src(%dma_wait3A_555 : memref<64x128xf32, #tpu.memory_space<hbm>>) dst(%arg21 : memref<64x128xf32, #tpu.memory_space<vmem>>)
      tpu.yield
    }) : () -> ()
    "tpu.region"() ({
      %run_scoped3A = tpu.sem_alloc : memref<!tpu.dma_semaphore, #tpu.memory_space<semaphore_mem>>
      %dma_start3A_548 = arith.constant 0 : i32
      %dma_start3A_549 = tpu.memref_slice %arg39[%mul3A_8, %dma_start3A_548] : memref<1024x128xf32, #tpu.memory_space<vmem_shared>> -> memref<64x128xf32, #tpu.memory_space<vmem_shared>>
      %dma_start3A_550 = arith.constant 0 : i32
      %dma_start3A_551 = tpu.memref_slice %arg39[%mul3A_8, %dma_start3A_550] : memref<1024x128xf32, #tpu.memory_space<vmem_shared>> -> memref<64x128xf32, #tpu.memory_space<vmem_shared>>
      tpu.enqueue_dma source(%arg21 : memref<64x128xf32, #tpu.memory_space<vmem>>) target(%dma_start3A_551 : memref<64x128xf32, #tpu.memory_space<vmem_shared>>) target_semaphore(%run_scoped3A : memref<!tpu.dma_semaphore, #tpu.memory_space<semaphore_mem>>)
      %dma_wait3A_552 = arith.constant 0 : i32
      %dma_wait3A_553 = tpu.memref_slice %arg39[%mul3A_8, %dma_wait3A_552] : memref<1024x128xf32, #tpu.memory_space<vmem_shared>> -> memref<64x128xf32, #tpu.memory_space<vmem_shared>>
      %dma_wait3A_554 = arith.constant 0 : i32
      %dma_wait3A_555 = tpu.memref_slice %arg39[%mul3A_8, %dma_wait3A_554] : memref<1024x128xf32, #tpu.memory_space<vmem_shared>> -> memref<64x128xf32, #tpu.memory_space<vmem_shared>>
      tpu.wait_dma2 semaphore(%run_scoped3A : memref<!tpu.dma_semaphore, #tpu.memory_space<semaphore_mem>>) src(%arg21 : memref<64x128xf32, #tpu.memory_space<vmem>>) dst(%dma_wait3A_555 : memref<64x128xf32, #tpu.memory_space<vmem_shared>>)
      tpu.yield
    }) : () -> ()
    %barrier3A = arith.constant 0 : index
    tpu.barrier barrier_id(%barrier3A)
    %add3A_9 = arith.constant 0 : i32
    %add3A_10 = arith.addi %mul3A_2, %add3A_9 : i32
    "tpu.region"() ({
      %run_scoped3A = tpu.sem_alloc : memref<!tpu.dma_semaphore, #tpu.memory_space<semaphore_mem>>
      %dma_start3A_548 = arith.constant 0 : i32
      %dma_start3A_549 = tpu.memref_slice %arg2[%dma_start3A_548, %add3A_10] : memref<4x204800xi32, #tpu.memory_space<hbm>> -> memref<4x128xi32, #tpu.memory_space<hbm>>
      %dma_start3A_550 = arith.constant 0 : i32
      %dma_start3A_551 = tpu.memref_slice %arg2[%dma_start3A_550, %add3A_10] : memref<4x204800xi32, #tpu.memory_space<hbm>> -> memref<4x128xi32, #tpu.memory_space<hbm>>
      tpu.enqueue_dma source(%dma_start3A_551 : memref<4x128xi32, #tpu.memory_space<hbm>>) target(%arg8 : memref<4x128xi32, #tpu.memory_space<vmem>>) target_semaphore(%run_scoped3A : memref<!tpu.dma_semaphore, #tpu.memory_space<semaphore_mem>>)
      %dma_wait3A_552 = arith.constant 0 : i32
      %dma_wait3A_553 = tpu.memref_slice %arg2[%dma_wait3A_552, %add3A_10] : memref<4x204800xi32, #tpu.memory_space<hbm>> -> memref<4x128xi32, #tpu.memory_space<hbm>>
      %dma_wait3A_554 = arith.constant 0 : i32
      %dma_wait3A_555 = tpu.memref_slice %arg2[%dma_wait3A_554, %add3A_10] : memref<4x204800xi32, #tpu.memory_space<hbm>> -> memref<4x128xi32, #tpu.memory_space<hbm>>
      tpu.wait_dma2 semaphore(%run_scoped3A : memref<!tpu.dma_semaphore, #tpu.memory_space<semaphore_mem>>) src(%dma_wait3A_555 : memref<4x128xi32, #tpu.memory_space<hbm>>) dst(%arg8 : memref<4x128xi32, #tpu.memory_space<vmem>>)
      tpu.yield
    }) : () -> ()
    %get3A = arith.constant 0 : i32
    %get3A_11 = arith.index_cast %get3A : i32 to index
    %get3A_12 = arith.constant 0 : index
    %get3A_13 = tpu.vector_load %arg8[%get3A_11, %get3A_12] {strides = array<i32>} : memref<4x128xi32, #tpu.memory_space<vmem>>, vector<1x16xi32>,
    %get3A_14 = vector.shape_cast %get3A_13 : vector<1x16xi32> to vector<16xi32>
    %get3A_15 = arith.constant 1 : i32
    %get3A_16 = arith.index_cast %get3A_15 : i32 to index
    %get3A_17 = arith.constant 0 : index
    %get3A_18 = tpu.vector_load %arg8[%get3A_16, %get3A_17] {strides = array<i32>} : memref<4x128xi32, #tpu.memory_space<vmem>>, vector<1x16xi32>,
    %get3A_19 = vector.shape_cast %get3A_18 : vector<1x16xi32> to vector<16xi32>
    %get3A_20 = arith.constant 2 : i32
    %get3A_21 = arith.index_cast %get3A_20 : i32 to index
    %get3A_22 = arith.constant 0 : index
    %get3A_23 = tpu.vector_load %arg8[%get3A_21, %get3A_22] {strides = array<i32>} : memref<4x128xi32, #tpu.memory_space<vmem>>, vector<1x16xi32>,
    %get3A_24 = vector.shape_cast %get3A_23 : vector<1x16xi32> to vector<16xi32>
    %get3A_25 = arith.constant 3 : i32
    %get3A_26 = arith.index_cast %get3A_25 : i32 to index
    %get3A_27 = arith.constant 0 : index
    %get3A_28 = tpu.vector_load %arg8[%get3A_26, %get3A_27] {strides = array<i32>} : memref<4x128xi32, #tpu.memory_space<vmem>>, vector<1x16xi32>,
    %get3A_29 = vector.shape_cast %get3A_28 : vector<1x16xi32> to vector<16xi32>
    %swap3A = arith.constant 0 : index
    %swap3A_30 = tpu.vector_load %arg9[%swap3A] {strides = array<i32>} : memref<64xi32, #tpu.memory_space<vmem>>, vector<16xi32>,
    %swap3A_31 = vector.shape_cast %swap3A_30 : vector<16xi32> to vector<16xi32>
    %swap3A_32 = vector.shape_cast %get3A_14 : vector<16xi32> to vector<16xi32>
    tpu.vector_store %arg9[%swap3A], %swap3A_32 {strides = array<i32>} : memref<64xi32, #tpu.memory_space<vmem>>, vector<16xi32>,
    %swap3A_33 = arith.constant 0 : index
    %swap3A_34 = tpu.vector_load %arg10[%swap3A_33] {strides = array<i32>} : memref<64xi32, #tpu.memory_space<vmem>>, vector<16xi32>,
    %swap3A_35 = vector.shape_cast %swap3A_34 : vector<16xi32> to vector<16xi32>
    %swap3A_36 = vector.shape_cast %get3A_19 : vector<16xi32> to vector<16xi32>
    tpu.vector_store %arg10[%swap3A_33], %swap3A_36 {strides = array<i32>} : memref<64xi32, #tpu.memory_space<vmem>>, vector<16xi32>,
    %swap3A_37 = arith.constant 0 : index
    %swap3A_38 = tpu.vector_load %arg11[%swap3A_37] {strides = array<i32>} : memref<64xi32, #tpu.memory_space<vmem>>, vector<16xi32>,
    %swap3A_39 = vector.shape_cast %swap3A_38 : vector<16xi32> to vector<16xi32>
    %swap3A_40 = vector.shape_cast %get3A_24 : vector<16xi32> to vector<16xi32>
    tpu.vector_store %arg11[%swap3A_37], %swap3A_40 {strides = array<i32>} : memref<64xi32, #tpu.memory_space<vmem>>, vector<16xi32>,
    %swap3A_41 = arith.constant 0 : index
    %swap3A_42 = tpu.vector_load %arg12[%swap3A_41] {strides = array<i32>} : memref<64xi32, #tpu.memory_space<vmem>>, vector<16xi32>,
    %swap3A_43 = vector.shape_cast %swap3A_42 : vector<16xi32> to vector<16xi32>
    %swap3A_44 = vector.shape_cast %get3A_29 : vector<16xi32> to vector<16xi32>
    tpu.vector_store %arg12[%swap3A_41], %swap3A_44 {strides = array<i32>} : memref<64xi32, #tpu.memory_space<vmem>>, vector<16xi32>,
    %sub3A = arith.subi %get3A_29, %get3A_19 : vector<16xi32>
    %swap3A_45 = arith.constant 0 : index
    %swap3A_46 = tpu.vector_load %arg13[%swap3A_45] {strides = array<i32>} : memref<64xi32, #tpu.memory_space<vmem>>, vector<16xi32>,
    %swap3A_47 = vector.shape_cast %swap3A_46 : vector<16xi32> to vector<16xi32>
    %swap3A_48 = vector.shape_cast %sub3A : vector<16xi32> to vector<16xi32>
    tpu.vector_store %arg13[%swap3A_45], %swap3A_48 {strides = array<i32>} : memref<64xi32, #tpu.memory_space<vmem>>, vector<16xi32>,
    %sub3A_49 = arith.subi %get3A_24, %get3A_14 : vector<16xi32>
    %swap3A_50 = arith.constant 0 : index
    %swap3A_51 = tpu.vector_load %arg14[%swap3A_50] {strides = array<i32>} : memref<64xi32, #tpu.memory_space<vmem>>, vector<16xi32>,
    %swap3A_52 = vector.shape_cast %swap3A_51 : vector<16xi32> to vector<16xi32>
    %swap3A_53 = vector.shape_cast %sub3A_49 : vector<16xi32> to vector<16xi32>
    tpu.vector_store %arg14[%swap3A_50], %swap3A_53 {strides = array<i32>} : memref<64xi32, #tpu.memory_space<vmem>>, vector<16xi32>,
    %get3A_54 = arith.constant 0 : i32
    %get3A_55 = arith.index_cast %get3A_54 : i32 to index
    %get3A_56 = arith.constant 16 : index
    %get3A_57 = tpu.vector_load %arg8[%get3A_55, %get3A_56] {strides = array<i32>} : memref<4x128xi32, #tpu.memory_space<vmem>>, vector<1x16xi32>,
    %get3A_58 = vector.shape_cast %get3A_57 : vector<1x16xi32> to vector<16xi32>
    %get3A_59 = arith.constant 1 : i32
    %get3A_60 = arith.index_cast %get3A_59 : i32 to index
    %get3A_61 = arith.constant 16 : index
    %get3A_62 = tpu.vector_load %arg8[%get3A_60, %get3A_61] {strides = array<i32>} : memref<4x128xi32, #tpu.memory_space<vmem>>, vector<1x16xi32>,
    %get3A_63 = vector.shape_cast %get3A_62 : vector<1x16xi32> to vector<16xi32>
    %get3A_64 = arith.constant 2 : i32
    %get3A_65 = arith.index_cast %get3A_64 : i32 to index
    %get3A_66 = arith.constant 16 : index
    %get3A_67 = tpu.vector_load %arg8[%get3A_65, %get3A_66] {strides = array<i32>} : memref<4x128xi32, #tpu.memory_space<vmem>>, vector<1x16xi32>,
    %get3A_68 = vector.shape_cast %get3A_67 : vector<1x16xi32> to vector<16xi32>
    %get3A_69 = arith.constant 3 : i32
    %get3A_70 = arith.index_cast %get3A_69 : i32 to index
    %get3A_71 = arith.constant 16 : index
    %get3A_72 = tpu.vector_load %arg8[%get3A_70, %get3A_71] {strides = array<i32>} : memref<4x128xi32, #tpu.memory_space<vmem>>, vector<1x16xi32>,
    %get3A_73 = vector.shape_cast %get3A_72 : vector<1x16xi32> to vector<16xi32>
    %swap3A_74 = arith.constant 16 : index
    %swap3A_75 = tpu.vector_load %arg9[%swap3A_74] {strides = array<i32>} : memref<64xi32, #tpu.memory_space<vmem>>, vector<16xi32>,
    %swap3A_76 = vector.shape_cast %swap3A_75 : vector<16xi32> to vector<16xi32>
    %swap3A_77 = vector.shape_cast %get3A_58 : vector<16xi32> to vector<16xi32>
    tpu.vector_store %arg9[%swap3A_74], %swap3A_77 {strides = array<i32>} : memref<64xi32, #tpu.memory_space<vmem>>, vector<16xi32>,
    %swap3A_78 = arith.constant 16 : index
    %swap3A_79 = tpu.vector_load %arg10[%swap3A_78] {strides = array<i32>} : memref<64xi32, #tpu.memory_space<vmem>>, vector<16xi32>,
    %swap3A_80 = vector.shape_cast %swap3A_79 : vector<16xi32> to vector<16xi32>
    %swap3A_81 = vector.shape_cast %get3A_63 : vector<16xi32> to vector<16xi32>
    tpu.vector_store %arg10[%swap3A_78], %swap3A_81 {strides = array<i32>} : memref<64xi32, #tpu.memory_space<vmem>>, vector<16xi32>,
    %swap3A_82 = arith.constant 16 : index
    %swap3A_83 = tpu.vector_load %arg11[%swap3A_82] {strides = array<i32>} : memref<64xi32, #tpu.memory_space<vmem>>, vector<16xi32>,
    %swap3A_84 = vector.shape_cast %swap3A_83 : vector<16xi32> to vector<16xi32>
    %swap3A_85 = vector.shape_cast %get3A_68 : vector<16xi32> to vector<16xi32>
    tpu.vector_store %arg11[%swap3A_82], %swap3A_85 {strides = array<i32>} : memref<64xi32, #tpu.memory_space<vmem>>, vector<16xi32>,
    %swap3A_86 = arith.constant 16 : index
    %swap3A_87 = tpu.vector_load %arg12[%swap3A_86] {strides = array<i32>} : memref<64xi32, #tpu.memory_space<vmem>>, vector<16xi32>,
    %swap3A_88 = vector.shape_cast %swap3A_87 : vector<16xi32> to vector<16xi32>
    %swap3A_89 = vector.shape_cast %get3A_73 : vector<16xi32> to vector<16xi32>
    tpu.vector_store %arg12[%swap3A_86], %swap3A_89 {strides = array<i32>} : memref<64xi32, #tpu.memory_space<vmem>>, vector<16xi32>,
    %sub3A_90 = arith.subi %get3A_73, %get3A_63 : vector<16xi32>
    %swap3A_91 = arith.constant 16 : index
    %swap3A_92 = tpu.vector_load %arg13[%swap3A_91] {strides = array<i32>} : memref<64xi32, #tpu.memory_space<vmem>>, vector<16xi32>,
    %swap3A_93 = vector.shape_cast %swap3A_92 : vector<16xi32> to vector<16xi32>
    %swap3A_94 = vector.shape_cast %sub3A_90 : vector<16xi32> to vector<16xi32>
    tpu.vector_store %arg13[%swap3A_91], %swap3A_94 {strides = array<i32>} : memref<64xi32, #tpu.memory_space<vmem>>, vector<16xi32>,
    %sub3A_95 = arith.subi %get3A_68, %get3A_58 : vector<16xi32>
    %swap3A_96 = arith.constant 16 : index
    %swap3A_97 = tpu.vector_load %arg14[%swap3A_96] {strides = array<i32>} : memref<64xi32, #tpu.memory_space<vmem>>, vector<16xi32>,
    %swap3A_98 = vector.shape_cast %swap3A_97 : vector<16xi32> to vector<16xi32>
    %swap3A_99 = vector.shape_cast %sub3A_95 : vector<16xi32> to vector<16xi32>
    tpu.vector_store %arg14[%swap3A_96], %swap3A_99 {strides = array<i32>} : memref<64xi32, #tpu.memory_space<vmem>>, vector<16xi32>,
    %get3A_100 = arith.constant 0 : i32
    %get3A_101 = arith.index_cast %get3A_100 : i32 to index
    %get3A_102 = arith.constant 32 : index
    %get3A_103 = tpu.vector_load %arg8[%get3A_101, %get3A_102] {strides = array<i32>} : memref<4x128xi32, #tpu.memory_space<vmem>>, vector<1x16xi32>,
    %get3A_104 = vector.shape_cast %get3A_103 : vector<1x16xi32> to vector<16xi32>
    %get3A_105 = arith.constant 1 : i32
    %get3A_106 = arith.index_cast %get3A_105 : i32 to index
    %get3A_107 = arith.constant 32 : index
    %get3A_108 = tpu.vector_load %arg8[%get3A_106, %get3A_107] {strides = array<i32>} : memref<4x128xi32, #tpu.memory_space<vmem>>, vector<1x16xi32>,
    %get3A_109 = vector.shape_cast %get3A_108 : vector<1x16xi32> to vector<16xi32>
    %get3A_110 = arith.constant 2 : i32
    %get3A_111 = arith.index_cast %get3A_110 : i32 to index
    %get3A_112 = arith.constant 32 : index
    %get3A_113 = tpu.vector_load %arg8[%get3A_111, %get3A_112] {strides = array<i32>} : memref<4x128xi32, #tpu.memory_space<vmem>>, vector<1x16xi32>,
    %get3A_114 = vector.shape_cast %get3A_113 : vector<1x16xi32> to vector<16xi32>
    %get3A_115 = arith.constant 3 : i32
    %get3A_116 = arith.index_cast %get3A_115 : i32 to index
    %get3A_117 = arith.constant 32 : index
    %get3A_118 = tpu.vector_load %arg8[%get3A_116, %get3A_117] {strides = array<i32>} : memref<4x128xi32, #tpu.memory_space<vmem>>, vector<1x16xi32>,
    %get3A_119 = vector.shape_cast %get3A_118 : vector<1x16xi32> to vector<16xi32>
    %swap3A_120 = arith.constant 32 : index
    %swap3A_121 = tpu.vector_load %arg9[%swap3A_120] {strides = array<i32>} : memref<64xi32, #tpu.memory_space<vmem>>, vector<16xi32>,
    %swap3A_122 = vector.shape_cast %swap3A_121 : vector<16xi32> to vector<16xi32>
    %swap3A_123 = vector.shape_cast %get3A_104 : vector<16xi32> to vector<16xi32>
    tpu.vector_store %arg9[%swap3A_120], %swap3A_123 {strides = array<i32>} : memref<64xi32, #tpu.memory_space<vmem>>, vector<16xi32>,
    %swap3A_124 = arith.constant 32 : index
    %swap3A_125 = tpu.vector_load %arg10[%swap3A_124] {strides = array<i32>} : memref<64xi32, #tpu.memory_space<vmem>>, vector<16xi32>,
    %swap3A_126 = vector.shape_cast %swap3A_125 : vector<16xi32> to vector<16xi32>
    %swap3A_127 = vector.shape_cast %get3A_109 : vector<16xi32> to vector<16xi32>
    tpu.vector_store %arg10[%swap3A_124], %swap3A_127 {strides = array<i32>} : memref<64xi32, #tpu.memory_space<vmem>>, vector<16xi32>,
    %swap3A_128 = arith.constant 32 : index
    %swap3A_129 = tpu.vector_load %arg11[%swap3A_128] {strides = array<i32>} : memref<64xi32, #tpu.memory_space<vmem>>, vector<16xi32>,
    %swap3A_130 = vector.shape_cast %swap3A_129 : vector<16xi32> to vector<16xi32>
    %swap3A_131 = vector.shape_cast %get3A_114 : vector<16xi32> to vector<16xi32>
    tpu.vector_store %arg11[%swap3A_128], %swap3A_131 {strides = array<i32>} : memref<64xi32, #tpu.memory_space<vmem>>, vector<16xi32>,
    %swap3A_132 = arith.constant 32 : index
    %swap3A_133 = tpu.vector_load %arg12[%swap3A_132] {strides = array<i32>} : memref<64xi32, #tpu.memory_space<vmem>>, vector<16xi32>,
    %swap3A_134 = vector.shape_cast %swap3A_133 : vector<16xi32> to vector<16xi32>
    %swap3A_135 = vector.shape_cast %get3A_119 : vector<16xi32> to vector<16xi32>
    tpu.vector_store %arg12[%swap3A_132], %swap3A_135 {strides = array<i32>} : memref<64xi32, #tpu.memory_space<vmem>>, vector<16xi32>,
    %sub3A_136 = arith.subi %get3A_119, %get3A_109 : vector<16xi32>
    %swap3A_137 = arith.constant 32 : index
    %swap3A_138 = tpu.vector_load %arg13[%swap3A_137] {strides = array<i32>} : memref<64xi32, #tpu.memory_space<vmem>>, vector<16xi32>,
    %swap3A_139 = vector.shape_cast %swap3A_138 : vector<16xi32> to vector<16xi32>
    %swap3A_140 = vector.shape_cast %sub3A_136 : vector<16xi32> to vector<16xi32>
    tpu.vector_store %arg13[%swap3A_137], %swap3A_140 {strides = array<i32>} : memref<64xi32, #tpu.memory_space<vmem>>, vector<16xi32>,
    %sub3A_141 = arith.subi %get3A_114, %get3A_104 : vector<16xi32>
    %swap3A_142 = arith.constant 32 : index
    %swap3A_143 = tpu.vector_load %arg14[%swap3A_142] {strides = array<i32>} : memref<64xi32, #tpu.memory_space<vmem>>, vector<16xi32>,
    %swap3A_144 = vector.shape_cast %swap3A_143 : vector<16xi32> to vector<16xi32>
    %swap3A_145 = vector.shape_cast %sub3A_141 : vector<16xi32> to vector<16xi32>
    tpu.vector_store %arg14[%swap3A_142], %swap3A_145 {strides = array<i32>} : memref<64xi32, #tpu.memory_space<vmem>>, vector<16xi32>,
    %get3A_146 = arith.constant 0 : i32
    %get3A_147 = arith.index_cast %get3A_146 : i32 to index
    %get3A_148 = arith.constant 48 : index
    %get3A_149 = tpu.vector_load %arg8[%get3A_147, %get3A_148] {strides = array<i32>} : memref<4x128xi32, #tpu.memory_space<vmem>>, vector<1x16xi32>,
    %get3A_150 = vector.shape_cast %get3A_149 : vector<1x16xi32> to vector<16xi32>
    %get3A_151 = arith.constant 1 : i32
    %get3A_152 = arith.index_cast %get3A_151 : i32 to index
    %get3A_153 = arith.constant 48 : index
    %get3A_154 = tpu.vector_load %arg8[%get3A_152, %get3A_153] {strides = array<i32>} : memref<4x128xi32, #tpu.memory_space<vmem>>, vector<1x16xi32>,
    %get3A_155 = vector.shape_cast %get3A_154 : vector<1x16xi32> to vector<16xi32>
    %get3A_156 = arith.constant 2 : i32
    %get3A_157 = arith.index_cast %get3A_156 : i32 to index
    %get3A_158 = arith.constant 48 : index
    %get3A_159 = tpu.vector_load %arg8[%get3A_157, %get3A_158] {strides = array<i32>} : memref<4x128xi32, #tpu.memory_space<vmem>>, vector<1x16xi32>,
    %get3A_160 = vector.shape_cast %get3A_159 : vector<1x16xi32> to vector<16xi32>
    %get3A_161 = arith.constant 3 : i32
    %get3A_162 = arith.index_cast %get3A_161 : i32 to index
    %get3A_163 = arith.constant 48 : index
    %get3A_164 = tpu.vector_load %arg8[%get3A_162, %get3A_163] {strides = array<i32>} : memref<4x128xi32, #tpu.memory_space<vmem>>, vector<1x16xi32>,
    %get3A_165 = vector.shape_cast %get3A_164 : vector<1x16xi32> to vector<16xi32>
    %swap3A_166 = arith.constant 48 : index
    %swap3A_167 = tpu.vector_load %arg9[%swap3A_166] {strides = array<i32>} : memref<64xi32, #tpu.memory_space<vmem>>, vector<16xi32>,
    %swap3A_168 = vector.shape_cast %swap3A_167 : vector<16xi32> to vector<16xi32>
    %swap3A_169 = vector.shape_cast %get3A_150 : vector<16xi32> to vector<16xi32>
    tpu.vector_store %arg9[%swap3A_166], %swap3A_169 {strides = array<i32>} : memref<64xi32, #tpu.memory_space<vmem>>, vector<16xi32>,
    %swap3A_170 = arith.constant 48 : index
    %swap3A_171 = tpu.vector_load %arg10[%swap3A_170] {strides = array<i32>} : memref<64xi32, #tpu.memory_space<vmem>>, vector<16xi32>,
    %swap3A_172 = vector.shape_cast %swap3A_171 : vector<16xi32> to vector<16xi32>
    %swap3A_173 = vector.shape_cast %get3A_155 : vector<16xi32> to vector<16xi32>
    tpu.vector_store %arg10[%swap3A_170], %swap3A_173 {strides = array<i32>} : memref<64xi32, #tpu.memory_space<vmem>>, vector<16xi32>,
    %swap3A_174 = arith.constant 48 : index
    %swap3A_175 = tpu.vector_load %arg11[%swap3A_174] {strides = array<i32>} : memref<64xi32, #tpu.memory_space<vmem>>, vector<16xi32>,
    %swap3A_176 = vector.shape_cast %swap3A_175 : vector<16xi32> to vector<16xi32>
    %swap3A_177 = vector.shape_cast %get3A_160 : vector<16xi32> to vector<16xi32>
    tpu.vector_store %arg11[%swap3A_174], %swap3A_177 {strides = array<i32>} : memref<64xi32, #tpu.memory_space<vmem>>, vector<16xi32>,
    %swap3A_178 = arith.constant 48 : index
    %swap3A_179 = tpu.vector_load %arg12[%swap3A_178] {strides = array<i32>} : memref<64xi32, #tpu.memory_space<vmem>>, vector<16xi32>,
    %swap3A_180 = vector.shape_cast %swap3A_179 : vector<16xi32> to vector<16xi32>
    %swap3A_181 = vector.shape_cast %get3A_165 : vector<16xi32> to vector<16xi32>
    tpu.vector_store %arg12[%swap3A_178], %swap3A_181 {strides = array<i32>} : memref<64xi32, #tpu.memory_space<vmem>>, vector<16xi32>,
    %sub3A_182 = arith.subi %get3A_165, %get3A_155 : vector<16xi32>
    %swap3A_183 = arith.constant 48 : index
    %swap3A_184 = tpu.vector_load %arg13[%swap3A_183] {strides = array<i32>} : memref<64xi32, #tpu.memory_space<vmem>>, vector<16xi32>,
    %swap3A_185 = vector.shape_cast %swap3A_184 : vector<16xi32> to vector<16xi32>
    %swap3A_186 = vector.shape_cast %sub3A_182 : vector<16xi32> to vector<16xi32>
    tpu.vector_store %arg13[%swap3A_183], %swap3A_186 {strides = array<i32>} : memref<64xi32, #tpu.memory_space<vmem>>, vector<16xi32>,
    %sub3A_187 = arith.subi %get3A_160, %get3A_150 : vector<16xi32>
    %swap3A_188 = arith.constant 48 : index
    %swap3A_189 = tpu.vector_load %arg14[%swap3A_188] {strides = array<i32>} : memref<64xi32, #tpu.memory_space<vmem>>, vector<16xi32>,
    %swap3A_190 = vector.shape_cast %swap3A_189 : vector<16xi32> to vector<16xi32>
    %swap3A_191 = vector.shape_cast %sub3A_187 : vector<16xi32> to vector<16xi32>
    tpu.vector_store %arg14[%swap3A_188], %swap3A_191 {strides = array<i32>} : memref<64xi32, #tpu.memory_space<vmem>>, vector<16xi32>,
    %dma_start3A = arith.constant 0 : i32
    %dma_start3A_192 = arith.constant 0 : i32
    %dma_start3A_193 = tpu.memref_slice %arg6[%dma_start3A, %dma_start3A_192] : memref<1024x128xf32, #tpu.memory_space<hbm>> -> memref<1024x128xf32, #tpu.memory_space<hbm>>
    tpu.enqueue_indirect_dma source(%dma_start3A_193 : memref<1024x128xf32, #tpu.memory_space<hbm>>) target(%arg26 : memref<64x128xf32, #tpu.memory_space<vmem>>) offsets(%arg14 : memref<64xi32, #tpu.memory_space<vmem>>) semaphore(%arg33 : memref<!tpu.dma_semaphore, #tpu.memory_space<semaphore_mem>>)
    %dma_start3A_194 = arith.constant 0 : i32
    %dma_start3A_195 = arith.constant 0 : i32
    %dma_start3A_196 = tpu.memref_slice %arg4[%dma_start3A_194, %dma_start3A_195] : memref<1024x128xf32, #tpu.memory_space<hbm>> -> memref<1024x128xf32, #tpu.memory_space<hbm>>
    tpu.enqueue_indirect_dma source(%dma_start3A_196 : memref<1024x128xf32, #tpu.memory_space<hbm>>) target(%arg24 : memref<64x128xf32, #tpu.memory_space<vmem>>) offsets(%arg12 : memref<64xi32, #tpu.memory_space<vmem>>) semaphore(%arg33 : memref<!tpu.dma_semaphore, #tpu.memory_space<semaphore_mem>>)
    "tpu.region"() ({
      %run_scoped3A = tpu.sem_alloc : memref<!tpu.dma_semaphore, #tpu.memory_space<semaphore_mem>>
      %dma_start3A_548 = arith.constant 0 : i32
      %dma_start3A_549 = arith.constant 0 : i32
      %dma_start3A_550 = tpu.memref_slice %arg37[%dma_start3A_548, %dma_start3A_549] : memref<1024x128xf32, #tpu.memory_space<vmem_shared>> -> memref<1024x128xf32, #tpu.memory_space<vmem_shared>>
      tpu.enqueue_indirect_dma source(%dma_start3A_550 : memref<1024x128xf32, #tpu.memory_space<vmem_shared>>) target(%arg21 : memref<64x128xf32, #tpu.memory_space<vmem>>) offsets(%arg9 : memref<64xi32, #tpu.memory_space<vmem>>) semaphore(%run_scoped3A : memref<!tpu.dma_semaphore, #tpu.memory_space<semaphore_mem>>)
      %dma_wait3A_551 = arith.constant 0 : i32
      %dma_wait3A_552 = arith.constant 0 : i32
      %dma_wait3A_553 = tpu.memref_slice %arg37[%dma_wait3A_551, %dma_wait3A_552] : memref<1024x128xf32, #tpu.memory_space<vmem_shared>> -> memref<1024x128xf32, #tpu.memory_space<vmem_shared>>
      tpu.wait_indirect_dma semaphore(%run_scoped3A : memref<!tpu.dma_semaphore, #tpu.memory_space<semaphore_mem>>) src(%dma_wait3A_553 : memref<1024x128xf32, #tpu.memory_space<vmem_shared>>) dst(%arg21 : memref<64x128xf32, #tpu.memory_space<vmem>>)
      tpu.yield
    }) : () -> ()
    %add3A_197 = arith.constant 0 : i32
    %add3A_198 = arith.addi %mul3A_2, %add3A_197 : i32
    %dma_start3A_199 = arith.constant 0 : i32
    %dma_start3A_200 = tpu.memref_slice %arg7[%add3A_198, %dma_start3A_199] : memref<204800x768xf32, #tpu.memory_space<hbm>> -> memref<64x128xf32, #tpu.memory_space<hbm>>
    %dma_start3A_201 = arith.constant 0 : i32
    %dma_start3A_202 = tpu.memref_slice %arg7[%add3A_198, %dma_start3A_201] : memref<204800x768xf32, #tpu.memory_space<hbm>> -> memref<64x128xf32, #tpu.memory_space<hbm>>
    tpu.enqueue_dma source(%arg21 : memref<64x128xf32, #tpu.memory_space<vmem>>) target(%dma_start3A_202 : memref<64x128xf32, #tpu.memory_space<hbm>>) target_semaphore(%arg35 : memref<!tpu.dma_semaphore, #tpu.memory_space<semaphore_mem>>)
    "tpu.region"() ({
      %run_scoped3A = tpu.sem_alloc : memref<!tpu.dma_semaphore, #tpu.memory_space<semaphore_mem>>
      %dma_start3A_548 = arith.constant 0 : i32
      %dma_start3A_549 = arith.constant 0 : i32
      %dma_start3A_550 = tpu.memref_slice %arg38[%dma_start3A_548, %dma_start3A_549] : memref<1024x128xf32, #tpu.memory_space<vmem_shared>> -> memref<1024x128xf32, #tpu.memory_space<vmem_shared>>
      tpu.enqueue_indirect_dma source(%dma_start3A_550 : memref<1024x128xf32, #tpu.memory_space<vmem_shared>>) target(%arg22 : memref<64x128xf32, #tpu.memory_space<vmem>>) offsets(%arg10 : memref<64xi32, #tpu.memory_space<vmem>>) semaphore(%run_scoped3A : memref<!tpu.dma_semaphore, #tpu.memory_space<semaphore_mem>>)
      %dma_wait3A_551 = arith.constant 0 : i32
      %dma_wait3A_552 = arith.constant 0 : i32
      %dma_wait3A_553 = tpu.memref_slice %arg38[%dma_wait3A_551, %dma_wait3A_552] : memref<1024x128xf32, #tpu.memory_space<vmem_shared>> -> memref<1024x128xf32, #tpu.memory_space<vmem_shared>>
      tpu.wait_indirect_dma semaphore(%run_scoped3A : memref<!tpu.dma_semaphore, #tpu.memory_space<semaphore_mem>>) src(%dma_wait3A_553 : memref<1024x128xf32, #tpu.memory_space<vmem_shared>>) dst(%arg22 : memref<64x128xf32, #tpu.memory_space<vmem>>)
      tpu.yield
    }) : () -> ()
    %add3A_203 = arith.constant 0 : i32
    %add3A_204 = arith.addi %mul3A_2, %add3A_203 : i32
    %dma_start3A_205 = arith.constant 128 : i32
    %dma_start3A_206 = tpu.memref_slice %arg7[%add3A_204, %dma_start3A_205] : memref<204800x768xf32, #tpu.memory_space<hbm>> -> memref<64x128xf32, #tpu.memory_space<hbm>>
    %dma_start3A_207 = arith.constant 128 : i32
    %dma_start3A_208 = tpu.memref_slice %arg7[%add3A_204, %dma_start3A_207] : memref<204800x768xf32, #tpu.memory_space<hbm>> -> memref<64x128xf32, #tpu.memory_space<hbm>>
    tpu.enqueue_dma source(%arg22 : memref<64x128xf32, #tpu.memory_space<vmem>>) target(%dma_start3A_208 : memref<64x128xf32, #tpu.memory_space<hbm>>) target_semaphore(%arg35 : memref<!tpu.dma_semaphore, #tpu.memory_space<semaphore_mem>>)
    "tpu.region"() ({
      %run_scoped3A = tpu.sem_alloc : memref<!tpu.dma_semaphore, #tpu.memory_space<semaphore_mem>>
      %dma_start3A_548 = arith.constant 0 : i32
      %dma_start3A_549 = arith.constant 0 : i32
      %dma_start3A_550 = tpu.memref_slice %arg37[%dma_start3A_548, %dma_start3A_549] : memref<1024x128xf32, #tpu.memory_space<vmem_shared>> -> memref<1024x128xf32, #tpu.memory_space<vmem_shared>>
      tpu.enqueue_indirect_dma source(%dma_start3A_550 : memref<1024x128xf32, #tpu.memory_space<vmem_shared>>) target(%arg23 : memref<64x128xf32, #tpu.memory_space<vmem>>) offsets(%arg11 : memref<64xi32, #tpu.memory_space<vmem>>) semaphore(%run_scoped3A : memref<!tpu.dma_semaphore, #tpu.memory_space<semaphore_mem>>)
      %dma_wait3A_551 = arith.constant 0 : i32
      %dma_wait3A_552 = arith.constant 0 : i32
      %dma_wait3A_553 = tpu.memref_slice %arg37[%dma_wait3A_551, %dma_wait3A_552] : memref<1024x128xf32, #tpu.memory_space<vmem_shared>> -> memref<1024x128xf32, #tpu.memory_space<vmem_shared>>
      tpu.wait_indirect_dma semaphore(%run_scoped3A : memref<!tpu.dma_semaphore, #tpu.memory_space<semaphore_mem>>) src(%dma_wait3A_553 : memref<1024x128xf32, #tpu.memory_space<vmem_shared>>) dst(%arg23 : memref<64x128xf32, #tpu.memory_space<vmem>>)
      tpu.yield
    }) : () -> ()
    %add3A_209 = arith.constant 0 : i32
    %add3A_210 = arith.addi %mul3A_2, %add3A_209 : i32
    %dma_start3A_211 = arith.constant 256 : i32
    %dma_start3A_212 = tpu.memref_slice %arg7[%add3A_210, %dma_start3A_211] : memref<204800x768xf32, #tpu.memory_space<hbm>> -> memref<64x128xf32, #tpu.memory_space<hbm>>
    %dma_start3A_213 = arith.constant 256 : i32
    %dma_start3A_214 = tpu.memref_slice %arg7[%add3A_210, %dma_start3A_213] : memref<204800x768xf32, #tpu.memory_space<hbm>> -> memref<64x128xf32, #tpu.memory_space<hbm>>
    tpu.enqueue_dma source(%arg23 : memref<64x128xf32, #tpu.memory_space<vmem>>) target(%dma_start3A_214 : memref<64x128xf32, #tpu.memory_space<hbm>>) target_semaphore(%arg35 : memref<!tpu.dma_semaphore, #tpu.memory_space<semaphore_mem>>)
    "tpu.region"() ({
      %run_scoped3A = tpu.sem_alloc : memref<!tpu.dma_semaphore, #tpu.memory_space<semaphore_mem>>
      %dma_start3A_548 = arith.constant 0 : i32
      %dma_start3A_549 = arith.constant 0 : i32
      %dma_start3A_550 = tpu.memref_slice %arg39[%dma_start3A_548, %dma_start3A_549] : memref<1024x128xf32, #tpu.memory_space<vmem_shared>> -> memref<1024x128xf32, #tpu.memory_space<vmem_shared>>
      tpu.enqueue_indirect_dma source(%dma_start3A_550 : memref<1024x128xf32, #tpu.memory_space<vmem_shared>>) target(%arg25 : memref<64x128xf32, #tpu.memory_space<vmem>>) offsets(%arg13 : memref<64xi32, #tpu.memory_space<vmem>>) semaphore(%run_scoped3A : memref<!tpu.dma_semaphore, #tpu.memory_space<semaphore_mem>>)
      %dma_wait3A_551 = arith.constant 0 : i32
      %dma_wait3A_552 = arith.constant 0 : i32
      %dma_wait3A_553 = tpu.memref_slice %arg39[%dma_wait3A_551, %dma_wait3A_552] : memref<1024x128xf32, #tpu.memory_space<vmem_shared>> -> memref<1024x128xf32, #tpu.memory_space<vmem_shared>>
      tpu.wait_indirect_dma semaphore(%run_scoped3A : memref<!tpu.dma_semaphore, #tpu.memory_space<semaphore_mem>>) src(%dma_wait3A_553 : memref<1024x128xf32, #tpu.memory_space<vmem_shared>>) dst(%arg25 : memref<64x128xf32, #tpu.memory_space<vmem>>)
      tpu.yield
    }) : () -> ()
    %add3A_215 = arith.constant 0 : i32
    %add3A_216 = arith.addi %mul3A_2, %add3A_215 : i32
    %dma_start3A_217 = arith.constant 512 : i32
    %dma_start3A_218 = tpu.memref_slice %arg7[%add3A_216, %dma_start3A_217] : memref<204800x768xf32, #tpu.memory_space<hbm>> -> memref<64x128xf32, #tpu.memory_space<hbm>>
    %dma_start3A_219 = arith.constant 512 : i32
    %dma_start3A_220 = tpu.memref_slice %arg7[%add3A_216, %dma_start3A_219] : memref<204800x768xf32, #tpu.memory_space<hbm>> -> memref<64x128xf32, #tpu.memory_space<hbm>>
    tpu.enqueue_dma source(%arg25 : memref<64x128xf32, #tpu.memory_space<vmem>>) target(%dma_start3A_220 : memref<64x128xf32, #tpu.memory_space<hbm>>) target_semaphore(%arg35 : memref<!tpu.dma_semaphore, #tpu.memory_space<semaphore_mem>>)
    %dma_wait3A = arith.constant 0 : i32
    %dma_wait3A_221 = arith.constant 0 : i32
    %dma_wait3A_222 = tpu.memref_slice %arg4[%dma_wait3A, %dma_wait3A_221] : memref<1024x128xf32, #tpu.memory_space<hbm>> -> memref<1024x128xf32, #tpu.memory_space<hbm>>
    tpu.wait_indirect_dma semaphore(%arg33 : memref<!tpu.dma_semaphore, #tpu.memory_space<semaphore_mem>>) src(%dma_wait3A_222 : memref<1024x128xf32, #tpu.memory_space<hbm>>) dst(%arg24 : memref<64x128xf32, #tpu.memory_space<vmem>>)
    %add3A_223 = arith.constant 0 : i32
    %add3A_224 = arith.addi %mul3A_2, %add3A_223 : i32
    %dma_start3A_225 = arith.constant 384 : i32
    %dma_start3A_226 = tpu.memref_slice %arg7[%add3A_224, %dma_start3A_225] : memref<204800x768xf32, #tpu.memory_space<hbm>> -> memref<64x128xf32, #tpu.memory_space<hbm>>
    %dma_start3A_227 = arith.constant 384 : i32
    %dma_start3A_228 = tpu.memref_slice %arg7[%add3A_224, %dma_start3A_227] : memref<204800x768xf32, #tpu.memory_space<hbm>> -> memref<64x128xf32, #tpu.memory_space<hbm>>
    tpu.enqueue_dma source(%arg24 : memref<64x128xf32, #tpu.memory_space<vmem>>) target(%dma_start3A_228 : memref<64x128xf32, #tpu.memory_space<hbm>>) target_semaphore(%arg35 : memref<!tpu.dma_semaphore, #tpu.memory_space<semaphore_mem>>)
    %dma_wait3A_229 = arith.constant 0 : i32
    %dma_wait3A_230 = arith.constant 0 : i32
    %dma_wait3A_231 = tpu.memref_slice %arg6[%dma_wait3A_229, %dma_wait3A_230] : memref<1024x128xf32, #tpu.memory_space<hbm>> -> memref<1024x128xf32, #tpu.memory_space<hbm>>
    tpu.wait_indirect_dma semaphore(%arg33 : memref<!tpu.dma_semaphore, #tpu.memory_space<semaphore_mem>>) src(%dma_wait3A_231 : memref<1024x128xf32, #tpu.memory_space<hbm>>) dst(%arg26 : memref<64x128xf32, #tpu.memory_space<vmem>>)
    %add3A_232 = arith.constant 0 : i32
    %add3A_233 = arith.addi %mul3A_2, %add3A_232 : i32
    %dma_start3A_234 = arith.constant 640 : i32
    %dma_start3A_235 = tpu.memref_slice %arg7[%add3A_233, %dma_start3A_234] : memref<204800x768xf32, #tpu.memory_space<hbm>> -> memref<64x128xf32, #tpu.memory_space<hbm>>
    %dma_start3A_236 = arith.constant 640 : i32
    %dma_start3A_237 = tpu.memref_slice %arg7[%add3A_233, %dma_start3A_236] : memref<204800x768xf32, #tpu.memory_space<hbm>> -> memref<64x128xf32, #tpu.memory_space<hbm>>
    tpu.enqueue_dma source(%arg26 : memref<64x128xf32, #tpu.memory_space<vmem>>) target(%dma_start3A_237 : memref<64x128xf32, #tpu.memory_space<hbm>>) target_semaphore(%arg35 : memref<!tpu.dma_semaphore, #tpu.memory_space<semaphore_mem>>)
    %get3A_238 = arith.constant 0 : i32
    %get3A_239 = arith.index_cast %get3A_238 : i32 to index
    %get3A_240 = arith.constant 64 : index
    %get3A_241 = tpu.vector_load %arg8[%get3A_239, %get3A_240] {strides = array<i32>} : memref<4x128xi32, #tpu.memory_space<vmem>>, vector<1x16xi32>,
    %get3A_242 = vector.shape_cast %get3A_241 : vector<1x16xi32> to vector<16xi32>
    %get3A_243 = arith.constant 1 : i32
    %get3A_244 = arith.index_cast %get3A_243 : i32 to index
    %get3A_245 = arith.constant 64 : index
    %get3A_246 = tpu.vector_load %arg8[%get3A_244, %get3A_245] {strides = array<i32>} : memref<4x128xi32, #tpu.memory_space<vmem>>, vector<1x16xi32>,
    %get3A_247 = vector.shape_cast %get3A_246 : vector<1x16xi32> to vector<16xi32>
    %get3A_248 = arith.constant 2 : i32
    %get3A_249 = arith.index_cast %get3A_248 : i32 to index
    %get3A_250 = arith.constant 64 : index
    %get3A_251 = tpu.vector_load %arg8[%get3A_249, %get3A_250] {strides = array<i32>} : memref<4x128xi32, #tpu.memory_space<vmem>>, vector<1x16xi32>,
    %get3A_252 = vector.shape_cast %get3A_251 : vector<1x16xi32> to vector<16xi32>
    %get3A_253 = arith.constant 3 : i32
    %get3A_254 = arith.index_cast %get3A_253 : i32 to index
    %get3A_255 = arith.constant 64 : index
    %get3A_256 = tpu.vector_load %arg8[%get3A_254, %get3A_255] {strides = array<i32>} : memref<4x128xi32, #tpu.memory_space<vmem>>, vector<1x16xi32>,
    %get3A_257 = vector.shape_cast %get3A_256 : vector<1x16xi32> to vector<16xi32>
    %swap3A_258 = arith.constant 0 : index
    %swap3A_259 = tpu.vector_load %arg15[%swap3A_258] {strides = array<i32>} : memref<64xi32, #tpu.memory_space<vmem>>, vector<16xi32>,
    %swap3A_260 = vector.shape_cast %swap3A_259 : vector<16xi32> to vector<16xi32>
    %swap3A_261 = vector.shape_cast %get3A_242 : vector<16xi32> to vector<16xi32>
    tpu.vector_store %arg15[%swap3A_258], %swap3A_261 {strides = array<i32>} : memref<64xi32, #tpu.memory_space<vmem>>, vector<16xi32>,
    %swap3A_262 = arith.constant 0 : index
    %swap3A_263 = tpu.vector_load %arg16[%swap3A_262] {strides = array<i32>} : memref<64xi32, #tpu.memory_space<vmem>>, vector<16xi32>,
    %swap3A_264 = vector.shape_cast %swap3A_263 : vector<16xi32> to vector<16xi32>
    %swap3A_265 = vector.shape_cast %get3A_247 : vector<16xi32> to vector<16xi32>
    tpu.vector_store %arg16[%swap3A_262], %swap3A_265 {strides = array<i32>} : memref<64xi32, #tpu.memory_space<vmem>>, vector<16xi32>,
    %swap3A_266 = arith.constant 0 : index
    %swap3A_267 = tpu.vector_load %arg17[%swap3A_266] {strides = array<i32>} : memref<64xi32, #tpu.memory_space<vmem>>, vector<16xi32>,
    %swap3A_268 = vector.shape_cast %swap3A_267 : vector<16xi32> to vector<16xi32>
    %swap3A_269 = vector.shape_cast %get3A_252 : vector<16xi32> to vector<16xi32>
    tpu.vector_store %arg17[%swap3A_266], %swap3A_269 {strides = array<i32>} : memref<64xi32, #tpu.memory_space<vmem>>, vector<16xi32>,
    %swap3A_270 = arith.constant 0 : index
    %swap3A_271 = tpu.vector_load %arg18[%swap3A_270] {strides = array<i32>} : memref<64xi32, #tpu.memory_space<vmem>>, vector<16xi32>,
    %swap3A_272 = vector.shape_cast %swap3A_271 : vector<16xi32> to vector<16xi32>
    %swap3A_273 = vector.shape_cast %get3A_257 : vector<16xi32> to vector<16xi32>
    tpu.vector_store %arg18[%swap3A_270], %swap3A_273 {strides = array<i32>} : memref<64xi32, #tpu.memory_space<vmem>>, vector<16xi32>,
    %sub3A_274 = arith.subi %get3A_257, %get3A_247 : vector<16xi32>
    %swap3A_275 = arith.constant 0 : index
    %swap3A_276 = tpu.vector_load %arg19[%swap3A_275] {strides = array<i32>} : memref<64xi32, #tpu.memory_space<vmem>>, vector<16xi32>,
    %swap3A_277 = vector.shape_cast %swap3A_276 : vector<16xi32> to vector<16xi32>
    %swap3A_278 = vector.shape_cast %sub3A_274 : vector<16xi32> to vector<16xi32>
    tpu.vector_store %arg19[%swap3A_275], %swap3A_278 {strides = array<i32>} : memref<64xi32, #tpu.memory_space<vmem>>, vector<16xi32>,
    %sub3A_279 = arith.subi %get3A_252, %get3A_242 : vector<16xi32>
    %swap3A_280 = arith.constant 0 : index
    %swap3A_281 = tpu.vector_load %arg20[%swap3A_280] {strides = array<i32>} : memref<64xi32, #tpu.memory_space<vmem>>, vector<16xi32>,
    %swap3A_282 = vector.shape_cast %swap3A_281 : vector<16xi32> to vector<16xi32>
    %swap3A_283 = vector.shape_cast %sub3A_279 : vector<16xi32> to vector<16xi32>
    tpu.vector_store %arg20[%swap3A_280], %swap3A_283 {strides = array<i32>} : memref<64xi32, #tpu.memory_space<vmem>>, vector<16xi32>,
    %get3A_284 = arith.constant 0 : i32
    %get3A_285 = arith.index_cast %get3A_284 : i32 to index
    %get3A_286 = arith.constant 80 : index
    %get3A_287 = tpu.vector_load %arg8[%get3A_285, %get3A_286] {strides = array<i32>} : memref<4x128xi32, #tpu.memory_space<vmem>>, vector<1x16xi32>,
    %get3A_288 = vector.shape_cast %get3A_287 : vector<1x16xi32> to vector<16xi32>
    %get3A_289 = arith.constant 1 : i32
    %get3A_290 = arith.index_cast %get3A_289 : i32 to index
    %get3A_291 = arith.constant 80 : index
    %get3A_292 = tpu.vector_load %arg8[%get3A_290, %get3A_291] {strides = array<i32>} : memref<4x128xi32, #tpu.memory_space<vmem>>, vector<1x16xi32>,
    %get3A_293 = vector.shape_cast %get3A_292 : vector<1x16xi32> to vector<16xi32>
    %get3A_294 = arith.constant 2 : i32
    %get3A_295 = arith.index_cast %get3A_294 : i32 to index
    %get3A_296 = arith.constant 80 : index
    %get3A_297 = tpu.vector_load %arg8[%get3A_295, %get3A_296] {strides = array<i32>} : memref<4x128xi32, #tpu.memory_space<vmem>>, vector<1x16xi32>,
    %get3A_298 = vector.shape_cast %get3A_297 : vector<1x16xi32> to vector<16xi32>
    %get3A_299 = arith.constant 3 : i32
    %get3A_300 = arith.index_cast %get3A_299 : i32 to index
    %get3A_301 = arith.constant 80 : index
    %get3A_302 = tpu.vector_load %arg8[%get3A_300, %get3A_301] {strides = array<i32>} : memref<4x128xi32, #tpu.memory_space<vmem>>, vector<1x16xi32>,
    %get3A_303 = vector.shape_cast %get3A_302 : vector<1x16xi32> to vector<16xi32>
    %swap3A_304 = arith.constant 16 : index
    %swap3A_305 = tpu.vector_load %arg15[%swap3A_304] {strides = array<i32>} : memref<64xi32, #tpu.memory_space<vmem>>, vector<16xi32>,
    %swap3A_306 = vector.shape_cast %swap3A_305 : vector<16xi32> to vector<16xi32>
    %swap3A_307 = vector.shape_cast %get3A_288 : vector<16xi32> to vector<16xi32>
    tpu.vector_store %arg15[%swap3A_304], %swap3A_307 {strides = array<i32>} : memref<64xi32, #tpu.memory_space<vmem>>, vector<16xi32>,
    %swap3A_308 = arith.constant 16 : index
    %swap3A_309 = tpu.vector_load %arg16[%swap3A_308] {strides = array<i32>} : memref<64xi32, #tpu.memory_space<vmem>>, vector<16xi32>,
    %swap3A_310 = vector.shape_cast %swap3A_309 : vector<16xi32> to vector<16xi32>
    %swap3A_311 = vector.shape_cast %get3A_293 : vector<16xi32> to vector<16xi32>
    tpu.vector_store %arg16[%swap3A_308], %swap3A_311 {strides = array<i32>} : memref<64xi32, #tpu.memory_space<vmem>>, vector<16xi32>,
    %swap3A_312 = arith.constant 16 : index
    %swap3A_313 = tpu.vector_load %arg17[%swap3A_312] {strides = array<i32>} : memref<64xi32, #tpu.memory_space<vmem>>, vector<16xi32>,
    %swap3A_314 = vector.shape_cast %swap3A_313 : vector<16xi32> to vector<16xi32>
    %swap3A_315 = vector.shape_cast %get3A_298 : vector<16xi32> to vector<16xi32>
    tpu.vector_store %arg17[%swap3A_312], %swap3A_315 {strides = array<i32>} : memref<64xi32, #tpu.memory_space<vmem>>, vector<16xi32>,
    %swap3A_316 = arith.constant 16 : index
    %swap3A_317 = tpu.vector_load %arg18[%swap3A_316] {strides = array<i32>} : memref<64xi32, #tpu.memory_space<vmem>>, vector<16xi32>,
    %swap3A_318 = vector.shape_cast %swap3A_317 : vector<16xi32> to vector<16xi32>
    %swap3A_319 = vector.shape_cast %get3A_303 : vector<16xi32> to vector<16xi32>
    tpu.vector_store %arg18[%swap3A_316], %swap3A_319 {strides = array<i32>} : memref<64xi32, #tpu.memory_space<vmem>>, vector<16xi32>,
    %sub3A_320 = arith.subi %get3A_303, %get3A_293 : vector<16xi32>
    %swap3A_321 = arith.constant 16 : index
    %swap3A_322 = tpu.vector_load %arg19[%swap3A_321] {strides = array<i32>} : memref<64xi32, #tpu.memory_space<vmem>>, vector<16xi32>,
    %swap3A_323 = vector.shape_cast %swap3A_322 : vector<16xi32> to vector<16xi32>
    %swap3A_324 = vector.shape_cast %sub3A_320 : vector<16xi32> to vector<16xi32>
    tpu.vector_store %arg19[%swap3A_321], %swap3A_324 {strides = array<i32>} : memref<64xi32, #tpu.memory_space<vmem>>, vector<16xi32>,
    %sub3A_325 = arith.subi %get3A_298, %get3A_288 : vector<16xi32>
    %swap3A_326 = arith.constant 16 : index
    %swap3A_327 = tpu.vector_load %arg20[%swap3A_326] {strides = array<i32>} : memref<64xi32, #tpu.memory_space<vmem>>, vector<16xi32>,
    %swap3A_328 = vector.shape_cast %swap3A_327 : vector<16xi32> to vector<16xi32>
    %swap3A_329 = vector.shape_cast %sub3A_325 : vector<16xi32> to vector<16xi32>
    tpu.vector_store %arg20[%swap3A_326], %swap3A_329 {strides = array<i32>} : memref<64xi32, #tpu.memory_space<vmem>>, vector<16xi32>,
    %get3A_330 = arith.constant 0 : i32
    %get3A_331 = arith.index_cast %get3A_330 : i32 to index
    %get3A_332 = arith.constant 96 : index
    %get3A_333 = tpu.vector_load %arg8[%get3A_331, %get3A_332] {strides = array<i32>} : memref<4x128xi32, #tpu.memory_space<vmem>>, vector<1x16xi32>,
    %get3A_334 = vector.shape_cast %get3A_333 : vector<1x16xi32> to vector<16xi32>
    %get3A_335 = arith.constant 1 : i32
    %get3A_336 = arith.index_cast %get3A_335 : i32 to index
    %get3A_337 = arith.constant 96 : index
    %get3A_338 = tpu.vector_load %arg8[%get3A_336, %get3A_337] {strides = array<i32>} : memref<4x128xi32, #tpu.memory_space<vmem>>, vector<1x16xi32>,
    %get3A_339 = vector.shape_cast %get3A_338 : vector<1x16xi32> to vector<16xi32>
    %get3A_340 = arith.constant 2 : i32
    %get3A_341 = arith.index_cast %get3A_340 : i32 to index
    %get3A_342 = arith.constant 96 : index
    %get3A_343 = tpu.vector_load %arg8[%get3A_341, %get3A_342] {strides = array<i32>} : memref<4x128xi32, #tpu.memory_space<vmem>>, vector<1x16xi32>,
    %get3A_344 = vector.shape_cast %get3A_343 : vector<1x16xi32> to vector<16xi32>
    %get3A_345 = arith.constant 3 : i32
    %get3A_346 = arith.index_cast %get3A_345 : i32 to index
    %get3A_347 = arith.constant 96 : index
    %get3A_348 = tpu.vector_load %arg8[%get3A_346, %get3A_347] {strides = array<i32>} : memref<4x128xi32, #tpu.memory_space<vmem>>, vector<1x16xi32>,
    %get3A_349 = vector.shape_cast %get3A_348 : vector<1x16xi32> to vector<16xi32>
    %swap3A_350 = arith.constant 32 : index
    %swap3A_351 = tpu.vector_load %arg15[%swap3A_350] {strides = array<i32>} : memref<64xi32, #tpu.memory_space<vmem>>, vector<16xi32>,
    %swap3A_352 = vector.shape_cast %swap3A_351 : vector<16xi32> to vector<16xi32>
    %swap3A_353 = vector.shape_cast %get3A_334 : vector<16xi32> to vector<16xi32>
    tpu.vector_store %arg15[%swap3A_350], %swap3A_353 {strides = array<i32>} : memref<64xi32, #tpu.memory_space<vmem>>, vector<16xi32>,
    %swap3A_354 = arith.constant 32 : index
    %swap3A_355 = tpu.vector_load %arg16[%swap3A_354] {strides = array<i32>} : memref<64xi32, #tpu.memory_space<vmem>>, vector<16xi32>,
    %swap3A_356 = vector.shape_cast %swap3A_355 : vector<16xi32> to vector<16xi32>
    %swap3A_357 = vector.shape_cast %get3A_339 : vector<16xi32> to vector<16xi32>
    tpu.vector_store %arg16[%swap3A_354], %swap3A_357 {strides = array<i32>} : memref<64xi32, #tpu.memory_space<vmem>>, vector<16xi32>,
    %swap3A_358 = arith.constant 32 : index
    %swap3A_359 = tpu.vector_load %arg17[%swap3A_358] {strides = array<i32>} : memref<64xi32, #tpu.memory_space<vmem>>, vector<16xi32>,
    %swap3A_360 = vector.shape_cast %swap3A_359 : vector<16xi32> to vector<16xi32>
    %swap3A_361 = vector.shape_cast %get3A_344 : vector<16xi32> to vector<16xi32>
    tpu.vector_store %arg17[%swap3A_358], %swap3A_361 {strides = array<i32>} : memref<64xi32, #tpu.memory_space<vmem>>, vector<16xi32>,
    %swap3A_362 = arith.constant 32 : index
    %swap3A_363 = tpu.vector_load %arg18[%swap3A_362] {strides = array<i32>} : memref<64xi32, #tpu.memory_space<vmem>>, vector<16xi32>,
    %swap3A_364 = vector.shape_cast %swap3A_363 : vector<16xi32> to vector<16xi32>
    %swap3A_365 = vector.shape_cast %get3A_349 : vector<16xi32> to vector<16xi32>
    tpu.vector_store %arg18[%swap3A_362], %swap3A_365 {strides = array<i32>} : memref<64xi32, #tpu.memory_space<vmem>>, vector<16xi32>,
    %sub3A_366 = arith.subi %get3A_349, %get3A_339 : vector<16xi32>
    %swap3A_367 = arith.constant 32 : index
    %swap3A_368 = tpu.vector_load %arg19[%swap3A_367] {strides = array<i32>} : memref<64xi32, #tpu.memory_space<vmem>>, vector<16xi32>,
    %swap3A_369 = vector.shape_cast %swap3A_368 : vector<16xi32> to vector<16xi32>
    %swap3A_370 = vector.shape_cast %sub3A_366 : vector<16xi32> to vector<16xi32>
    tpu.vector_store %arg19[%swap3A_367], %swap3A_370 {strides = array<i32>} : memref<64xi32, #tpu.memory_space<vmem>>, vector<16xi32>,
    %sub3A_371 = arith.subi %get3A_344, %get3A_334 : vector<16xi32>
    %swap3A_372 = arith.constant 32 : index
    %swap3A_373 = tpu.vector_load %arg20[%swap3A_372] {strides = array<i32>} : memref<64xi32, #tpu.memory_space<vmem>>, vector<16xi32>,
    %swap3A_374 = vector.shape_cast %swap3A_373 : vector<16xi32> to vector<16xi32>
    %swap3A_375 = vector.shape_cast %sub3A_371 : vector<16xi32> to vector<16xi32>
    tpu.vector_store %arg20[%swap3A_372], %swap3A_375 {strides = array<i32>} : memref<64xi32, #tpu.memory_space<vmem>>, vector<16xi32>,
    %get3A_376 = arith.constant 0 : i32
    %get3A_377 = arith.index_cast %get3A_376 : i32 to index
    %get3A_378 = arith.constant 112 : index
    %get3A_379 = tpu.vector_load %arg8[%get3A_377, %get3A_378] {strides = array<i32>} : memref<4x128xi32, #tpu.memory_space<vmem>>, vector<1x16xi32>,
    %get3A_380 = vector.shape_cast %get3A_379 : vector<1x16xi32> to vector<16xi32>
    %get3A_381 = arith.constant 1 : i32
    %get3A_382 = arith.index_cast %get3A_381 : i32 to index
    %get3A_383 = arith.constant 112 : index
    %get3A_384 = tpu.vector_load %arg8[%get3A_382, %get3A_383] {strides = array<i32>} : memref<4x128xi32, #tpu.memory_space<vmem>>, vector<1x16xi32>,
    %get3A_385 = vector.shape_cast %get3A_384 : vector<1x16xi32> to vector<16xi32>
    %get3A_386 = arith.constant 2 : i32
    %get3A_387 = arith.index_cast %get3A_386 : i32 to index
    %get3A_388 = arith.constant 112 : index
    %get3A_389 = tpu.vector_load %arg8[%get3A_387, %get3A_388] {strides = array<i32>} : memref<4x128xi32, #tpu.memory_space<vmem>>, vector<1x16xi32>,
    %get3A_390 = vector.shape_cast %get3A_389 : vector<1x16xi32> to vector<16xi32>
    %get3A_391 = arith.constant 3 : i32
    %get3A_392 = arith.index_cast %get3A_391 : i32 to index
    %get3A_393 = arith.constant 112 : index
    %get3A_394 = tpu.vector_load %arg8[%get3A_392, %get3A_393] {strides = array<i32>} : memref<4x128xi32, #tpu.memory_space<vmem>>, vector<1x16xi32>,
    %get3A_395 = vector.shape_cast %get3A_394 : vector<1x16xi32> to vector<16xi32>
    %swap3A_396 = arith.constant 48 : index
    %swap3A_397 = tpu.vector_load %arg15[%swap3A_396] {strides = array<i32>} : memref<64xi32, #tpu.memory_space<vmem>>, vector<16xi32>,
    %swap3A_398 = vector.shape_cast %swap3A_397 : vector<16xi32> to vector<16xi32>
    %swap3A_399 = vector.shape_cast %get3A_380 : vector<16xi32> to vector<16xi32>
    tpu.vector_store %arg15[%swap3A_396], %swap3A_399 {strides = array<i32>} : memref<64xi32, #tpu.memory_space<vmem>>, vector<16xi32>,
    %swap3A_400 = arith.constant 48 : index
    %swap3A_401 = tpu.vector_load %arg16[%swap3A_400] {strides = array<i32>} : memref<64xi32, #tpu.memory_space<vmem>>, vector<16xi32>,
    %swap3A_402 = vector.shape_cast %swap3A_401 : vector<16xi32> to vector<16xi32>
    %swap3A_403 = vector.shape_cast %get3A_385 : vector<16xi32> to vector<16xi32>
    tpu.vector_store %arg16[%swap3A_400], %swap3A_403 {strides = array<i32>} : memref<64xi32, #tpu.memory_space<vmem>>, vector<16xi32>,
    %swap3A_404 = arith.constant 48 : index
    %swap3A_405 = tpu.vector_load %arg17[%swap3A_404] {strides = array<i32>} : memref<64xi32, #tpu.memory_space<vmem>>, vector<16xi32>,
    %swap3A_406 = vector.shape_cast %swap3A_405 : vector<16xi32> to vector<16xi32>
    %swap3A_407 = vector.shape_cast %get3A_390 : vector<16xi32> to vector<16xi32>
    tpu.vector_store %arg17[%swap3A_404], %swap3A_407 {strides = array<i32>} : memref<64xi32, #tpu.memory_space<vmem>>, vector<16xi32>,
    %swap3A_408 = arith.constant 48 : index
    %swap3A_409 = tpu.vector_load %arg18[%swap3A_408] {strides = array<i32>} : memref<64xi32, #tpu.memory_space<vmem>>, vector<16xi32>,
    %swap3A_410 = vector.shape_cast %swap3A_409 : vector<16xi32> to vector<16xi32>
    %swap3A_411 = vector.shape_cast %get3A_395 : vector<16xi32> to vector<16xi32>
    tpu.vector_store %arg18[%swap3A_408], %swap3A_411 {strides = array<i32>} : memref<64xi32, #tpu.memory_space<vmem>>, vector<16xi32>,
    %sub3A_412 = arith.subi %get3A_395, %get3A_385 : vector<16xi32>
    %swap3A_413 = arith.constant 48 : index
    %swap3A_414 = tpu.vector_load %arg19[%swap3A_413] {strides = array<i32>} : memref<64xi32, #tpu.memory_space<vmem>>, vector<16xi32>,
    %swap3A_415 = vector.shape_cast %swap3A_414 : vector<16xi32> to vector<16xi32>
    %swap3A_416 = vector.shape_cast %sub3A_412 : vector<16xi32> to vector<16xi32>
    tpu.vector_store %arg19[%swap3A_413], %swap3A_416 {strides = array<i32>} : memref<64xi32, #tpu.memory_space<vmem>>, vector<16xi32>,
    %sub3A_417 = arith.subi %get3A_390, %get3A_380 : vector<16xi32>
    %swap3A_418 = arith.constant 48 : index
    %swap3A_419 = tpu.vector_load %arg20[%swap3A_418] {strides = array<i32>} : memref<64xi32, #tpu.memory_space<vmem>>, vector<16xi32>,
    %swap3A_420 = vector.shape_cast %swap3A_419 : vector<16xi32> to vector<16xi32>
    %swap3A_421 = vector.shape_cast %sub3A_417 : vector<16xi32> to vector<16xi32>
    tpu.vector_store %arg20[%swap3A_418], %swap3A_421 {strides = array<i32>} : memref<64xi32, #tpu.memory_space<vmem>>, vector<16xi32>,
    %dma_start3A_422 = arith.constant 0 : i32
    %dma_start3A_423 = arith.constant 0 : i32
    %dma_start3A_424 = tpu.memref_slice %arg6[%dma_start3A_422, %dma_start3A_423] : memref<1024x128xf32, #tpu.memory_space<hbm>> -> memref<1024x128xf32, #tpu.memory_space<hbm>>
    tpu.enqueue_indirect_dma source(%dma_start3A_424 : memref<1024x128xf32, #tpu.memory_space<hbm>>) target(%arg32 : memref<64x128xf32, #tpu.memory_space<vmem>>) offsets(%arg20 : memref<64xi32, #tpu.memory_space<vmem>>) semaphore(%arg34 : memref<!tpu.dma_semaphore, #tpu.memory_space<semaphore_mem>>)
    %dma_start3A_425 = arith.constant 0 : i32
    %dma_start3A_426 = arith.constant 0 : i32
    %dma_start3A_427 = tpu.memref_slice %arg4[%dma_start3A_425, %dma_start3A_426] : memref<1024x128xf32, #tpu.memory_space<hbm>> -> memref<1024x128xf32, #tpu.memory_space<hbm>>
    tpu.enqueue_indirect_dma source(%dma_start3A_427 : memref<1024x128xf32, #tpu.memory_space<hbm>>) target(%arg30 : memref<64x128xf32, #tpu.memory_space<vmem>>) offsets(%arg18 : memref<64xi32, #tpu.memory_space<vmem>>) semaphore(%arg34 : memref<!tpu.dma_semaphore, #tpu.memory_space<semaphore_mem>>)
    "tpu.region"() ({
      %run_scoped3A = tpu.sem_alloc : memref<!tpu.dma_semaphore, #tpu.memory_space<semaphore_mem>>
      %dma_start3A_548 = arith.constant 0 : i32
      %dma_start3A_549 = arith.constant 0 : i32
      %dma_start3A_550 = tpu.memref_slice %arg37[%dma_start3A_548, %dma_start3A_549] : memref<1024x128xf32, #tpu.memory_space<vmem_shared>> -> memref<1024x128xf32, #tpu.memory_space<vmem_shared>>
      tpu.enqueue_indirect_dma source(%dma_start3A_550 : memref<1024x128xf32, #tpu.memory_space<vmem_shared>>) target(%arg27 : memref<64x128xf32, #tpu.memory_space<vmem>>) offsets(%arg15 : memref<64xi32, #tpu.memory_space<vmem>>) semaphore(%run_scoped3A : memref<!tpu.dma_semaphore, #tpu.memory_space<semaphore_mem>>)
      %dma_wait3A_551 = arith.constant 0 : i32
      %dma_wait3A_552 = arith.constant 0 : i32
      %dma_wait3A_553 = tpu.memref_slice %arg37[%dma_wait3A_551, %dma_wait3A_552] : memref<1024x128xf32, #tpu.memory_space<vmem_shared>> -> memref<1024x128xf32, #tpu.memory_space<vmem_shared>>
      tpu.wait_indirect_dma semaphore(%run_scoped3A : memref<!tpu.dma_semaphore, #tpu.memory_space<semaphore_mem>>) src(%dma_wait3A_553 : memref<1024x128xf32, #tpu.memory_space<vmem_shared>>) dst(%arg27 : memref<64x128xf32, #tpu.memory_space<vmem>>)
      tpu.yield
    }) : () -> ()
    %add3A_428 = arith.constant 64 : i32
    %add3A_429 = arith.addi %mul3A_2, %add3A_428 : i32
    %dma_start3A_430 = arith.constant 0 : i32
    %dma_start3A_431 = tpu.memref_slice %arg7[%add3A_429, %dma_start3A_430] : memref<204800x768xf32, #tpu.memory_space<hbm>> -> memref<64x128xf32, #tpu.memory_space<hbm>>
    %dma_start3A_432 = arith.constant 0 : i32
    %dma_start3A_433 = tpu.memref_slice %arg7[%add3A_429, %dma_start3A_432] : memref<204800x768xf32, #tpu.memory_space<hbm>> -> memref<64x128xf32, #tpu.memory_space<hbm>>
    tpu.enqueue_dma source(%arg27 : memref<64x128xf32, #tpu.memory_space<vmem>>) target(%dma_start3A_433 : memref<64x128xf32, #tpu.memory_space<hbm>>) target_semaphore(%arg36 : memref<!tpu.dma_semaphore, #tpu.memory_space<semaphore_mem>>)
    "tpu.region"() ({
      %run_scoped3A = tpu.sem_alloc : memref<!tpu.dma_semaphore, #tpu.memory_space<semaphore_mem>>
      %dma_start3A_548 = arith.constant 0 : i32
      %dma_start3A_549 = arith.constant 0 : i32
      %dma_start3A_550 = tpu.memref_slice %arg38[%dma_start3A_548, %dma_start3A_549] : memref<1024x128xf32, #tpu.memory_space<vmem_shared>> -> memref<1024x128xf32, #tpu.memory_space<vmem_shared>>
      tpu.enqueue_indirect_dma source(%dma_start3A_550 : memref<1024x128xf32, #tpu.memory_space<vmem_shared>>) target(%arg28 : memref<64x128xf32, #tpu.memory_space<vmem>>) offsets(%arg16 : memref<64xi32, #tpu.memory_space<vmem>>) semaphore(%run_scoped3A : memref<!tpu.dma_semaphore, #tpu.memory_space<semaphore_mem>>)
      %dma_wait3A_551 = arith.constant 0 : i32
      %dma_wait3A_552 = arith.constant 0 : i32
      %dma_wait3A_553 = tpu.memref_slice %arg38[%dma_wait3A_551, %dma_wait3A_552] : memref<1024x128xf32, #tpu.memory_space<vmem_shared>> -> memref<1024x128xf32, #tpu.memory_space<vmem_shared>>
      tpu.wait_indirect_dma semaphore(%run_scoped3A : memref<!tpu.dma_semaphore, #tpu.memory_space<semaphore_mem>>) src(%dma_wait3A_553 : memref<1024x128xf32, #tpu.memory_space<vmem_shared>>) dst(%arg28 : memref<64x128xf32, #tpu.memory_space<vmem>>)
      tpu.yield
    }) : () -> ()
    %add3A_434 = arith.constant 64 : i32
    %add3A_435 = arith.addi %mul3A_2, %add3A_434 : i32
    %dma_start3A_436 = arith.constant 128 : i32
    %dma_start3A_437 = tpu.memref_slice %arg7[%add3A_435, %dma_start3A_436] : memref<204800x768xf32, #tpu.memory_space<hbm>> -> memref<64x128xf32, #tpu.memory_space<hbm>>
    %dma_start3A_438 = arith.constant 128 : i32
    %dma_start3A_439 = tpu.memref_slice %arg7[%add3A_435, %dma_start3A_438] : memref<204800x768xf32, #tpu.memory_space<hbm>> -> memref<64x128xf32, #tpu.memory_space<hbm>>
    tpu.enqueue_dma source(%arg28 : memref<64x128xf32, #tpu.memory_space<vmem>>) target(%dma_start3A_439 : memref<64x128xf32, #tpu.memory_space<hbm>>) target_semaphore(%arg36 : memref<!tpu.dma_semaphore, #tpu.memory_space<semaphore_mem>>)
    "tpu.region"() ({
      %run_scoped3A = tpu.sem_alloc : memref<!tpu.dma_semaphore, #tpu.memory_space<semaphore_mem>>
      %dma_start3A_548 = arith.constant 0 : i32
      %dma_start3A_549 = arith.constant 0 : i32
      %dma_start3A_550 = tpu.memref_slice %arg37[%dma_start3A_548, %dma_start3A_549] : memref<1024x128xf32, #tpu.memory_space<vmem_shared>> -> memref<1024x128xf32, #tpu.memory_space<vmem_shared>>
      tpu.enqueue_indirect_dma source(%dma_start3A_550 : memref<1024x128xf32, #tpu.memory_space<vmem_shared>>) target(%arg29 : memref<64x128xf32, #tpu.memory_space<vmem>>) offsets(%arg17 : memref<64xi32, #tpu.memory_space<vmem>>) semaphore(%run_scoped3A : memref<!tpu.dma_semaphore, #tpu.memory_space<semaphore_mem>>)
      %dma_wait3A_551 = arith.constant 0 : i32
      %dma_wait3A_552 = arith.constant 0 : i32
      %dma_wait3A_553 = tpu.memref_slice %arg37[%dma_wait3A_551, %dma_wait3A_552] : memref<1024x128xf32, #tpu.memory_space<vmem_shared>> -> memref<1024x128xf32, #tpu.memory_space<vmem_shared>>
      tpu.wait_indirect_dma semaphore(%run_scoped3A : memref<!tpu.dma_semaphore, #tpu.memory_space<semaphore_mem>>) src(%dma_wait3A_553 : memref<1024x128xf32, #tpu.memory_space<vmem_shared>>) dst(%arg29 : memref<64x128xf32, #tpu.memory_space<vmem>>)
      tpu.yield
    }) : () -> ()
    %add3A_440 = arith.constant 64 : i32
    %add3A_441 = arith.addi %mul3A_2, %add3A_440 : i32
    %dma_start3A_442 = arith.constant 256 : i32
    %dma_start3A_443 = tpu.memref_slice %arg7[%add3A_441, %dma_start3A_442] : memref<204800x768xf32, #tpu.memory_space<hbm>> -> memref<64x128xf32, #tpu.memory_space<hbm>>
    %dma_start3A_444 = arith.constant 256 : i32
    %dma_start3A_445 = tpu.memref_slice %arg7[%add3A_441, %dma_start3A_444] : memref<204800x768xf32, #tpu.memory_space<hbm>> -> memref<64x128xf32, #tpu.memory_space<hbm>>
    tpu.enqueue_dma source(%arg29 : memref<64x128xf32, #tpu.memory_space<vmem>>) target(%dma_start3A_445 : memref<64x128xf32, #tpu.memory_space<hbm>>) target_semaphore(%arg36 : memref<!tpu.dma_semaphore, #tpu.memory_space<semaphore_mem>>)
    "tpu.region"() ({
      %run_scoped3A = tpu.sem_alloc : memref<!tpu.dma_semaphore, #tpu.memory_space<semaphore_mem>>
      %dma_start3A_548 = arith.constant 0 : i32
      %dma_start3A_549 = arith.constant 0 : i32
      %dma_start3A_550 = tpu.memref_slice %arg39[%dma_start3A_548, %dma_start3A_549] : memref<1024x128xf32, #tpu.memory_space<vmem_shared>> -> memref<1024x128xf32, #tpu.memory_space<vmem_shared>>
      tpu.enqueue_indirect_dma source(%dma_start3A_550 : memref<1024x128xf32, #tpu.memory_space<vmem_shared>>) target(%arg31 : memref<64x128xf32, #tpu.memory_space<vmem>>) offsets(%arg19 : memref<64xi32, #tpu.memory_space<vmem>>) semaphore(%run_scoped3A : memref<!tpu.dma_semaphore, #tpu.memory_space<semaphore_mem>>)
      %dma_wait3A_551 = arith.constant 0 : i32
      %dma_wait3A_552 = arith.constant 0 : i32
      %dma_wait3A_553 = tpu.memref_slice %arg39[%dma_wait3A_551, %dma_wait3A_552] : memref<1024x128xf32, #tpu.memory_space<vmem_shared>> -> memref<1024x128xf32, #tpu.memory_space<vmem_shared>>
      tpu.wait_indirect_dma semaphore(%run_scoped3A : memref<!tpu.dma_semaphore, #tpu.memory_space<semaphore_mem>>) src(%dma_wait3A_553 : memref<1024x128xf32, #tpu.memory_space<vmem_shared>>) dst(%arg31 : memref<64x128xf32, #tpu.memory_space<vmem>>)
      tpu.yield
    }) : () -> ()
    %add3A_446 = arith.constant 64 : i32
    %add3A_447 = arith.addi %mul3A_2, %add3A_446 : i32
    %dma_start3A_448 = arith.constant 512 : i32
    %dma_start3A_449 = tpu.memref_slice %arg7[%add3A_447, %dma_start3A_448] : memref<204800x768xf32, #tpu.memory_space<hbm>> -> memref<64x128xf32, #tpu.memory_space<hbm>>
    %dma_start3A_450 = arith.constant 512 : i32
    %dma_start3A_451 = tpu.memref_slice %arg7[%add3A_447, %dma_start3A_450] : memref<204800x768xf32, #tpu.memory_space<hbm>> -> memref<64x128xf32, #tpu.memory_space<hbm>>
    tpu.enqueue_dma source(%arg31 : memref<64x128xf32, #tpu.memory_space<vmem>>) target(%dma_start3A_451 : memref<64x128xf32, #tpu.memory_space<hbm>>) target_semaphore(%arg36 : memref<!tpu.dma_semaphore, #tpu.memory_space<semaphore_mem>>)
    %dma_wait3A_452 = arith.constant 0 : i32
    %dma_wait3A_453 = arith.constant 0 : i32
    %dma_wait3A_454 = tpu.memref_slice %arg4[%dma_wait3A_452, %dma_wait3A_453] : memref<1024x128xf32, #tpu.memory_space<hbm>> -> memref<1024x128xf32, #tpu.memory_space<hbm>>
    tpu.wait_indirect_dma semaphore(%arg34 : memref<!tpu.dma_semaphore, #tpu.memory_space<semaphore_mem>>) src(%dma_wait3A_454 : memref<1024x128xf32, #tpu.memory_space<hbm>>) dst(%arg30 : memref<64x128xf32, #tpu.memory_space<vmem>>)
    %add3A_455 = arith.constant 64 : i32
    %add3A_456 = arith.addi %mul3A_2, %add3A_455 : i32
    %dma_start3A_457 = arith.constant 384 : i32
    %dma_start3A_458 = tpu.memref_slice %arg7[%add3A_456, %dma_start3A_457] : memref<204800x768xf32, #tpu.memory_space<hbm>> -> memref<64x128xf32, #tpu.memory_space<hbm>>
    %dma_start3A_459 = arith.constant 384 : i32
    %dma_start3A_460 = tpu.memref_slice %arg7[%add3A_456, %dma_start3A_459] : memref<204800x768xf32, #tpu.memory_space<hbm>> -> memref<64x128xf32, #tpu.memory_space<hbm>>
    tpu.enqueue_dma source(%arg30 : memref<64x128xf32, #tpu.memory_space<vmem>>) target(%dma_start3A_460 : memref<64x128xf32, #tpu.memory_space<hbm>>) target_semaphore(%arg36 : memref<!tpu.dma_semaphore, #tpu.memory_space<semaphore_mem>>)
    %dma_wait3A_461 = arith.constant 0 : i32
    %dma_wait3A_462 = arith.constant 0 : i32
    %dma_wait3A_463 = tpu.memref_slice %arg6[%dma_wait3A_461, %dma_wait3A_462] : memref<1024x128xf32, #tpu.memory_space<hbm>> -> memref<1024x128xf32, #tpu.memory_space<hbm>>
    tpu.wait_indirect_dma semaphore(%arg34 : memref<!tpu.dma_semaphore, #tpu.memory_space<semaphore_mem>>) src(%dma_wait3A_463 : memref<1024x128xf32, #tpu.memory_space<hbm>>) dst(%arg32 : memref<64x128xf32, #tpu.memory_space<vmem>>)
    %add3A_464 = arith.constant 64 : i32
    %add3A_465 = arith.addi %mul3A_2, %add3A_464 : i32
    %dma_start3A_466 = arith.constant 640 : i32
    %dma_start3A_467 = tpu.memref_slice %arg7[%add3A_465, %dma_start3A_466] : memref<204800x768xf32, #tpu.memory_space<hbm>> -> memref<64x128xf32, #tpu.memory_space<hbm>>
    %dma_start3A_468 = arith.constant 640 : i32
    %dma_start3A_469 = tpu.memref_slice %arg7[%add3A_465, %dma_start3A_468] : memref<204800x768xf32, #tpu.memory_space<hbm>> -> memref<64x128xf32, #tpu.memory_space<hbm>>
    tpu.enqueue_dma source(%arg32 : memref<64x128xf32, #tpu.memory_space<vmem>>) target(%dma_start3A_469 : memref<64x128xf32, #tpu.memory_space<hbm>>) target_semaphore(%arg36 : memref<!tpu.dma_semaphore, #tpu.memory_space<semaphore_mem>>)
    %scan3A = arith.constant 0 : i32
    %scan3A_470 = arith.constant 1 : i32
    %scan3A_471 = arith.constant 49 : i32
    %scan3A_472 = arith.addi %scan3A_470, %scan3A_471 : i32
    %scan3A_473 = arith.constant 1 : i32
    %scan3A_474 = scf.for %scan3A_548 = %scan3A_470 to %scan3A_472 step %scan3A_473 iter_args(%scan3A_549 = %scan3A) -> (i32)  : i32 {
      %mul3A_550 = arith.constant 2 : i32
      %mul3A_551 = arith.muli %mul3A_550, %scan3A_548 : i32
      %sub3A_552 = arith.constant 2 : i32
      %sub3A_553 = arith.subi %mul3A_551, %sub3A_552 : i32
      %mul3A_554 = arith.constant 64 : i32
      %mul3A_555 = arith.muli %sub3A_553, %mul3A_554 : i32
      %add3A_556 = arith.addi %mul3A_2, %mul3A_555 : i32
      %dma_wait3A_557 = arith.constant 0 : i32
      %dma_wait3A_558 = tpu.memref_slice %arg7[%add3A_556, %dma_wait3A_557] : memref<204800x768xf32, #tpu.memory_space<hbm>> -> memref<64x128xf32, #tpu.memory_space<hbm>>
      %dma_wait3A_559 = arith.constant 0 : i32
      %dma_wait3A_560 = tpu.memref_slice %arg7[%add3A_556, %dma_wait3A_559] : memref<204800x768xf32, #tpu.memory_space<hbm>> -> memref<64x128xf32, #tpu.memory_space<hbm>>
      tpu.wait_dma2 semaphore(%arg35 : memref<!tpu.dma_semaphore, #tpu.memory_space<semaphore_mem>>) src(%arg21 : memref<64x128xf32, #tpu.memory_space<vmem>>) dst(%dma_wait3A_560 : memref<64x128xf32, #tpu.memory_space<hbm>>)
      %mul3A_561 = arith.constant 64 : i32
      %mul3A_562 = arith.muli %sub3A_553, %mul3A_561 : i32
      %add3A_563 = arith.addi %mul3A_2, %mul3A_562 : i32
      %dma_wait3A_564 = arith.constant 128 : i32
      %dma_wait3A_565 = tpu.memref_slice %arg7[%add3A_563, %dma_wait3A_564] : memref<204800x768xf32, #tpu.memory_space<hbm>> -> memref<64x128xf32, #tpu.memory_space<hbm>>
      %dma_wait3A_566 = arith.constant 128 : i32
      %dma_wait3A_567 = tpu.memref_slice %arg7[%add3A_563, %dma_wait3A_566] : memref<204800x768xf32, #tpu.memory_space<hbm>> -> memref<64x128xf32, #tpu.memory_space<hbm>>
      tpu.wait_dma2 semaphore(%arg35 : memref<!tpu.dma_semaphore, #tpu.memory_space<semaphore_mem>>) src(%arg22 : memref<64x128xf32, #tpu.memory_space<vmem>>) dst(%dma_wait3A_567 : memref<64x128xf32, #tpu.memory_space<hbm>>)
      %mul3A_568 = arith.constant 64 : i32
      %mul3A_569 = arith.muli %sub3A_553, %mul3A_568 : i32
      %add3A_570 = arith.addi %mul3A_2, %mul3A_569 : i32
      %dma_wait3A_571 = arith.constant 256 : i32
      %dma_wait3A_572 = tpu.memref_slice %arg7[%add3A_570, %dma_wait3A_571] : memref<204800x768xf32, #tpu.memory_space<hbm>> -> memref<64x128xf32, #tpu.memory_space<hbm>>
      %dma_wait3A_573 = arith.constant 256 : i32
      %dma_wait3A_574 = tpu.memref_slice %arg7[%add3A_570, %dma_wait3A_573] : memref<204800x768xf32, #tpu.memory_space<hbm>> -> memref<64x128xf32, #tpu.memory_space<hbm>>
      tpu.wait_dma2 semaphore(%arg35 : memref<!tpu.dma_semaphore, #tpu.memory_space<semaphore_mem>>) src(%arg23 : memref<64x128xf32, #tpu.memory_space<vmem>>) dst(%dma_wait3A_574 : memref<64x128xf32, #tpu.memory_space<hbm>>)
      %mul3A_575 = arith.constant 64 : i32
      %mul3A_576 = arith.muli %sub3A_553, %mul3A_575 : i32
      %add3A_577 = arith.addi %mul3A_2, %mul3A_576 : i32
      %dma_wait3A_578 = arith.constant 384 : i32
      %dma_wait3A_579 = tpu.memref_slice %arg7[%add3A_577, %dma_wait3A_578] : memref<204800x768xf32, #tpu.memory_space<hbm>> -> memref<64x128xf32, #tpu.memory_space<hbm>>
      %dma_wait3A_580 = arith.constant 384 : i32
      %dma_wait3A_581 = tpu.memref_slice %arg7[%add3A_577, %dma_wait3A_580] : memref<204800x768xf32, #tpu.memory_space<hbm>> -> memref<64x128xf32, #tpu.memory_space<hbm>>
      tpu.wait_dma2 semaphore(%arg35 : memref<!tpu.dma_semaphore, #tpu.memory_space<semaphore_mem>>) src(%arg24 : memref<64x128xf32, #tpu.memory_space<vmem>>) dst(%dma_wait3A_581 : memref<64x128xf32, #tpu.memory_space<hbm>>)
      %mul3A_582 = arith.constant 64 : i32
      %mul3A_583 = arith.muli %sub3A_553, %mul3A_582 : i32
      %add3A_584 = arith.addi %mul3A_2, %mul3A_583 : i32
      %dma_wait3A_585 = arith.constant 512 : i32
      %dma_wait3A_586 = tpu.memref_slice %arg7[%add3A_584, %dma_wait3A_585] : memref<204800x768xf32, #tpu.memory_space<hbm>> -> memref<64x128xf32, #tpu.memory_space<hbm>>
      %dma_wait3A_587 = arith.constant 512 : i32
      %dma_wait3A_588 = tpu.memref_slice %arg7[%add3A_584, %dma_wait3A_587] : memref<204800x768xf32, #tpu.memory_space<hbm>> -> memref<64x128xf32, #tpu.memory_space<hbm>>
      tpu.wait_dma2 semaphore(%arg35 : memref<!tpu.dma_semaphore, #tpu.memory_space<semaphore_mem>>) src(%arg25 : memref<64x128xf32, #tpu.memory_space<vmem>>) dst(%dma_wait3A_588 : memref<64x128xf32, #tpu.memory_space<hbm>>)
      %mul3A_589 = arith.constant 64 : i32
      %mul3A_590 = arith.muli %sub3A_553, %mul3A_589 : i32
      %add3A_591 = arith.addi %mul3A_2, %mul3A_590 : i32
      %dma_wait3A_592 = arith.constant 640 : i32
      %dma_wait3A_593 = tpu.memref_slice %arg7[%add3A_591, %dma_wait3A_592] : memref<204800x768xf32, #tpu.memory_space<hbm>> -> memref<64x128xf32, #tpu.memory_space<hbm>>
      %dma_wait3A_594 = arith.constant 640 : i32
      %dma_wait3A_595 = tpu.memref_slice %arg7[%add3A_591, %dma_wait3A_594] : memref<204800x768xf32, #tpu.memory_space<hbm>> -> memref<64x128xf32, #tpu.memory_space<hbm>>
      tpu.wait_dma2 semaphore(%arg35 : memref<!tpu.dma_semaphore, #tpu.memory_space<semaphore_mem>>) src(%arg26 : memref<64x128xf32, #tpu.memory_space<vmem>>) dst(%dma_wait3A_595 : memref<64x128xf32, #tpu.memory_space<hbm>>)
      %mul3A_596 = arith.constant 64 : i32
      %mul3A_597 = arith.muli %mul3A_551, %mul3A_596 : i32
      %add3A_598 = arith.addi %mul3A_2, %mul3A_597 : i32
      "tpu.region"() ({
        %run_scoped3A = tpu.sem_alloc : memref<!tpu.dma_semaphore, #tpu.memory_space<semaphore_mem>>
        %dma_start3A_1124 = arith.constant 0 : i32
        %dma_start3A_1125 = tpu.memref_slice %arg2[%dma_start3A_1124, %add3A_598] : memref<4x204800xi32, #tpu.memory_space<hbm>> -> memref<4x128xi32, #tpu.memory_space<hbm>>
        %dma_start3A_1126 = arith.constant 0 : i32
        %dma_start3A_1127 = tpu.memref_slice %arg2[%dma_start3A_1126, %add3A_598] : memref<4x204800xi32, #tpu.memory_space<hbm>> -> memref<4x128xi32, #tpu.memory_space<hbm>>
        tpu.enqueue_dma source(%dma_start3A_1127 : memref<4x128xi32, #tpu.memory_space<hbm>>) target(%arg8 : memref<4x128xi32, #tpu.memory_space<vmem>>) target_semaphore(%run_scoped3A : memref<!tpu.dma_semaphore, #tpu.memory_space<semaphore_mem>>)
        %dma_wait3A_1128 = arith.constant 0 : i32
        %dma_wait3A_1129 = tpu.memref_slice %arg2[%dma_wait3A_1128, %add3A_598] : memref<4x204800xi32, #tpu.memory_space<hbm>> -> memref<4x128xi32, #tpu.memory_space<hbm>>
        %dma_wait3A_1130 = arith.constant 0 : i32
        %dma_wait3A_1131 = tpu.memref_slice %arg2[%dma_wait3A_1130, %add3A_598] : memref<4x204800xi32, #tpu.memory_space<hbm>> -> memref<4x128xi32, #tpu.memory_space<hbm>>
        tpu.wait_dma2 semaphore(%run_scoped3A : memref<!tpu.dma_semaphore, #tpu.memory_space<semaphore_mem>>) src(%dma_wait3A_1131 : memref<4x128xi32, #tpu.memory_space<hbm>>) dst(%arg8 : memref<4x128xi32, #tpu.memory_space<vmem>>)
        tpu.yield
      }) : () -> ()
      %get3A_599 = arith.constant 0 : i32
      %get3A_600 = arith.index_cast %get3A_599 : i32 to index
      %get3A_601 = arith.constant 0 : index
      %get3A_602 = tpu.vector_load %arg8[%get3A_600, %get3A_601] {strides = array<i32>} : memref<4x128xi32, #tpu.memory_space<vmem>>, vector<1x16xi32>,
      %get3A_603 = vector.shape_cast %get3A_602 : vector<1x16xi32> to vector<16xi32>
      %get3A_604 = arith.constant 1 : i32
      %get3A_605 = arith.index_cast %get3A_604 : i32 to index
      %get3A_606 = arith.constant 0 : index
      %get3A_607 = tpu.vector_load %arg8[%get3A_605, %get3A_606] {strides = array<i32>} : memref<4x128xi32, #tpu.memory_space<vmem>>, vector<1x16xi32>,
      %get3A_608 = vector.shape_cast %get3A_607 : vector<1x16xi32> to vector<16xi32>
      %get3A_609 = arith.constant 2 : i32
      %get3A_610 = arith.index_cast %get3A_609 : i32 to index
      %get3A_611 = arith.constant 0 : index
      %get3A_612 = tpu.vector_load %arg8[%get3A_610, %get3A_611] {strides = array<i32>} : memref<4x128xi32, #tpu.memory_space<vmem>>, vector<1x16xi32>,
      %get3A_613 = vector.shape_cast %get3A_612 : vector<1x16xi32> to vector<16xi32>
      %get3A_614 = arith.constant 3 : i32
      %get3A_615 = arith.index_cast %get3A_614 : i32 to index
      %get3A_616 = arith.constant 0 : index
      %get3A_617 = tpu.vector_load %arg8[%get3A_615, %get3A_616] {strides = array<i32>} : memref<4x128xi32, #tpu.memory_space<vmem>>, vector<1x16xi32>,
      %get3A_618 = vector.shape_cast %get3A_617 : vector<1x16xi32> to vector<16xi32>
      %swap3A_619 = arith.constant 0 : index
      %swap3A_620 = tpu.vector_load %arg9[%swap3A_619] {strides = array<i32>} : memref<64xi32, #tpu.memory_space<vmem>>, vector<16xi32>,
      %swap3A_621 = vector.shape_cast %swap3A_620 : vector<16xi32> to vector<16xi32>
      %swap3A_622 = vector.shape_cast %get3A_603 : vector<16xi32> to vector<16xi32>
      tpu.vector_store %arg9[%swap3A_619], %swap3A_622 {strides = array<i32>} : memref<64xi32, #tpu.memory_space<vmem>>, vector<16xi32>,
      %swap3A_623 = arith.constant 0 : index
      %swap3A_624 = tpu.vector_load %arg10[%swap3A_623] {strides = array<i32>} : memref<64xi32, #tpu.memory_space<vmem>>, vector<16xi32>,
      %swap3A_625 = vector.shape_cast %swap3A_624 : vector<16xi32> to vector<16xi32>
      %swap3A_626 = vector.shape_cast %get3A_608 : vector<16xi32> to vector<16xi32>
      tpu.vector_store %arg10[%swap3A_623], %swap3A_626 {strides = array<i32>} : memref<64xi32, #tpu.memory_space<vmem>>, vector<16xi32>,
      %swap3A_627 = arith.constant 0 : index
      %swap3A_628 = tpu.vector_load %arg11[%swap3A_627] {strides = array<i32>} : memref<64xi32, #tpu.memory_space<vmem>>, vector<16xi32>,
      %swap3A_629 = vector.shape_cast %swap3A_628 : vector<16xi32> to vector<16xi32>
      %swap3A_630 = vector.shape_cast %get3A_613 : vector<16xi32> to vector<16xi32>
      tpu.vector_store %arg11[%swap3A_627], %swap3A_630 {strides = array<i32>} : memref<64xi32, #tpu.memory_space<vmem>>, vector<16xi32>,
      %swap3A_631 = arith.constant 0 : index
      %swap3A_632 = tpu.vector_load %arg12[%swap3A_631] {strides = array<i32>} : memref<64xi32, #tpu.memory_space<vmem>>, vector<16xi32>,
      %swap3A_633 = vector.shape_cast %swap3A_632 : vector<16xi32> to vector<16xi32>
      %swap3A_634 = vector.shape_cast %get3A_618 : vector<16xi32> to vector<16xi32>
      tpu.vector_store %arg12[%swap3A_631], %swap3A_634 {strides = array<i32>} : memref<64xi32, #tpu.memory_space<vmem>>, vector<16xi32>,
      %sub3A_635 = arith.subi %get3A_618, %get3A_608 : vector<16xi32>
      %swap3A_636 = arith.constant 0 : index
      %swap3A_637 = tpu.vector_load %arg13[%swap3A_636] {strides = array<i32>} : memref<64xi32, #tpu.memory_space<vmem>>, vector<16xi32>,
      %swap3A_638 = vector.shape_cast %swap3A_637 : vector<16xi32> to vector<16xi32>
      %swap3A_639 = vector.shape_cast %sub3A_635 : vector<16xi32> to vector<16xi32>
      tpu.vector_store %arg13[%swap3A_636], %swap3A_639 {strides = array<i32>} : memref<64xi32, #tpu.memory_space<vmem>>, vector<16xi32>,
      %sub3A_640 = arith.subi %get3A_613, %get3A_603 : vector<16xi32>
      %swap3A_641 = arith.constant 0 : index
      %swap3A_642 = tpu.vector_load %arg14[%swap3A_641] {strides = array<i32>} : memref<64xi32, #tpu.memory_space<vmem>>, vector<16xi32>,
      %swap3A_643 = vector.shape_cast %swap3A_642 : vector<16xi32> to vector<16xi32>
      %swap3A_644 = vector.shape_cast %sub3A_640 : vector<16xi32> to vector<16xi32>
      tpu.vector_store %arg14[%swap3A_641], %swap3A_644 {strides = array<i32>} : memref<64xi32, #tpu.memory_space<vmem>>, vector<16xi32>,
      %get3A_645 = arith.constant 0 : i32
      %get3A_646 = arith.index_cast %get3A_645 : i32 to index
      %get3A_647 = arith.constant 16 : index
      %get3A_648 = tpu.vector_load %arg8[%get3A_646, %get3A_647] {strides = array<i32>} : memref<4x128xi32, #tpu.memory_space<vmem>>, vector<1x16xi32>,
      %get3A_649 = vector.shape_cast %get3A_648 : vector<1x16xi32> to vector<16xi32>
      %get3A_650 = arith.constant 1 : i32
      %get3A_651 = arith.index_cast %get3A_650 : i32 to index
      %get3A_652 = arith.constant 16 : index
      %get3A_653 = tpu.vector_load %arg8[%get3A_651, %get3A_652] {strides = array<i32>} : memref<4x128xi32, #tpu.memory_space<vmem>>, vector<1x16xi32>,
      %get3A_654 = vector.shape_cast %get3A_653 : vector<1x16xi32> to vector<16xi32>
      %get3A_655 = arith.constant 2 : i32
      %get3A_656 = arith.index_cast %get3A_655 : i32 to index
      %get3A_657 = arith.constant 16 : index
      %get3A_658 = tpu.vector_load %arg8[%get3A_656, %get3A_657] {strides = array<i32>} : memref<4x128xi32, #tpu.memory_space<vmem>>, vector<1x16xi32>,
      %get3A_659 = vector.shape_cast %get3A_658 : vector<1x16xi32> to vector<16xi32>
      %get3A_660 = arith.constant 3 : i32
      %get3A_661 = arith.index_cast %get3A_660 : i32 to index
      %get3A_662 = arith.constant 16 : index
      %get3A_663 = tpu.vector_load %arg8[%get3A_661, %get3A_662] {strides = array<i32>} : memref<4x128xi32, #tpu.memory_space<vmem>>, vector<1x16xi32>,
      %get3A_664 = vector.shape_cast %get3A_663 : vector<1x16xi32> to vector<16xi32>
      %swap3A_665 = arith.constant 16 : index
      %swap3A_666 = tpu.vector_load %arg9[%swap3A_665] {strides = array<i32>} : memref<64xi32, #tpu.memory_space<vmem>>, vector<16xi32>,
      %swap3A_667 = vector.shape_cast %swap3A_666 : vector<16xi32> to vector<16xi32>
      %swap3A_668 = vector.shape_cast %get3A_649 : vector<16xi32> to vector<16xi32>
      tpu.vector_store %arg9[%swap3A_665], %swap3A_668 {strides = array<i32>} : memref<64xi32, #tpu.memory_space<vmem>>, vector<16xi32>,
      %swap3A_669 = arith.constant 16 : index
      %swap3A_670 = tpu.vector_load %arg10[%swap3A_669] {strides = array<i32>} : memref<64xi32, #tpu.memory_space<vmem>>, vector<16xi32>,
      %swap3A_671 = vector.shape_cast %swap3A_670 : vector<16xi32> to vector<16xi32>
      %swap3A_672 = vector.shape_cast %get3A_654 : vector<16xi32> to vector<16xi32>
      tpu.vector_store %arg10[%swap3A_669], %swap3A_672 {strides = array<i32>} : memref<64xi32, #tpu.memory_space<vmem>>, vector<16xi32>,
      %swap3A_673 = arith.constant 16 : index
      %swap3A_674 = tpu.vector_load %arg11[%swap3A_673] {strides = array<i32>} : memref<64xi32, #tpu.memory_space<vmem>>, vector<16xi32>,
      %swap3A_675 = vector.shape_cast %swap3A_674 : vector<16xi32> to vector<16xi32>
      %swap3A_676 = vector.shape_cast %get3A_659 : vector<16xi32> to vector<16xi32>
      tpu.vector_store %arg11[%swap3A_673], %swap3A_676 {strides = array<i32>} : memref<64xi32, #tpu.memory_space<vmem>>, vector<16xi32>,
      %swap3A_677 = arith.constant 16 : index
      %swap3A_678 = tpu.vector_load %arg12[%swap3A_677] {strides = array<i32>} : memref<64xi32, #tpu.memory_space<vmem>>, vector<16xi32>,
      %swap3A_679 = vector.shape_cast %swap3A_678 : vector<16xi32> to vector<16xi32>
      %swap3A_680 = vector.shape_cast %get3A_664 : vector<16xi32> to vector<16xi32>
      tpu.vector_store %arg12[%swap3A_677], %swap3A_680 {strides = array<i32>} : memref<64xi32, #tpu.memory_space<vmem>>, vector<16xi32>,
      %sub3A_681 = arith.subi %get3A_664, %get3A_654 : vector<16xi32>
      %swap3A_682 = arith.constant 16 : index
      %swap3A_683 = tpu.vector_load %arg13[%swap3A_682] {strides = array<i32>} : memref<64xi32, #tpu.memory_space<vmem>>, vector<16xi32>,
      %swap3A_684 = vector.shape_cast %swap3A_683 : vector<16xi32> to vector<16xi32>
      %swap3A_685 = vector.shape_cast %sub3A_681 : vector<16xi32> to vector<16xi32>
      tpu.vector_store %arg13[%swap3A_682], %swap3A_685 {strides = array<i32>} : memref<64xi32, #tpu.memory_space<vmem>>, vector<16xi32>,
      %sub3A_686 = arith.subi %get3A_659, %get3A_649 : vector<16xi32>
      %swap3A_687 = arith.constant 16 : index
      %swap3A_688 = tpu.vector_load %arg14[%swap3A_687] {strides = array<i32>} : memref<64xi32, #tpu.memory_space<vmem>>, vector<16xi32>,
      %swap3A_689 = vector.shape_cast %swap3A_688 : vector<16xi32> to vector<16xi32>
      %swap3A_690 = vector.shape_cast %sub3A_686 : vector<16xi32> to vector<16xi32>
      tpu.vector_store %arg14[%swap3A_687], %swap3A_690 {strides = array<i32>} : memref<64xi32, #tpu.memory_space<vmem>>, vector<16xi32>,
      %get3A_691 = arith.constant 0 : i32
      %get3A_692 = arith.index_cast %get3A_691 : i32 to index
      %get3A_693 = arith.constant 32 : index
      %get3A_694 = tpu.vector_load %arg8[%get3A_692, %get3A_693] {strides = array<i32>} : memref<4x128xi32, #tpu.memory_space<vmem>>, vector<1x16xi32>,
      %get3A_695 = vector.shape_cast %get3A_694 : vector<1x16xi32> to vector<16xi32>
      %get3A_696 = arith.constant 1 : i32
      %get3A_697 = arith.index_cast %get3A_696 : i32 to index
      %get3A_698 = arith.constant 32 : index
      %get3A_699 = tpu.vector_load %arg8[%get3A_697, %get3A_698] {strides = array<i32>} : memref<4x128xi32, #tpu.memory_space<vmem>>, vector<1x16xi32>,
      %get3A_700 = vector.shape_cast %get3A_699 : vector<1x16xi32> to vector<16xi32>
      %get3A_701 = arith.constant 2 : i32
      %get3A_702 = arith.index_cast %get3A_701 : i32 to index
      %get3A_703 = arith.constant 32 : index
      %get3A_704 = tpu.vector_load %arg8[%get3A_702, %get3A_703] {strides = array<i32>} : memref<4x128xi32, #tpu.memory_space<vmem>>, vector<1x16xi32>,
      %get3A_705 = vector.shape_cast %get3A_704 : vector<1x16xi32> to vector<16xi32>
      %get3A_706 = arith.constant 3 : i32
      %get3A_707 = arith.index_cast %get3A_706 : i32 to index
      %get3A_708 = arith.constant 32 : index
      %get3A_709 = tpu.vector_load %arg8[%get3A_707, %get3A_708] {strides = array<i32>} : memref<4x128xi32, #tpu.memory_space<vmem>>, vector<1x16xi32>,
      %get3A_710 = vector.shape_cast %get3A_709 : vector<1x16xi32> to vector<16xi32>
      %swap3A_711 = arith.constant 32 : index
      %swap3A_712 = tpu.vector_load %arg9[%swap3A_711] {strides = array<i32>} : memref<64xi32, #tpu.memory_space<vmem>>, vector<16xi32>,
      %swap3A_713 = vector.shape_cast %swap3A_712 : vector<16xi32> to vector<16xi32>
      %swap3A_714 = vector.shape_cast %get3A_695 : vector<16xi32> to vector<16xi32>
      tpu.vector_store %arg9[%swap3A_711], %swap3A_714 {strides = array<i32>} : memref<64xi32, #tpu.memory_space<vmem>>, vector<16xi32>,
      %swap3A_715 = arith.constant 32 : index
      %swap3A_716 = tpu.vector_load %arg10[%swap3A_715] {strides = array<i32>} : memref<64xi32, #tpu.memory_space<vmem>>, vector<16xi32>,
      %swap3A_717 = vector.shape_cast %swap3A_716 : vector<16xi32> to vector<16xi32>
      %swap3A_718 = vector.shape_cast %get3A_700 : vector<16xi32> to vector<16xi32>
      tpu.vector_store %arg10[%swap3A_715], %swap3A_718 {strides = array<i32>} : memref<64xi32, #tpu.memory_space<vmem>>, vector<16xi32>,
      %swap3A_719 = arith.constant 32 : index
      %swap3A_720 = tpu.vector_load %arg11[%swap3A_719] {strides = array<i32>} : memref<64xi32, #tpu.memory_space<vmem>>, vector<16xi32>,
      %swap3A_721 = vector.shape_cast %swap3A_720 : vector<16xi32> to vector<16xi32>
      %swap3A_722 = vector.shape_cast %get3A_705 : vector<16xi32> to vector<16xi32>
      tpu.vector_store %arg11[%swap3A_719], %swap3A_722 {strides = array<i32>} : memref<64xi32, #tpu.memory_space<vmem>>, vector<16xi32>,
      %swap3A_723 = arith.constant 32 : index
      %swap3A_724 = tpu.vector_load %arg12[%swap3A_723] {strides = array<i32>} : memref<64xi32, #tpu.memory_space<vmem>>, vector<16xi32>,
      %swap3A_725 = vector.shape_cast %swap3A_724 : vector<16xi32> to vector<16xi32>
      %swap3A_726 = vector.shape_cast %get3A_710 : vector<16xi32> to vector<16xi32>
      tpu.vector_store %arg12[%swap3A_723], %swap3A_726 {strides = array<i32>} : memref<64xi32, #tpu.memory_space<vmem>>, vector<16xi32>,
      %sub3A_727 = arith.subi %get3A_710, %get3A_700 : vector<16xi32>
      %swap3A_728 = arith.constant 32 : index
      %swap3A_729 = tpu.vector_load %arg13[%swap3A_728] {strides = array<i32>} : memref<64xi32, #tpu.memory_space<vmem>>, vector<16xi32>,
      %swap3A_730 = vector.shape_cast %swap3A_729 : vector<16xi32> to vector<16xi32>
      %swap3A_731 = vector.shape_cast %sub3A_727 : vector<16xi32> to vector<16xi32>
      tpu.vector_store %arg13[%swap3A_728], %swap3A_731 {strides = array<i32>} : memref<64xi32, #tpu.memory_space<vmem>>, vector<16xi32>,
      %sub3A_732 = arith.subi %get3A_705, %get3A_695 : vector<16xi32>
      %swap3A_733 = arith.constant 32 : index
      %swap3A_734 = tpu.vector_load %arg14[%swap3A_733] {strides = array<i32>} : memref<64xi32, #tpu.memory_space<vmem>>, vector<16xi32>,
      %swap3A_735 = vector.shape_cast %swap3A_734 : vector<16xi32> to vector<16xi32>
      %swap3A_736 = vector.shape_cast %sub3A_732 : vector<16xi32> to vector<16xi32>
      tpu.vector_store %arg14[%swap3A_733], %swap3A_736 {strides = array<i32>} : memref<64xi32, #tpu.memory_space<vmem>>, vector<16xi32>,
      %get3A_737 = arith.constant 0 : i32
      %get3A_738 = arith.index_cast %get3A_737 : i32 to index
      %get3A_739 = arith.constant 48 : index
      %get3A_740 = tpu.vector_load %arg8[%get3A_738, %get3A_739] {strides = array<i32>} : memref<4x128xi32, #tpu.memory_space<vmem>>, vector<1x16xi32>,
      %get3A_741 = vector.shape_cast %get3A_740 : vector<1x16xi32> to vector<16xi32>
      %get3A_742 = arith.constant 1 : i32
      %get3A_743 = arith.index_cast %get3A_742 : i32 to index
      %get3A_744 = arith.constant 48 : index
      %get3A_745 = tpu.vector_load %arg8[%get3A_743, %get3A_744] {strides = array<i32>} : memref<4x128xi32, #tpu.memory_space<vmem>>, vector<1x16xi32>,
      %get3A_746 = vector.shape_cast %get3A_745 : vector<1x16xi32> to vector<16xi32>
      %get3A_747 = arith.constant 2 : i32
      %get3A_748 = arith.index_cast %get3A_747 : i32 to index
      %get3A_749 = arith.constant 48 : index
      %get3A_750 = tpu.vector_load %arg8[%get3A_748, %get3A_749] {strides = array<i32>} : memref<4x128xi32, #tpu.memory_space<vmem>>, vector<1x16xi32>,
      %get3A_751 = vector.shape_cast %get3A_750 : vector<1x16xi32> to vector<16xi32>
      %get3A_752 = arith.constant 3 : i32
      %get3A_753 = arith.index_cast %get3A_752 : i32 to index
      %get3A_754 = arith.constant 48 : index
      %get3A_755 = tpu.vector_load %arg8[%get3A_753, %get3A_754] {strides = array<i32>} : memref<4x128xi32, #tpu.memory_space<vmem>>, vector<1x16xi32>,
      %get3A_756 = vector.shape_cast %get3A_755 : vector<1x16xi32> to vector<16xi32>
      %swap3A_757 = arith.constant 48 : index
      %swap3A_758 = tpu.vector_load %arg9[%swap3A_757] {strides = array<i32>} : memref<64xi32, #tpu.memory_space<vmem>>, vector<16xi32>,
      %swap3A_759 = vector.shape_cast %swap3A_758 : vector<16xi32> to vector<16xi32>
      %swap3A_760 = vector.shape_cast %get3A_741 : vector<16xi32> to vector<16xi32>
      tpu.vector_store %arg9[%swap3A_757], %swap3A_760 {strides = array<i32>} : memref<64xi32, #tpu.memory_space<vmem>>, vector<16xi32>,
      %swap3A_761 = arith.constant 48 : index
      %swap3A_762 = tpu.vector_load %arg10[%swap3A_761] {strides = array<i32>} : memref<64xi32, #tpu.memory_space<vmem>>, vector<16xi32>,
      %swap3A_763 = vector.shape_cast %swap3A_762 : vector<16xi32> to vector<16xi32>
      %swap3A_764 = vector.shape_cast %get3A_746 : vector<16xi32> to vector<16xi32>
      tpu.vector_store %arg10[%swap3A_761], %swap3A_764 {strides = array<i32>} : memref<64xi32, #tpu.memory_space<vmem>>, vector<16xi32>,
      %swap3A_765 = arith.constant 48 : index
      %swap3A_766 = tpu.vector_load %arg11[%swap3A_765] {strides = array<i32>} : memref<64xi32, #tpu.memory_space<vmem>>, vector<16xi32>,
      %swap3A_767 = vector.shape_cast %swap3A_766 : vector<16xi32> to vector<16xi32>
      %swap3A_768 = vector.shape_cast %get3A_751 : vector<16xi32> to vector<16xi32>
      tpu.vector_store %arg11[%swap3A_765], %swap3A_768 {strides = array<i32>} : memref<64xi32, #tpu.memory_space<vmem>>, vector<16xi32>,
      %swap3A_769 = arith.constant 48 : index
      %swap3A_770 = tpu.vector_load %arg12[%swap3A_769] {strides = array<i32>} : memref<64xi32, #tpu.memory_space<vmem>>, vector<16xi32>,
      %swap3A_771 = vector.shape_cast %swap3A_770 : vector<16xi32> to vector<16xi32>
      %swap3A_772 = vector.shape_cast %get3A_756 : vector<16xi32> to vector<16xi32>
      tpu.vector_store %arg12[%swap3A_769], %swap3A_772 {strides = array<i32>} : memref<64xi32, #tpu.memory_space<vmem>>, vector<16xi32>,
      %sub3A_773 = arith.subi %get3A_756, %get3A_746 : vector<16xi32>
      %swap3A_774 = arith.constant 48 : index
      %swap3A_775 = tpu.vector_load %arg13[%swap3A_774] {strides = array<i32>} : memref<64xi32, #tpu.memory_space<vmem>>, vector<16xi32>,
      %swap3A_776 = vector.shape_cast %swap3A_775 : vector<16xi32> to vector<16xi32>
      %swap3A_777 = vector.shape_cast %sub3A_773 : vector<16xi32> to vector<16xi32>
      tpu.vector_store %arg13[%swap3A_774], %swap3A_777 {strides = array<i32>} : memref<64xi32, #tpu.memory_space<vmem>>, vector<16xi32>,
      %sub3A_778 = arith.subi %get3A_751, %get3A_741 : vector<16xi32>
      %swap3A_779 = arith.constant 48 : index
      %swap3A_780 = tpu.vector_load %arg14[%swap3A_779] {strides = array<i32>} : memref<64xi32, #tpu.memory_space<vmem>>, vector<16xi32>,
      %swap3A_781 = vector.shape_cast %swap3A_780 : vector<16xi32> to vector<16xi32>
      %swap3A_782 = vector.shape_cast %sub3A_778 : vector<16xi32> to vector<16xi32>
      tpu.vector_store %arg14[%swap3A_779], %swap3A_782 {strides = array<i32>} : memref<64xi32, #tpu.memory_space<vmem>>, vector<16xi32>,
      %dma_start3A_783 = arith.constant 0 : i32
      %dma_start3A_784 = arith.constant 0 : i32
      %dma_start3A_785 = tpu.memref_slice %arg6[%dma_start3A_783, %dma_start3A_784] : memref<1024x128xf32, #tpu.memory_space<hbm>> -> memref<1024x128xf32, #tpu.memory_space<hbm>>
      tpu.enqueue_indirect_dma source(%dma_start3A_785 : memref<1024x128xf32, #tpu.memory_space<hbm>>) target(%arg26 : memref<64x128xf32, #tpu.memory_space<vmem>>) offsets(%arg14 : memref<64xi32, #tpu.memory_space<vmem>>) semaphore(%arg33 : memref<!tpu.dma_semaphore, #tpu.memory_space<semaphore_mem>>)
      %dma_start3A_786 = arith.constant 0 : i32
      %dma_start3A_787 = arith.constant 0 : i32
      %dma_start3A_788 = tpu.memref_slice %arg4[%dma_start3A_786, %dma_start3A_787] : memref<1024x128xf32, #tpu.memory_space<hbm>> -> memref<1024x128xf32, #tpu.memory_space<hbm>>
      tpu.enqueue_indirect_dma source(%dma_start3A_788 : memref<1024x128xf32, #tpu.memory_space<hbm>>) target(%arg24 : memref<64x128xf32, #tpu.memory_space<vmem>>) offsets(%arg12 : memref<64xi32, #tpu.memory_space<vmem>>) semaphore(%arg33 : memref<!tpu.dma_semaphore, #tpu.memory_space<semaphore_mem>>)
      "tpu.region"() ({
        %run_scoped3A = tpu.sem_alloc : memref<!tpu.dma_semaphore, #tpu.memory_space<semaphore_mem>>
        %dma_start3A_1124 = arith.constant 0 : i32
        %dma_start3A_1125 = arith.constant 0 : i32
        %dma_start3A_1126 = tpu.memref_slice %arg37[%dma_start3A_1124, %dma_start3A_1125] : memref<1024x128xf32, #tpu.memory_space<vmem_shared>> -> memref<1024x128xf32, #tpu.memory_space<vmem_shared>>
        tpu.enqueue_indirect_dma source(%dma_start3A_1126 : memref<1024x128xf32, #tpu.memory_space<vmem_shared>>) target(%arg21 : memref<64x128xf32, #tpu.memory_space<vmem>>) offsets(%arg9 : memref<64xi32, #tpu.memory_space<vmem>>) semaphore(%run_scoped3A : memref<!tpu.dma_semaphore, #tpu.memory_space<semaphore_mem>>)
        %dma_wait3A_1127 = arith.constant 0 : i32
        %dma_wait3A_1128 = arith.constant 0 : i32
        %dma_wait3A_1129 = tpu.memref_slice %arg37[%dma_wait3A_1127, %dma_wait3A_1128] : memref<1024x128xf32, #tpu.memory_space<vmem_shared>> -> memref<1024x128xf32, #tpu.memory_space<vmem_shared>>
        tpu.wait_indirect_dma semaphore(%run_scoped3A : memref<!tpu.dma_semaphore, #tpu.memory_space<semaphore_mem>>) src(%dma_wait3A_1129 : memref<1024x128xf32, #tpu.memory_space<vmem_shared>>) dst(%arg21 : memref<64x128xf32, #tpu.memory_space<vmem>>)
        tpu.yield
      }) : () -> ()
      %mul3A_789 = arith.constant 64 : i32
      %mul3A_790 = arith.muli %mul3A_551, %mul3A_789 : i32
      %add3A_791 = arith.addi %mul3A_2, %mul3A_790 : i32
      %dma_start3A_792 = arith.constant 0 : i32
      %dma_start3A_793 = tpu.memref_slice %arg7[%add3A_791, %dma_start3A_792] : memref<204800x768xf32, #tpu.memory_space<hbm>> -> memref<64x128xf32, #tpu.memory_space<hbm>>
      %dma_start3A_794 = arith.constant 0 : i32
      %dma_start3A_795 = tpu.memref_slice %arg7[%add3A_791, %dma_start3A_794] : memref<204800x768xf32, #tpu.memory_space<hbm>> -> memref<64x128xf32, #tpu.memory_space<hbm>>
      tpu.enqueue_dma source(%arg21 : memref<64x128xf32, #tpu.memory_space<vmem>>) target(%dma_start3A_795 : memref<64x128xf32, #tpu.memory_space<hbm>>) target_semaphore(%arg35 : memref<!tpu.dma_semaphore, #tpu.memory_space<semaphore_mem>>)
      "tpu.region"() ({
        %run_scoped3A = tpu.sem_alloc : memref<!tpu.dma_semaphore, #tpu.memory_space<semaphore_mem>>
        %dma_start3A_1124 = arith.constant 0 : i32
        %dma_start3A_1125 = arith.constant 0 : i32
        %dma_start3A_1126 = tpu.memref_slice %arg38[%dma_start3A_1124, %dma_start3A_1125] : memref<1024x128xf32, #tpu.memory_space<vmem_shared>> -> memref<1024x128xf32, #tpu.memory_space<vmem_shared>>
        tpu.enqueue_indirect_dma source(%dma_start3A_1126 : memref<1024x128xf32, #tpu.memory_space<vmem_shared>>) target(%arg22 : memref<64x128xf32, #tpu.memory_space<vmem>>) offsets(%arg10 : memref<64xi32, #tpu.memory_space<vmem>>) semaphore(%run_scoped3A : memref<!tpu.dma_semaphore, #tpu.memory_space<semaphore_mem>>)
        %dma_wait3A_1127 = arith.constant 0 : i32
        %dma_wait3A_1128 = arith.constant 0 : i32
        %dma_wait3A_1129 = tpu.memref_slice %arg38[%dma_wait3A_1127, %dma_wait3A_1128] : memref<1024x128xf32, #tpu.memory_space<vmem_shared>> -> memref<1024x128xf32, #tpu.memory_space<vmem_shared>>
        tpu.wait_indirect_dma semaphore(%run_scoped3A : memref<!tpu.dma_semaphore, #tpu.memory_space<semaphore_mem>>) src(%dma_wait3A_1129 : memref<1024x128xf32, #tpu.memory_space<vmem_shared>>) dst(%arg22 : memref<64x128xf32, #tpu.memory_space<vmem>>)
        tpu.yield
      }) : () -> ()
      %mul3A_796 = arith.constant 64 : i32
      %mul3A_797 = arith.muli %mul3A_551, %mul3A_796 : i32
      %add3A_798 = arith.addi %mul3A_2, %mul3A_797 : i32
      %dma_start3A_799 = arith.constant 128 : i32
      %dma_start3A_800 = tpu.memref_slice %arg7[%add3A_798, %dma_start3A_799] : memref<204800x768xf32, #tpu.memory_space<hbm>> -> memref<64x128xf32, #tpu.memory_space<hbm>>
      %dma_start3A_801 = arith.constant 128 : i32
      %dma_start3A_802 = tpu.memref_slice %arg7[%add3A_798, %dma_start3A_801] : memref<204800x768xf32, #tpu.memory_space<hbm>> -> memref<64x128xf32, #tpu.memory_space<hbm>>
      tpu.enqueue_dma source(%arg22 : memref<64x128xf32, #tpu.memory_space<vmem>>) target(%dma_start3A_802 : memref<64x128xf32, #tpu.memory_space<hbm>>) target_semaphore(%arg35 : memref<!tpu.dma_semaphore, #tpu.memory_space<semaphore_mem>>)
      "tpu.region"() ({
        %run_scoped3A = tpu.sem_alloc : memref<!tpu.dma_semaphore, #tpu.memory_space<semaphore_mem>>
        %dma_start3A_1124 = arith.constant 0 : i32
        %dma_start3A_1125 = arith.constant 0 : i32
        %dma_start3A_1126 = tpu.memref_slice %arg37[%dma_start3A_1124, %dma_start3A_1125] : memref<1024x128xf32, #tpu.memory_space<vmem_shared>> -> memref<1024x128xf32, #tpu.memory_space<vmem_shared>>
        tpu.enqueue_indirect_dma source(%dma_start3A_1126 : memref<1024x128xf32, #tpu.memory_space<vmem_shared>>) target(%arg23 : memref<64x128xf32, #tpu.memory_space<vmem>>) offsets(%arg11 : memref<64xi32, #tpu.memory_space<vmem>>) semaphore(%run_scoped3A : memref<!tpu.dma_semaphore, #tpu.memory_space<semaphore_mem>>)
        %dma_wait3A_1127 = arith.constant 0 : i32
        %dma_wait3A_1128 = arith.constant 0 : i32
        %dma_wait3A_1129 = tpu.memref_slice %arg37[%dma_wait3A_1127, %dma_wait3A_1128] : memref<1024x128xf32, #tpu.memory_space<vmem_shared>> -> memref<1024x128xf32, #tpu.memory_space<vmem_shared>>
        tpu.wait_indirect_dma semaphore(%run_scoped3A : memref<!tpu.dma_semaphore, #tpu.memory_space<semaphore_mem>>) src(%dma_wait3A_1129 : memref<1024x128xf32, #tpu.memory_space<vmem_shared>>) dst(%arg23 : memref<64x128xf32, #tpu.memory_space<vmem>>)
        tpu.yield
      }) : () -> ()
      %mul3A_803 = arith.constant 64 : i32
      %mul3A_804 = arith.muli %mul3A_551, %mul3A_803 : i32
      %add3A_805 = arith.addi %mul3A_2, %mul3A_804 : i32
      %dma_start3A_806 = arith.constant 256 : i32
      %dma_start3A_807 = tpu.memref_slice %arg7[%add3A_805, %dma_start3A_806] : memref<204800x768xf32, #tpu.memory_space<hbm>> -> memref<64x128xf32, #tpu.memory_space<hbm>>
      %dma_start3A_808 = arith.constant 256 : i32
      %dma_start3A_809 = tpu.memref_slice %arg7[%add3A_805, %dma_start3A_808] : memref<204800x768xf32, #tpu.memory_space<hbm>> -> memref<64x128xf32, #tpu.memory_space<hbm>>
      tpu.enqueue_dma source(%arg23 : memref<64x128xf32, #tpu.memory_space<vmem>>) target(%dma_start3A_809 : memref<64x128xf32, #tpu.memory_space<hbm>>) target_semaphore(%arg35 : memref<!tpu.dma_semaphore, #tpu.memory_space<semaphore_mem>>)
      "tpu.region"() ({
        %run_scoped3A = tpu.sem_alloc : memref<!tpu.dma_semaphore, #tpu.memory_space<semaphore_mem>>
        %dma_start3A_1124 = arith.constant 0 : i32
        %dma_start3A_1125 = arith.constant 0 : i32
        %dma_start3A_1126 = tpu.memref_slice %arg39[%dma_start3A_1124, %dma_start3A_1125] : memref<1024x128xf32, #tpu.memory_space<vmem_shared>> -> memref<1024x128xf32, #tpu.memory_space<vmem_shared>>
        tpu.enqueue_indirect_dma source(%dma_start3A_1126 : memref<1024x128xf32, #tpu.memory_space<vmem_shared>>) target(%arg25 : memref<64x128xf32, #tpu.memory_space<vmem>>) offsets(%arg13 : memref<64xi32, #tpu.memory_space<vmem>>) semaphore(%run_scoped3A : memref<!tpu.dma_semaphore, #tpu.memory_space<semaphore_mem>>)
        %dma_wait3A_1127 = arith.constant 0 : i32
        %dma_wait3A_1128 = arith.constant 0 : i32
        %dma_wait3A_1129 = tpu.memref_slice %arg39[%dma_wait3A_1127, %dma_wait3A_1128] : memref<1024x128xf32, #tpu.memory_space<vmem_shared>> -> memref<1024x128xf32, #tpu.memory_space<vmem_shared>>
        tpu.wait_indirect_dma semaphore(%run_scoped3A : memref<!tpu.dma_semaphore, #tpu.memory_space<semaphore_mem>>) src(%dma_wait3A_1129 : memref<1024x128xf32, #tpu.memory_space<vmem_shared>>) dst(%arg25 : memref<64x128xf32, #tpu.memory_space<vmem>>)
        tpu.yield
      }) : () -> ()
      %mul3A_810 = arith.constant 64 : i32
      %mul3A_811 = arith.muli %mul3A_551, %mul3A_810 : i32
      %add3A_812 = arith.addi %mul3A_2, %mul3A_811 : i32
      %dma_start3A_813 = arith.constant 512 : i32
      %dma_start3A_814 = tpu.memref_slice %arg7[%add3A_812, %dma_start3A_813] : memref<204800x768xf32, #tpu.memory_space<hbm>> -> memref<64x128xf32, #tpu.memory_space<hbm>>
      %dma_start3A_815 = arith.constant 512 : i32
      %dma_start3A_816 = tpu.memref_slice %arg7[%add3A_812, %dma_start3A_815] : memref<204800x768xf32, #tpu.memory_space<hbm>> -> memref<64x128xf32, #tpu.memory_space<hbm>>
      tpu.enqueue_dma source(%arg25 : memref<64x128xf32, #tpu.memory_space<vmem>>) target(%dma_start3A_816 : memref<64x128xf32, #tpu.memory_space<hbm>>) target_semaphore(%arg35 : memref<!tpu.dma_semaphore, #tpu.memory_space<semaphore_mem>>)
      %dma_wait3A_817 = arith.constant 0 : i32
      %dma_wait3A_818 = arith.constant 0 : i32
      %dma_wait3A_819 = tpu.memref_slice %arg4[%dma_wait3A_817, %dma_wait3A_818] : memref<1024x128xf32, #tpu.memory_space<hbm>> -> memref<1024x128xf32, #tpu.memory_space<hbm>>
      tpu.wait_indirect_dma semaphore(%arg33 : memref<!tpu.dma_semaphore, #tpu.memory_space<semaphore_mem>>) src(%dma_wait3A_819 : memref<1024x128xf32, #tpu.memory_space<hbm>>) dst(%arg24 : memref<64x128xf32, #tpu.memory_space<vmem>>)
      %mul3A_820 = arith.constant 64 : i32
      %mul3A_821 = arith.muli %mul3A_551, %mul3A_820 : i32
      %add3A_822 = arith.addi %mul3A_2, %mul3A_821 : i32
      %dma_start3A_823 = arith.constant 384 : i32
      %dma_start3A_824 = tpu.memref_slice %arg7[%add3A_822, %dma_start3A_823] : memref<204800x768xf32, #tpu.memory_space<hbm>> -> memref<64x128xf32, #tpu.memory_space<hbm>>
      %dma_start3A_825 = arith.constant 384 : i32
      %dma_start3A_826 = tpu.memref_slice %arg7[%add3A_822, %dma_start3A_825] : memref<204800x768xf32, #tpu.memory_space<hbm>> -> memref<64x128xf32, #tpu.memory_space<hbm>>
      tpu.enqueue_dma source(%arg24 : memref<64x128xf32, #tpu.memory_space<vmem>>) target(%dma_start3A_826 : memref<64x128xf32, #tpu.memory_space<hbm>>) target_semaphore(%arg35 : memref<!tpu.dma_semaphore, #tpu.memory_space<semaphore_mem>>)
      %dma_wait3A_827 = arith.constant 0 : i32
      %dma_wait3A_828 = arith.constant 0 : i32
      %dma_wait3A_829 = tpu.memref_slice %arg6[%dma_wait3A_827, %dma_wait3A_828] : memref<1024x128xf32, #tpu.memory_space<hbm>> -> memref<1024x128xf32, #tpu.memory_space<hbm>>
      tpu.wait_indirect_dma semaphore(%arg33 : memref<!tpu.dma_semaphore, #tpu.memory_space<semaphore_mem>>) src(%dma_wait3A_829 : memref<1024x128xf32, #tpu.memory_space<hbm>>) dst(%arg26 : memref<64x128xf32, #tpu.memory_space<vmem>>)
      %mul3A_830 = arith.constant 64 : i32
      %mul3A_831 = arith.muli %mul3A_551, %mul3A_830 : i32
      %add3A_832 = arith.addi %mul3A_2, %mul3A_831 : i32
      %dma_start3A_833 = arith.constant 640 : i32
      %dma_start3A_834 = tpu.memref_slice %arg7[%add3A_832, %dma_start3A_833] : memref<204800x768xf32, #tpu.memory_space<hbm>> -> memref<64x128xf32, #tpu.memory_space<hbm>>
      %dma_start3A_835 = arith.constant 640 : i32
      %dma_start3A_836 = tpu.memref_slice %arg7[%add3A_832, %dma_start3A_835] : memref<204800x768xf32, #tpu.memory_space<hbm>> -> memref<64x128xf32, #tpu.memory_space<hbm>>
      tpu.enqueue_dma source(%arg26 : memref<64x128xf32, #tpu.memory_space<vmem>>) target(%dma_start3A_836 : memref<64x128xf32, #tpu.memory_space<hbm>>) target_semaphore(%arg35 : memref<!tpu.dma_semaphore, #tpu.memory_space<semaphore_mem>>)
      %mul3A_837 = arith.constant 2 : i32
      %mul3A_838 = arith.muli %mul3A_837, %scan3A_548 : i32
      %add3A_839 = arith.constant 1 : i32
      %add3A_840 = arith.addi %mul3A_838, %add3A_839 : i32
      %sub3A_841 = arith.constant 2 : i32
      %sub3A_842 = arith.subi %add3A_840, %sub3A_841 : i32
      %mul3A_843 = arith.constant 64 : i32
      %mul3A_844 = arith.muli %sub3A_842, %mul3A_843 : i32
      %add3A_845 = arith.addi %mul3A_2, %mul3A_844 : i32
      %dma_wait3A_846 = arith.constant 0 : i32
      %dma_wait3A_847 = tpu.memref_slice %arg7[%add3A_845, %dma_wait3A_846] : memref<204800x768xf32, #tpu.memory_space<hbm>> -> memref<64x128xf32, #tpu.memory_space<hbm>>
      %dma_wait3A_848 = arith.constant 0 : i32
      %dma_wait3A_849 = tpu.memref_slice %arg7[%add3A_845, %dma_wait3A_848] : memref<204800x768xf32, #tpu.memory_space<hbm>> -> memref<64x128xf32, #tpu.memory_space<hbm>>
      tpu.wait_dma2 semaphore(%arg36 : memref<!tpu.dma_semaphore, #tpu.memory_space<semaphore_mem>>) src(%arg27 : memref<64x128xf32, #tpu.memory_space<vmem>>) dst(%dma_wait3A_849 : memref<64x128xf32, #tpu.memory_space<hbm>>)
      %mul3A_850 = arith.constant 64 : i32
      %mul3A_851 = arith.muli %sub3A_842, %mul3A_850 : i32
      %add3A_852 = arith.addi %mul3A_2, %mul3A_851 : i32
      %dma_wait3A_853 = arith.constant 128 : i32
      %dma_wait3A_854 = tpu.memref_slice %arg7[%add3A_852, %dma_wait3A_853] : memref<204800x768xf32, #tpu.memory_space<hbm>> -> memref<64x128xf32, #tpu.memory_space<hbm>>
      %dma_wait3A_855 = arith.constant 128 : i32
      %dma_wait3A_856 = tpu.memref_slice %arg7[%add3A_852, %dma_wait3A_855] : memref<204800x768xf32, #tpu.memory_space<hbm>> -> memref<64x128xf32, #tpu.memory_space<hbm>>
      tpu.wait_dma2 semaphore(%arg36 : memref<!tpu.dma_semaphore, #tpu.memory_space<semaphore_mem>>) src(%arg28 : memref<64x128xf32, #tpu.memory_space<vmem>>) dst(%dma_wait3A_856 : memref<64x128xf32, #tpu.memory_space<hbm>>)
      %mul3A_857 = arith.constant 64 : i32
      %mul3A_858 = arith.muli %sub3A_842, %mul3A_857 : i32
      %add3A_859 = arith.addi %mul3A_2, %mul3A_858 : i32
      %dma_wait3A_860 = arith.constant 256 : i32
      %dma_wait3A_861 = tpu.memref_slice %arg7[%add3A_859, %dma_wait3A_860] : memref<204800x768xf32, #tpu.memory_space<hbm>> -> memref<64x128xf32, #tpu.memory_space<hbm>>
      %dma_wait3A_862 = arith.constant 256 : i32
      %dma_wait3A_863 = tpu.memref_slice %arg7[%add3A_859, %dma_wait3A_862] : memref<204800x768xf32, #tpu.memory_space<hbm>> -> memref<64x128xf32, #tpu.memory_space<hbm>>
      tpu.wait_dma2 semaphore(%arg36 : memref<!tpu.dma_semaphore, #tpu.memory_space<semaphore_mem>>) src(%arg29 : memref<64x128xf32, #tpu.memory_space<vmem>>) dst(%dma_wait3A_863 : memref<64x128xf32, #tpu.memory_space<hbm>>)
      %mul3A_864 = arith.constant 64 : i32
      %mul3A_865 = arith.muli %sub3A_842, %mul3A_864 : i32
      %add3A_866 = arith.addi %mul3A_2, %mul3A_865 : i32
      %dma_wait3A_867 = arith.constant 384 : i32
      %dma_wait3A_868 = tpu.memref_slice %arg7[%add3A_866, %dma_wait3A_867] : memref<204800x768xf32, #tpu.memory_space<hbm>> -> memref<64x128xf32, #tpu.memory_space<hbm>>
      %dma_wait3A_869 = arith.constant 384 : i32
      %dma_wait3A_870 = tpu.memref_slice %arg7[%add3A_866, %dma_wait3A_869] : memref<204800x768xf32, #tpu.memory_space<hbm>> -> memref<64x128xf32, #tpu.memory_space<hbm>>
      tpu.wait_dma2 semaphore(%arg36 : memref<!tpu.dma_semaphore, #tpu.memory_space<semaphore_mem>>) src(%arg30 : memref<64x128xf32, #tpu.memory_space<vmem>>) dst(%dma_wait3A_870 : memref<64x128xf32, #tpu.memory_space<hbm>>)
      %mul3A_871 = arith.constant 64 : i32
      %mul3A_872 = arith.muli %sub3A_842, %mul3A_871 : i32
      %add3A_873 = arith.addi %mul3A_2, %mul3A_872 : i32
      %dma_wait3A_874 = arith.constant 512 : i32
      %dma_wait3A_875 = tpu.memref_slice %arg7[%add3A_873, %dma_wait3A_874] : memref<204800x768xf32, #tpu.memory_space<hbm>> -> memref<64x128xf32, #tpu.memory_space<hbm>>
      %dma_wait3A_876 = arith.constant 512 : i32
      %dma_wait3A_877 = tpu.memref_slice %arg7[%add3A_873, %dma_wait3A_876] : memref<204800x768xf32, #tpu.memory_space<hbm>> -> memref<64x128xf32, #tpu.memory_space<hbm>>
      tpu.wait_dma2 semaphore(%arg36 : memref<!tpu.dma_semaphore, #tpu.memory_space<semaphore_mem>>) src(%arg31 : memref<64x128xf32, #tpu.memory_space<vmem>>) dst(%dma_wait3A_877 : memref<64x128xf32, #tpu.memory_space<hbm>>)
      %mul3A_878 = arith.constant 64 : i32
      %mul3A_879 = arith.muli %sub3A_842, %mul3A_878 : i32
      %add3A_880 = arith.addi %mul3A_2, %mul3A_879 : i32
      %dma_wait3A_881 = arith.constant 640 : i32
      %dma_wait3A_882 = tpu.memref_slice %arg7[%add3A_880, %dma_wait3A_881] : memref<204800x768xf32, #tpu.memory_space<hbm>> -> memref<64x128xf32, #tpu.memory_space<hbm>>
      %dma_wait3A_883 = arith.constant 640 : i32
      %dma_wait3A_884 = tpu.memref_slice %arg7[%add3A_880, %dma_wait3A_883] : memref<204800x768xf32, #tpu.memory_space<hbm>> -> memref<64x128xf32, #tpu.memory_space<hbm>>
      tpu.wait_dma2 semaphore(%arg36 : memref<!tpu.dma_semaphore, #tpu.memory_space<semaphore_mem>>) src(%arg32 : memref<64x128xf32, #tpu.memory_space<vmem>>) dst(%dma_wait3A_884 : memref<64x128xf32, #tpu.memory_space<hbm>>)
      %get3A_885 = arith.constant 0 : i32
      %get3A_886 = arith.index_cast %get3A_885 : i32 to index
      %get3A_887 = arith.constant 64 : index
      %get3A_888 = tpu.vector_load %arg8[%get3A_886, %get3A_887] {strides = array<i32>} : memref<4x128xi32, #tpu.memory_space<vmem>>, vector<1x16xi32>,
      %get3A_889 = vector.shape_cast %get3A_888 : vector<1x16xi32> to vector<16xi32>
      %get3A_890 = arith.constant 1 : i32
      %get3A_891 = arith.index_cast %get3A_890 : i32 to index
      %get3A_892 = arith.constant 64 : index
      %get3A_893 = tpu.vector_load %arg8[%get3A_891, %get3A_892] {strides = array<i32>} : memref<4x128xi32, #tpu.memory_space<vmem>>, vector<1x16xi32>,
      %get3A_894 = vector.shape_cast %get3A_893 : vector<1x16xi32> to vector<16xi32>
      %get3A_895 = arith.constant 2 : i32
      %get3A_896 = arith.index_cast %get3A_895 : i32 to index
      %get3A_897 = arith.constant 64 : index
      %get3A_898 = tpu.vector_load %arg8[%get3A_896, %get3A_897] {strides = array<i32>} : memref<4x128xi32, #tpu.memory_space<vmem>>, vector<1x16xi32>,
      %get3A_899 = vector.shape_cast %get3A_898 : vector<1x16xi32> to vector<16xi32>
      %get3A_900 = arith.constant 3 : i32
      %get3A_901 = arith.index_cast %get3A_900 : i32 to index
      %get3A_902 = arith.constant 64 : index
      %get3A_903 = tpu.vector_load %arg8[%get3A_901, %get3A_902] {strides = array<i32>} : memref<4x128xi32, #tpu.memory_space<vmem>>, vector<1x16xi32>,
      %get3A_904 = vector.shape_cast %get3A_903 : vector<1x16xi32> to vector<16xi32>
      %swap3A_905 = arith.constant 0 : index
      %swap3A_906 = tpu.vector_load %arg15[%swap3A_905] {strides = array<i32>} : memref<64xi32, #tpu.memory_space<vmem>>, vector<16xi32>,
      %swap3A_907 = vector.shape_cast %swap3A_906 : vector<16xi32> to vector<16xi32>
      %swap3A_908 = vector.shape_cast %get3A_889 : vector<16xi32> to vector<16xi32>
      tpu.vector_store %arg15[%swap3A_905], %swap3A_908 {strides = array<i32>} : memref<64xi32, #tpu.memory_space<vmem>>, vector<16xi32>,
      %swap3A_909 = arith.constant 0 : index
      %swap3A_910 = tpu.vector_load %arg16[%swap3A_909] {strides = array<i32>} : memref<64xi32, #tpu.memory_space<vmem>>, vector<16xi32>,
      %swap3A_911 = vector.shape_cast %swap3A_910 : vector<16xi32> to vector<16xi32>
      %swap3A_912 = vector.shape_cast %get3A_894 : vector<16xi32> to vector<16xi32>
      tpu.vector_store %arg16[%swap3A_909], %swap3A_912 {strides = array<i32>} : memref<64xi32, #tpu.memory_space<vmem>>, vector<16xi32>,
      %swap3A_913 = arith.constant 0 : index
      %swap3A_914 = tpu.vector_load %arg17[%swap3A_913] {strides = array<i32>} : memref<64xi32, #tpu.memory_space<vmem>>, vector<16xi32>,
      %swap3A_915 = vector.shape_cast %swap3A_914 : vector<16xi32> to vector<16xi32>
      %swap3A_916 = vector.shape_cast %get3A_899 : vector<16xi32> to vector<16xi32>
      tpu.vector_store %arg17[%swap3A_913], %swap3A_916 {strides = array<i32>} : memref<64xi32, #tpu.memory_space<vmem>>, vector<16xi32>,
      %swap3A_917 = arith.constant 0 : index
      %swap3A_918 = tpu.vector_load %arg18[%swap3A_917] {strides = array<i32>} : memref<64xi32, #tpu.memory_space<vmem>>, vector<16xi32>,
      %swap3A_919 = vector.shape_cast %swap3A_918 : vector<16xi32> to vector<16xi32>
      %swap3A_920 = vector.shape_cast %get3A_904 : vector<16xi32> to vector<16xi32>
      tpu.vector_store %arg18[%swap3A_917], %swap3A_920 {strides = array<i32>} : memref<64xi32, #tpu.memory_space<vmem>>, vector<16xi32>,
      %sub3A_921 = arith.subi %get3A_904, %get3A_894 : vector<16xi32>
      %swap3A_922 = arith.constant 0 : index
      %swap3A_923 = tpu.vector_load %arg19[%swap3A_922] {strides = array<i32>} : memref<64xi32, #tpu.memory_space<vmem>>, vector<16xi32>,
      %swap3A_924 = vector.shape_cast %swap3A_923 : vector<16xi32> to vector<16xi32>
      %swap3A_925 = vector.shape_cast %sub3A_921 : vector<16xi32> to vector<16xi32>
      tpu.vector_store %arg19[%swap3A_922], %swap3A_925 {strides = array<i32>} : memref<64xi32, #tpu.memory_space<vmem>>, vector<16xi32>,
      %sub3A_926 = arith.subi %get3A_899, %get3A_889 : vector<16xi32>
      %swap3A_927 = arith.constant 0 : index
      %swap3A_928 = tpu.vector_load %arg20[%swap3A_927] {strides = array<i32>} : memref<64xi32, #tpu.memory_space<vmem>>, vector<16xi32>,
      %swap3A_929 = vector.shape_cast %swap3A_928 : vector<16xi32> to vector<16xi32>
      %swap3A_930 = vector.shape_cast %sub3A_926 : vector<16xi32> to vector<16xi32>
      tpu.vector_store %arg20[%swap3A_927], %swap3A_930 {strides = array<i32>} : memref<64xi32, #tpu.memory_space<vmem>>, vector<16xi32>,
      %get3A_931 = arith.constant 0 : i32
      %get3A_932 = arith.index_cast %get3A_931 : i32 to index
      %get3A_933 = arith.constant 80 : index
      %get3A_934 = tpu.vector_load %arg8[%get3A_932, %get3A_933] {strides = array<i32>} : memref<4x128xi32, #tpu.memory_space<vmem>>, vector<1x16xi32>,
      %get3A_935 = vector.shape_cast %get3A_934 : vector<1x16xi32> to vector<16xi32>
      %get3A_936 = arith.constant 1 : i32
      %get3A_937 = arith.index_cast %get3A_936 : i32 to index
      %get3A_938 = arith.constant 80 : index
      %get3A_939 = tpu.vector_load %arg8[%get3A_937, %get3A_938] {strides = array<i32>} : memref<4x128xi32, #tpu.memory_space<vmem>>, vector<1x16xi32>,
      %get3A_940 = vector.shape_cast %get3A_939 : vector<1x16xi32> to vector<16xi32>
      %get3A_941 = arith.constant 2 : i32
      %get3A_942 = arith.index_cast %get3A_941 : i32 to index
      %get3A_943 = arith.constant 80 : index
      %get3A_944 = tpu.vector_load %arg8[%get3A_942, %get3A_943] {strides = array<i32>} : memref<4x128xi32, #tpu.memory_space<vmem>>, vector<1x16xi32>,
      %get3A_945 = vector.shape_cast %get3A_944 : vector<1x16xi32> to vector<16xi32>
      %get3A_946 = arith.constant 3 : i32
      %get3A_947 = arith.index_cast %get3A_946 : i32 to index
      %get3A_948 = arith.constant 80 : index
      %get3A_949 = tpu.vector_load %arg8[%get3A_947, %get3A_948] {strides = array<i32>} : memref<4x128xi32, #tpu.memory_space<vmem>>, vector<1x16xi32>,
      %get3A_950 = vector.shape_cast %get3A_949 : vector<1x16xi32> to vector<16xi32>
      %swap3A_951 = arith.constant 16 : index
      %swap3A_952 = tpu.vector_load %arg15[%swap3A_951] {strides = array<i32>} : memref<64xi32, #tpu.memory_space<vmem>>, vector<16xi32>,
      %swap3A_953 = vector.shape_cast %swap3A_952 : vector<16xi32> to vector<16xi32>
      %swap3A_954 = vector.shape_cast %get3A_935 : vector<16xi32> to vector<16xi32>
      tpu.vector_store %arg15[%swap3A_951], %swap3A_954 {strides = array<i32>} : memref<64xi32, #tpu.memory_space<vmem>>, vector<16xi32>,
      %swap3A_955 = arith.constant 16 : index
      %swap3A_956 = tpu.vector_load %arg16[%swap3A_955] {strides = array<i32>} : memref<64xi32, #tpu.memory_space<vmem>>, vector<16xi32>,
      %swap3A_957 = vector.shape_cast %swap3A_956 : vector<16xi32> to vector<16xi32>
      %swap3A_958 = vector.shape_cast %get3A_940 : vector<16xi32> to vector<16xi32>
      tpu.vector_store %arg16[%swap3A_955], %swap3A_958 {strides = array<i32>} : memref<64xi32, #tpu.memory_space<vmem>>, vector<16xi32>,
      %swap3A_959 = arith.constant 16 : index
      %swap3A_960 = tpu.vector_load %arg17[%swap3A_959] {strides = array<i32>} : memref<64xi32, #tpu.memory_space<vmem>>, vector<16xi32>,
      %swap3A_961 = vector.shape_cast %swap3A_960 : vector<16xi32> to vector<16xi32>
      %swap3A_962 = vector.shape_cast %get3A_945 : vector<16xi32> to vector<16xi32>
      tpu.vector_store %arg17[%swap3A_959], %swap3A_962 {strides = array<i32>} : memref<64xi32, #tpu.memory_space<vmem>>, vector<16xi32>,
      %swap3A_963 = arith.constant 16 : index
      %swap3A_964 = tpu.vector_load %arg18[%swap3A_963] {strides = array<i32>} : memref<64xi32, #tpu.memory_space<vmem>>, vector<16xi32>,
      %swap3A_965 = vector.shape_cast %swap3A_964 : vector<16xi32> to vector<16xi32>
      %swap3A_966 = vector.shape_cast %get3A_950 : vector<16xi32> to vector<16xi32>
      tpu.vector_store %arg18[%swap3A_963], %swap3A_966 {strides = array<i32>} : memref<64xi32, #tpu.memory_space<vmem>>, vector<16xi32>,
      %sub3A_967 = arith.subi %get3A_950, %get3A_940 : vector<16xi32>
      %swap3A_968 = arith.constant 16 : index
      %swap3A_969 = tpu.vector_load %arg19[%swap3A_968] {strides = array<i32>} : memref<64xi32, #tpu.memory_space<vmem>>, vector<16xi32>,
      %swap3A_970 = vector.shape_cast %swap3A_969 : vector<16xi32> to vector<16xi32>
      %swap3A_971 = vector.shape_cast %sub3A_967 : vector<16xi32> to vector<16xi32>
      tpu.vector_store %arg19[%swap3A_968], %swap3A_971 {strides = array<i32>} : memref<64xi32, #tpu.memory_space<vmem>>, vector<16xi32>,
      %sub3A_972 = arith.subi %get3A_945, %get3A_935 : vector<16xi32>
      %swap3A_973 = arith.constant 16 : index
      %swap3A_974 = tpu.vector_load %arg20[%swap3A_973] {strides = array<i32>} : memref<64xi32, #tpu.memory_space<vmem>>, vector<16xi32>,
      %swap3A_975 = vector.shape_cast %swap3A_974 : vector<16xi32> to vector<16xi32>
      %swap3A_976 = vector.shape_cast %sub3A_972 : vector<16xi32> to vector<16xi32>
      tpu.vector_store %arg20[%swap3A_973], %swap3A_976 {strides = array<i32>} : memref<64xi32, #tpu.memory_space<vmem>>, vector<16xi32>,
      %get3A_977 = arith.constant 0 : i32
      %get3A_978 = arith.index_cast %get3A_977 : i32 to index
      %get3A_979 = arith.constant 96 : index
      %get3A_980 = tpu.vector_load %arg8[%get3A_978, %get3A_979] {strides = array<i32>} : memref<4x128xi32, #tpu.memory_space<vmem>>, vector<1x16xi32>,
      %get3A_981 = vector.shape_cast %get3A_980 : vector<1x16xi32> to vector<16xi32>
      %get3A_982 = arith.constant 1 : i32
      %get3A_983 = arith.index_cast %get3A_982 : i32 to index
      %get3A_984 = arith.constant 96 : index
      %get3A_985 = tpu.vector_load %arg8[%get3A_983, %get3A_984] {strides = array<i32>} : memref<4x128xi32, #tpu.memory_space<vmem>>, vector<1x16xi32>,
      %get3A_986 = vector.shape_cast %get3A_985 : vector<1x16xi32> to vector<16xi32>
      %get3A_987 = arith.constant 2 : i32
      %get3A_988 = arith.index_cast %get3A_987 : i32 to index
      %get3A_989 = arith.constant 96 : index
      %get3A_990 = tpu.vector_load %arg8[%get3A_988, %get3A_989] {strides = array<i32>} : memref<4x128xi32, #tpu.memory_space<vmem>>, vector<1x16xi32>,
      %get3A_991 = vector.shape_cast %get3A_990 : vector<1x16xi32> to vector<16xi32>
      %get3A_992 = arith.constant 3 : i32
      %get3A_993 = arith.index_cast %get3A_992 : i32 to index
      %get3A_994 = arith.constant 96 : index
      %get3A_995 = tpu.vector_load %arg8[%get3A_993, %get3A_994] {strides = array<i32>} : memref<4x128xi32, #tpu.memory_space<vmem>>, vector<1x16xi32>,
      %get3A_996 = vector.shape_cast %get3A_995 : vector<1x16xi32> to vector<16xi32>
      %swap3A_997 = arith.constant 32 : index
      %swap3A_998 = tpu.vector_load %arg15[%swap3A_997] {strides = array<i32>} : memref<64xi32, #tpu.memory_space<vmem>>, vector<16xi32>,
      %swap3A_999 = vector.shape_cast %swap3A_998 : vector<16xi32> to vector<16xi32>
      %swap3A_1000 = vector.shape_cast %get3A_981 : vector<16xi32> to vector<16xi32>
      tpu.vector_store %arg15[%swap3A_997], %swap3A_1000 {strides = array<i32>} : memref<64xi32, #tpu.memory_space<vmem>>, vector<16xi32>,
      %swap3A_1001 = arith.constant 32 : index
      %swap3A_1002 = tpu.vector_load %arg16[%swap3A_1001] {strides = array<i32>} : memref<64xi32, #tpu.memory_space<vmem>>, vector<16xi32>,
      %swap3A_1003 = vector.shape_cast %swap3A_1002 : vector<16xi32> to vector<16xi32>
      %swap3A_1004 = vector.shape_cast %get3A_986 : vector<16xi32> to vector<16xi32>
      tpu.vector_store %arg16[%swap3A_1001], %swap3A_1004 {strides = array<i32>} : memref<64xi32, #tpu.memory_space<vmem>>, vector<16xi32>,
      %swap3A_1005 = arith.constant 32 : index
      %swap3A_1006 = tpu.vector_load %arg17[%swap3A_1005] {strides = array<i32>} : memref<64xi32, #tpu.memory_space<vmem>>, vector<16xi32>,
      %swap3A_1007 = vector.shape_cast %swap3A_1006 : vector<16xi32> to vector<16xi32>
      %swap3A_1008 = vector.shape_cast %get3A_991 : vector<16xi32> to vector<16xi32>
      tpu.vector_store %arg17[%swap3A_1005], %swap3A_1008 {strides = array<i32>} : memref<64xi32, #tpu.memory_space<vmem>>, vector<16xi32>,
      %swap3A_1009 = arith.constant 32 : index
      %swap3A_1010 = tpu.vector_load %arg18[%swap3A_1009] {strides = array<i32>} : memref<64xi32, #tpu.memory_space<vmem>>, vector<16xi32>,
      %swap3A_1011 = vector.shape_cast %swap3A_1010 : vector<16xi32> to vector<16xi32>
      %swap3A_1012 = vector.shape_cast %get3A_996 : vector<16xi32> to vector<16xi32>
      tpu.vector_store %arg18[%swap3A_1009], %swap3A_1012 {strides = array<i32>} : memref<64xi32, #tpu.memory_space<vmem>>, vector<16xi32>,
      %sub3A_1013 = arith.subi %get3A_996, %get3A_986 : vector<16xi32>
      %swap3A_1014 = arith.constant 32 : index
      %swap3A_1015 = tpu.vector_load %arg19[%swap3A_1014] {strides = array<i32>} : memref<64xi32, #tpu.memory_space<vmem>>, vector<16xi32>,
      %swap3A_1016 = vector.shape_cast %swap3A_1015 : vector<16xi32> to vector<16xi32>
      %swap3A_1017 = vector.shape_cast %sub3A_1013 : vector<16xi32> to vector<16xi32>
      tpu.vector_store %arg19[%swap3A_1014], %swap3A_1017 {strides = array<i32>} : memref<64xi32, #tpu.memory_space<vmem>>, vector<16xi32>,
      %sub3A_1018 = arith.subi %get3A_991, %get3A_981 : vector<16xi32>
      %swap3A_1019 = arith.constant 32 : index
      %swap3A_1020 = tpu.vector_load %arg20[%swap3A_1019] {strides = array<i32>} : memref<64xi32, #tpu.memory_space<vmem>>, vector<16xi32>,
      %swap3A_1021 = vector.shape_cast %swap3A_1020 : vector<16xi32> to vector<16xi32>
      %swap3A_1022 = vector.shape_cast %sub3A_1018 : vector<16xi32> to vector<16xi32>
      tpu.vector_store %arg20[%swap3A_1019], %swap3A_1022 {strides = array<i32>} : memref<64xi32, #tpu.memory_space<vmem>>, vector<16xi32>,
      %get3A_1023 = arith.constant 0 : i32
      %get3A_1024 = arith.index_cast %get3A_1023 : i32 to index
      %get3A_1025 = arith.constant 112 : index
      %get3A_1026 = tpu.vector_load %arg8[%get3A_1024, %get3A_1025] {strides = array<i32>} : memref<4x128xi32, #tpu.memory_space<vmem>>, vector<1x16xi32>,
      %get3A_1027 = vector.shape_cast %get3A_1026 : vector<1x16xi32> to vector<16xi32>
      %get3A_1028 = arith.constant 1 : i32
      %get3A_1029 = arith.index_cast %get3A_1028 : i32 to index
      %get3A_1030 = arith.constant 112 : index
      %get3A_1031 = tpu.vector_load %arg8[%get3A_1029, %get3A_1030] {strides = array<i32>} : memref<4x128xi32, #tpu.memory_space<vmem>>, vector<1x16xi32>,
      %get3A_1032 = vector.shape_cast %get3A_1031 : vector<1x16xi32> to vector<16xi32>
      %get3A_1033 = arith.constant 2 : i32
      %get3A_1034 = arith.index_cast %get3A_1033 : i32 to index
      %get3A_1035 = arith.constant 112 : index
      %get3A_1036 = tpu.vector_load %arg8[%get3A_1034, %get3A_1035] {strides = array<i32>} : memref<4x128xi32, #tpu.memory_space<vmem>>, vector<1x16xi32>,
      %get3A_1037 = vector.shape_cast %get3A_1036 : vector<1x16xi32> to vector<16xi32>
      %get3A_1038 = arith.constant 3 : i32
      %get3A_1039 = arith.index_cast %get3A_1038 : i32 to index
      %get3A_1040 = arith.constant 112 : index
      %get3A_1041 = tpu.vector_load %arg8[%get3A_1039, %get3A_1040] {strides = array<i32>} : memref<4x128xi32, #tpu.memory_space<vmem>>, vector<1x16xi32>,
      %get3A_1042 = vector.shape_cast %get3A_1041 : vector<1x16xi32> to vector<16xi32>
      %swap3A_1043 = arith.constant 48 : index
      %swap3A_1044 = tpu.vector_load %arg15[%swap3A_1043] {strides = array<i32>} : memref<64xi32, #tpu.memory_space<vmem>>, vector<16xi32>,
      %swap3A_1045 = vector.shape_cast %swap3A_1044 : vector<16xi32> to vector<16xi32>
      %swap3A_1046 = vector.shape_cast %get3A_1027 : vector<16xi32> to vector<16xi32>
      tpu.vector_store %arg15[%swap3A_1043], %swap3A_1046 {strides = array<i32>} : memref<64xi32, #tpu.memory_space<vmem>>, vector<16xi32>,
      %swap3A_1047 = arith.constant 48 : index
      %swap3A_1048 = tpu.vector_load %arg16[%swap3A_1047] {strides = array<i32>} : memref<64xi32, #tpu.memory_space<vmem>>, vector<16xi32>,
      %swap3A_1049 = vector.shape_cast %swap3A_1048 : vector<16xi32> to vector<16xi32>
      %swap3A_1050 = vector.shape_cast %get3A_1032 : vector<16xi32> to vector<16xi32>
      tpu.vector_store %arg16[%swap3A_1047], %swap3A_1050 {strides = array<i32>} : memref<64xi32, #tpu.memory_space<vmem>>, vector<16xi32>,
      %swap3A_1051 = arith.constant 48 : index
      %swap3A_1052 = tpu.vector_load %arg17[%swap3A_1051] {strides = array<i32>} : memref<64xi32, #tpu.memory_space<vmem>>, vector<16xi32>,
      %swap3A_1053 = vector.shape_cast %swap3A_1052 : vector<16xi32> to vector<16xi32>
      %swap3A_1054 = vector.shape_cast %get3A_1037 : vector<16xi32> to vector<16xi32>
      tpu.vector_store %arg17[%swap3A_1051], %swap3A_1054 {strides = array<i32>} : memref<64xi32, #tpu.memory_space<vmem>>, vector<16xi32>,
      %swap3A_1055 = arith.constant 48 : index
      %swap3A_1056 = tpu.vector_load %arg18[%swap3A_1055] {strides = array<i32>} : memref<64xi32, #tpu.memory_space<vmem>>, vector<16xi32>,
      %swap3A_1057 = vector.shape_cast %swap3A_1056 : vector<16xi32> to vector<16xi32>
      %swap3A_1058 = vector.shape_cast %get3A_1042 : vector<16xi32> to vector<16xi32>
      tpu.vector_store %arg18[%swap3A_1055], %swap3A_1058 {strides = array<i32>} : memref<64xi32, #tpu.memory_space<vmem>>, vector<16xi32>,
      %sub3A_1059 = arith.subi %get3A_1042, %get3A_1032 : vector<16xi32>
      %swap3A_1060 = arith.constant 48 : index
      %swap3A_1061 = tpu.vector_load %arg19[%swap3A_1060] {strides = array<i32>} : memref<64xi32, #tpu.memory_space<vmem>>, vector<16xi32>,
      %swap3A_1062 = vector.shape_cast %swap3A_1061 : vector<16xi32> to vector<16xi32>
      %swap3A_1063 = vector.shape_cast %sub3A_1059 : vector<16xi32> to vector<16xi32>
      tpu.vector_store %arg19[%swap3A_1060], %swap3A_1063 {strides = array<i32>} : memref<64xi32, #tpu.memory_space<vmem>>, vector<16xi32>,
      %sub3A_1064 = arith.subi %get3A_1037, %get3A_1027 : vector<16xi32>
      %swap3A_1065 = arith.constant 48 : index
      %swap3A_1066 = tpu.vector_load %arg20[%swap3A_1065] {strides = array<i32>} : memref<64xi32, #tpu.memory_space<vmem>>, vector<16xi32>,
      %swap3A_1067 = vector.shape_cast %swap3A_1066 : vector<16xi32> to vector<16xi32>
      %swap3A_1068 = vector.shape_cast %sub3A_1064 : vector<16xi32> to vector<16xi32>
      tpu.vector_store %arg20[%swap3A_1065], %swap3A_1068 {strides = array<i32>} : memref<64xi32, #tpu.memory_space<vmem>>, vector<16xi32>,
      %dma_start3A_1069 = arith.constant 0 : i32
      %dma_start3A_1070 = arith.constant 0 : i32
      %dma_start3A_1071 = tpu.memref_slice %arg6[%dma_start3A_1069, %dma_start3A_1070] : memref<1024x128xf32, #tpu.memory_space<hbm>> -> memref<1024x128xf32, #tpu.memory_space<hbm>>
      tpu.enqueue_indirect_dma source(%dma_start3A_1071 : memref<1024x128xf32, #tpu.memory_space<hbm>>) target(%arg32 : memref<64x128xf32, #tpu.memory_space<vmem>>) offsets(%arg20 : memref<64xi32, #tpu.memory_space<vmem>>) semaphore(%arg34 : memref<!tpu.dma_semaphore, #tpu.memory_space<semaphore_mem>>)
      %dma_start3A_1072 = arith.constant 0 : i32
      %dma_start3A_1073 = arith.constant 0 : i32
      %dma_start3A_1074 = tpu.memref_slice %arg4[%dma_start3A_1072, %dma_start3A_1073] : memref<1024x128xf32, #tpu.memory_space<hbm>> -> memref<1024x128xf32, #tpu.memory_space<hbm>>
      tpu.enqueue_indirect_dma source(%dma_start3A_1074 : memref<1024x128xf32, #tpu.memory_space<hbm>>) target(%arg30 : memref<64x128xf32, #tpu.memory_space<vmem>>) offsets(%arg18 : memref<64xi32, #tpu.memory_space<vmem>>) semaphore(%arg34 : memref<!tpu.dma_semaphore, #tpu.memory_space<semaphore_mem>>)
      "tpu.region"() ({
        %run_scoped3A = tpu.sem_alloc : memref<!tpu.dma_semaphore, #tpu.memory_space<semaphore_mem>>
        %dma_start3A_1124 = arith.constant 0 : i32
        %dma_start3A_1125 = arith.constant 0 : i32
        %dma_start3A_1126 = tpu.memref_slice %arg37[%dma_start3A_1124, %dma_start3A_1125] : memref<1024x128xf32, #tpu.memory_space<vmem_shared>> -> memref<1024x128xf32, #tpu.memory_space<vmem_shared>>
        tpu.enqueue_indirect_dma source(%dma_start3A_1126 : memref<1024x128xf32, #tpu.memory_space<vmem_shared>>) target(%arg27 : memref<64x128xf32, #tpu.memory_space<vmem>>) offsets(%arg15 : memref<64xi32, #tpu.memory_space<vmem>>) semaphore(%run_scoped3A : memref<!tpu.dma_semaphore, #tpu.memory_space<semaphore_mem>>)
        %dma_wait3A_1127 = arith.constant 0 : i32
        %dma_wait3A_1128 = arith.constant 0 : i32
        %dma_wait3A_1129 = tpu.memref_slice %arg37[%dma_wait3A_1127, %dma_wait3A_1128] : memref<1024x128xf32, #tpu.memory_space<vmem_shared>> -> memref<1024x128xf32, #tpu.memory_space<vmem_shared>>
        tpu.wait_indirect_dma semaphore(%run_scoped3A : memref<!tpu.dma_semaphore, #tpu.memory_space<semaphore_mem>>) src(%dma_wait3A_1129 : memref<1024x128xf32, #tpu.memory_space<vmem_shared>>) dst(%arg27 : memref<64x128xf32, #tpu.memory_space<vmem>>)
        tpu.yield
      }) : () -> ()
      %mul3A_1075 = arith.constant 64 : i32
      %mul3A_1076 = arith.muli %add3A_840, %mul3A_1075 : i32
      %add3A_1077 = arith.addi %mul3A_2, %mul3A_1076 : i32
      %dma_start3A_1078 = arith.constant 0 : i32
      %dma_start3A_1079 = tpu.memref_slice %arg7[%add3A_1077, %dma_start3A_1078] : memref<204800x768xf32, #tpu.memory_space<hbm>> -> memref<64x128xf32, #tpu.memory_space<hbm>>
      %dma_start3A_1080 = arith.constant 0 : i32
      %dma_start3A_1081 = tpu.memref_slice %arg7[%add3A_1077, %dma_start3A_1080] : memref<204800x768xf32, #tpu.memory_space<hbm>> -> memref<64x128xf32, #tpu.memory_space<hbm>>
      tpu.enqueue_dma source(%arg27 : memref<64x128xf32, #tpu.memory_space<vmem>>) target(%dma_start3A_1081 : memref<64x128xf32, #tpu.memory_space<hbm>>) target_semaphore(%arg36 : memref<!tpu.dma_semaphore, #tpu.memory_space<semaphore_mem>>)
      "tpu.region"() ({
        %run_scoped3A = tpu.sem_alloc : memref<!tpu.dma_semaphore, #tpu.memory_space<semaphore_mem>>
        %dma_start3A_1124 = arith.constant 0 : i32
        %dma_start3A_1125 = arith.constant 0 : i32
        %dma_start3A_1126 = tpu.memref_slice %arg38[%dma_start3A_1124, %dma_start3A_1125] : memref<1024x128xf32, #tpu.memory_space<vmem_shared>> -> memref<1024x128xf32, #tpu.memory_space<vmem_shared>>
        tpu.enqueue_indirect_dma source(%dma_start3A_1126 : memref<1024x128xf32, #tpu.memory_space<vmem_shared>>) target(%arg28 : memref<64x128xf32, #tpu.memory_space<vmem>>) offsets(%arg16 : memref<64xi32, #tpu.memory_space<vmem>>) semaphore(%run_scoped3A : memref<!tpu.dma_semaphore, #tpu.memory_space<semaphore_mem>>)
        %dma_wait3A_1127 = arith.constant 0 : i32
        %dma_wait3A_1128 = arith.constant 0 : i32
        %dma_wait3A_1129 = tpu.memref_slice %arg38[%dma_wait3A_1127, %dma_wait3A_1128] : memref<1024x128xf32, #tpu.memory_space<vmem_shared>> -> memref<1024x128xf32, #tpu.memory_space<vmem_shared>>
        tpu.wait_indirect_dma semaphore(%run_scoped3A : memref<!tpu.dma_semaphore, #tpu.memory_space<semaphore_mem>>) src(%dma_wait3A_1129 : memref<1024x128xf32, #tpu.memory_space<vmem_shared>>) dst(%arg28 : memref<64x128xf32, #tpu.memory_space<vmem>>)
        tpu.yield
      }) : () -> ()
      %mul3A_1082 = arith.constant 64 : i32
      %mul3A_1083 = arith.muli %add3A_840, %mul3A_1082 : i32
      %add3A_1084 = arith.addi %mul3A_2, %mul3A_1083 : i32
      %dma_start3A_1085 = arith.constant 128 : i32
      %dma_start3A_1086 = tpu.memref_slice %arg7[%add3A_1084, %dma_start3A_1085] : memref<204800x768xf32, #tpu.memory_space<hbm>> -> memref<64x128xf32, #tpu.memory_space<hbm>>
      %dma_start3A_1087 = arith.constant 128 : i32
      %dma_start3A_1088 = tpu.memref_slice %arg7[%add3A_1084, %dma_start3A_1087] : memref<204800x768xf32, #tpu.memory_space<hbm>> -> memref<64x128xf32, #tpu.memory_space<hbm>>
      tpu.enqueue_dma source(%arg28 : memref<64x128xf32, #tpu.memory_space<vmem>>) target(%dma_start3A_1088 : memref<64x128xf32, #tpu.memory_space<hbm>>) target_semaphore(%arg36 : memref<!tpu.dma_semaphore, #tpu.memory_space<semaphore_mem>>)
      "tpu.region"() ({
        %run_scoped3A = tpu.sem_alloc : memref<!tpu.dma_semaphore, #tpu.memory_space<semaphore_mem>>
        %dma_start3A_1124 = arith.constant 0 : i32
        %dma_start3A_1125 = arith.constant 0 : i32
        %dma_start3A_1126 = tpu.memref_slice %arg37[%dma_start3A_1124, %dma_start3A_1125] : memref<1024x128xf32, #tpu.memory_space<vmem_shared>> -> memref<1024x128xf32, #tpu.memory_space<vmem_shared>>
        tpu.enqueue_indirect_dma source(%dma_start3A_1126 : memref<1024x128xf32, #tpu.memory_space<vmem_shared>>) target(%arg29 : memref<64x128xf32, #tpu.memory_space<vmem>>) offsets(%arg17 : memref<64xi32, #tpu.memory_space<vmem>>) semaphore(%run_scoped3A : memref<!tpu.dma_semaphore, #tpu.memory_space<semaphore_mem>>)
        %dma_wait3A_1127 = arith.constant 0 : i32
        %dma_wait3A_1128 = arith.constant 0 : i32
        %dma_wait3A_1129 = tpu.memref_slice %arg37[%dma_wait3A_1127, %dma_wait3A_1128] : memref<1024x128xf32, #tpu.memory_space<vmem_shared>> -> memref<1024x128xf32, #tpu.memory_space<vmem_shared>>
        tpu.wait_indirect_dma semaphore(%run_scoped3A : memref<!tpu.dma_semaphore, #tpu.memory_space<semaphore_mem>>) src(%dma_wait3A_1129 : memref<1024x128xf32, #tpu.memory_space<vmem_shared>>) dst(%arg29 : memref<64x128xf32, #tpu.memory_space<vmem>>)
        tpu.yield
      }) : () -> ()
      %mul3A_1089 = arith.constant 64 : i32
      %mul3A_1090 = arith.muli %add3A_840, %mul3A_1089 : i32
      %add3A_1091 = arith.addi %mul3A_2, %mul3A_1090 : i32
      %dma_start3A_1092 = arith.constant 256 : i32
      %dma_start3A_1093 = tpu.memref_slice %arg7[%add3A_1091, %dma_start3A_1092] : memref<204800x768xf32, #tpu.memory_space<hbm>> -> memref<64x128xf32, #tpu.memory_space<hbm>>
      %dma_start3A_1094 = arith.constant 256 : i32
      %dma_start3A_1095 = tpu.memref_slice %arg7[%add3A_1091, %dma_start3A_1094] : memref<204800x768xf32, #tpu.memory_space<hbm>> -> memref<64x128xf32, #tpu.memory_space<hbm>>
      tpu.enqueue_dma source(%arg29 : memref<64x128xf32, #tpu.memory_space<vmem>>) target(%dma_start3A_1095 : memref<64x128xf32, #tpu.memory_space<hbm>>) target_semaphore(%arg36 : memref<!tpu.dma_semaphore, #tpu.memory_space<semaphore_mem>>)
      "tpu.region"() ({
        %run_scoped3A = tpu.sem_alloc : memref<!tpu.dma_semaphore, #tpu.memory_space<semaphore_mem>>
        %dma_start3A_1124 = arith.constant 0 : i32
        %dma_start3A_1125 = arith.constant 0 : i32
        %dma_start3A_1126 = tpu.memref_slice %arg39[%dma_start3A_1124, %dma_start3A_1125] : memref<1024x128xf32, #tpu.memory_space<vmem_shared>> -> memref<1024x128xf32, #tpu.memory_space<vmem_shared>>
        tpu.enqueue_indirect_dma source(%dma_start3A_1126 : memref<1024x128xf32, #tpu.memory_space<vmem_shared>>) target(%arg31 : memref<64x128xf32, #tpu.memory_space<vmem>>) offsets(%arg19 : memref<64xi32, #tpu.memory_space<vmem>>) semaphore(%run_scoped3A : memref<!tpu.dma_semaphore, #tpu.memory_space<semaphore_mem>>)
        %dma_wait3A_1127 = arith.constant 0 : i32
        %dma_wait3A_1128 = arith.constant 0 : i32
        %dma_wait3A_1129 = tpu.memref_slice %arg39[%dma_wait3A_1127, %dma_wait3A_1128] : memref<1024x128xf32, #tpu.memory_space<vmem_shared>> -> memref<1024x128xf32, #tpu.memory_space<vmem_shared>>
        tpu.wait_indirect_dma semaphore(%run_scoped3A : memref<!tpu.dma_semaphore, #tpu.memory_space<semaphore_mem>>) src(%dma_wait3A_1129 : memref<1024x128xf32, #tpu.memory_space<vmem_shared>>) dst(%arg31 : memref<64x128xf32, #tpu.memory_space<vmem>>)
        tpu.yield
      }) : () -> ()
      %mul3A_1096 = arith.constant 64 : i32
      %mul3A_1097 = arith.muli %add3A_840, %mul3A_1096 : i32
      %add3A_1098 = arith.addi %mul3A_2, %mul3A_1097 : i32
      %dma_start3A_1099 = arith.constant 512 : i32
      %dma_start3A_1100 = tpu.memref_slice %arg7[%add3A_1098, %dma_start3A_1099] : memref<204800x768xf32, #tpu.memory_space<hbm>> -> memref<64x128xf32, #tpu.memory_space<hbm>>
      %dma_start3A_1101 = arith.constant 512 : i32
      %dma_start3A_1102 = tpu.memref_slice %arg7[%add3A_1098, %dma_start3A_1101] : memref<204800x768xf32, #tpu.memory_space<hbm>> -> memref<64x128xf32, #tpu.memory_space<hbm>>
      tpu.enqueue_dma source(%arg31 : memref<64x128xf32, #tpu.memory_space<vmem>>) target(%dma_start3A_1102 : memref<64x128xf32, #tpu.memory_space<hbm>>) target_semaphore(%arg36 : memref<!tpu.dma_semaphore, #tpu.memory_space<semaphore_mem>>)
      %dma_wait3A_1103 = arith.constant 0 : i32
      %dma_wait3A_1104 = arith.constant 0 : i32
      %dma_wait3A_1105 = tpu.memref_slice %arg4[%dma_wait3A_1103, %dma_wait3A_1104] : memref<1024x128xf32, #tpu.memory_space<hbm>> -> memref<1024x128xf32, #tpu.memory_space<hbm>>
      tpu.wait_indirect_dma semaphore(%arg34 : memref<!tpu.dma_semaphore, #tpu.memory_space<semaphore_mem>>) src(%dma_wait3A_1105 : memref<1024x128xf32, #tpu.memory_space<hbm>>) dst(%arg30 : memref<64x128xf32, #tpu.memory_space<vmem>>)
      %mul3A_1106 = arith.constant 64 : i32
      %mul3A_1107 = arith.muli %add3A_840, %mul3A_1106 : i32
      %add3A_1108 = arith.addi %mul3A_2, %mul3A_1107 : i32
      %dma_start3A_1109 = arith.constant 384 : i32
      %dma_start3A_1110 = tpu.memref_slice %arg7[%add3A_1108, %dma_start3A_1109] : memref<204800x768xf32, #tpu.memory_space<hbm>> -> memref<64x128xf32, #tpu.memory_space<hbm>>
      %dma_start3A_1111 = arith.constant 384 : i32
      %dma_start3A_1112 = tpu.memref_slice %arg7[%add3A_1108, %dma_start3A_1111] : memref<204800x768xf32, #tpu.memory_space<hbm>> -> memref<64x128xf32, #tpu.memory_space<hbm>>
      tpu.enqueue_dma source(%arg30 : memref<64x128xf32, #tpu.memory_space<vmem>>) target(%dma_start3A_1112 : memref<64x128xf32, #tpu.memory_space<hbm>>) target_semaphore(%arg36 : memref<!tpu.dma_semaphore, #tpu.memory_space<semaphore_mem>>)
      %dma_wait3A_1113 = arith.constant 0 : i32
      %dma_wait3A_1114 = arith.constant 0 : i32
      %dma_wait3A_1115 = tpu.memref_slice %arg6[%dma_wait3A_1113, %dma_wait3A_1114] : memref<1024x128xf32, #tpu.memory_space<hbm>> -> memref<1024x128xf32, #tpu.memory_space<hbm>>
      tpu.wait_indirect_dma semaphore(%arg34 : memref<!tpu.dma_semaphore, #tpu.memory_space<semaphore_mem>>) src(%dma_wait3A_1115 : memref<1024x128xf32, #tpu.memory_space<hbm>>) dst(%arg32 : memref<64x128xf32, #tpu.memory_space<vmem>>)
      %mul3A_1116 = arith.constant 64 : i32
      %mul3A_1117 = arith.muli %add3A_840, %mul3A_1116 : i32
      %add3A_1118 = arith.addi %mul3A_2, %mul3A_1117 : i32
      %dma_start3A_1119 = arith.constant 640 : i32
      %dma_start3A_1120 = tpu.memref_slice %arg7[%add3A_1118, %dma_start3A_1119] : memref<204800x768xf32, #tpu.memory_space<hbm>> -> memref<64x128xf32, #tpu.memory_space<hbm>>
      %dma_start3A_1121 = arith.constant 640 : i32
      %dma_start3A_1122 = tpu.memref_slice %arg7[%add3A_1118, %dma_start3A_1121] : memref<204800x768xf32, #tpu.memory_space<hbm>> -> memref<64x128xf32, #tpu.memory_space<hbm>>
      tpu.enqueue_dma source(%arg32 : memref<64x128xf32, #tpu.memory_space<vmem>>) target(%dma_start3A_1122 : memref<64x128xf32, #tpu.memory_space<hbm>>) target_semaphore(%arg36 : memref<!tpu.dma_semaphore, #tpu.memory_space<semaphore_mem>>)
      %scan3A_1123 = arith.constant 0 : i32
      scf.yield %scan3A_1123 : i32
    }
    %scan3A_475 = arith.constant 49 : i32
    %add3A_476 = arith.constant 6272 : i32
    %add3A_477 = arith.addi %mul3A_2, %add3A_476 : i32
    %dma_wait3A_478 = arith.constant 0 : i32
    %dma_wait3A_479 = tpu.memref_slice %arg7[%add3A_477, %dma_wait3A_478] : memref<204800x768xf32, #tpu.memory_space<hbm>> -> memref<64x128xf32, #tpu.memory_space<hbm>>
    %dma_wait3A_480 = arith.constant 0 : i32
    %dma_wait3A_481 = tpu.memref_slice %arg7[%add3A_477, %dma_wait3A_480] : memref<204800x768xf32, #tpu.memory_space<hbm>> -> memref<64x128xf32, #tpu.memory_space<hbm>>
    tpu.wait_dma2 semaphore(%arg35 : memref<!tpu.dma_semaphore, #tpu.memory_space<semaphore_mem>>) src(%arg21 : memref<64x128xf32, #tpu.memory_space<vmem>>) dst(%dma_wait3A_481 : memref<64x128xf32, #tpu.memory_space<hbm>>)
    %add3A_482 = arith.constant 6272 : i32
    %add3A_483 = arith.addi %mul3A_2, %add3A_482 : i32
    %dma_wait3A_484 = arith.constant 128 : i32
    %dma_wait3A_485 = tpu.memref_slice %arg7[%add3A_483, %dma_wait3A_484] : memref<204800x768xf32, #tpu.memory_space<hbm>> -> memref<64x128xf32, #tpu.memory_space<hbm>>
    %dma_wait3A_486 = arith.constant 128 : i32
    %dma_wait3A_487 = tpu.memref_slice %arg7[%add3A_483, %dma_wait3A_486] : memref<204800x768xf32, #tpu.memory_space<hbm>> -> memref<64x128xf32, #tpu.memory_space<hbm>>
    tpu.wait_dma2 semaphore(%arg35 : memref<!tpu.dma_semaphore, #tpu.memory_space<semaphore_mem>>) src(%arg22 : memref<64x128xf32, #tpu.memory_space<vmem>>) dst(%dma_wait3A_487 : memref<64x128xf32, #tpu.memory_space<hbm>>)
    %add3A_488 = arith.constant 6272 : i32
    %add3A_489 = arith.addi %mul3A_2, %add3A_488 : i32
    %dma_wait3A_490 = arith.constant 256 : i32
    %dma_wait3A_491 = tpu.memref_slice %arg7[%add3A_489, %dma_wait3A_490] : memref<204800x768xf32, #tpu.memory_space<hbm>> -> memref<64x128xf32, #tpu.memory_space<hbm>>
    %dma_wait3A_492 = arith.constant 256 : i32
    %dma_wait3A_493 = tpu.memref_slice %arg7[%add3A_489, %dma_wait3A_492] : memref<204800x768xf32, #tpu.memory_space<hbm>> -> memref<64x128xf32, #tpu.memory_space<hbm>>
    tpu.wait_dma2 semaphore(%arg35 : memref<!tpu.dma_semaphore, #tpu.memory_space<semaphore_mem>>) src(%arg23 : memref<64x128xf32, #tpu.memory_space<vmem>>) dst(%dma_wait3A_493 : memref<64x128xf32, #tpu.memory_space<hbm>>)
    %add3A_494 = arith.constant 6272 : i32
    %add3A_495 = arith.addi %mul3A_2, %add3A_494 : i32
    %dma_wait3A_496 = arith.constant 384 : i32
    %dma_wait3A_497 = tpu.memref_slice %arg7[%add3A_495, %dma_wait3A_496] : memref<204800x768xf32, #tpu.memory_space<hbm>> -> memref<64x128xf32, #tpu.memory_space<hbm>>
    %dma_wait3A_498 = arith.constant 384 : i32
    %dma_wait3A_499 = tpu.memref_slice %arg7[%add3A_495, %dma_wait3A_498] : memref<204800x768xf32, #tpu.memory_space<hbm>> -> memref<64x128xf32, #tpu.memory_space<hbm>>
    tpu.wait_dma2 semaphore(%arg35 : memref<!tpu.dma_semaphore, #tpu.memory_space<semaphore_mem>>) src(%arg24 : memref<64x128xf32, #tpu.memory_space<vmem>>) dst(%dma_wait3A_499 : memref<64x128xf32, #tpu.memory_space<hbm>>)
    %add3A_500 = arith.constant 6272 : i32
    %add3A_501 = arith.addi %mul3A_2, %add3A_500 : i32
    %dma_wait3A_502 = arith.constant 512 : i32
    %dma_wait3A_503 = tpu.memref_slice %arg7[%add3A_501, %dma_wait3A_502] : memref<204800x768xf32, #tpu.memory_space<hbm>> -> memref<64x128xf32, #tpu.memory_space<hbm>>
    %dma_wait3A_504 = arith.constant 512 : i32
    %dma_wait3A_505 = tpu.memref_slice %arg7[%add3A_501, %dma_wait3A_504] : memref<204800x768xf32, #tpu.memory_space<hbm>> -> memref<64x128xf32, #tpu.memory_space<hbm>>
    tpu.wait_dma2 semaphore(%arg35 : memref<!tpu.dma_semaphore, #tpu.memory_space<semaphore_mem>>) src(%arg25 : memref<64x128xf32, #tpu.memory_space<vmem>>) dst(%dma_wait3A_505 : memref<64x128xf32, #tpu.memory_space<hbm>>)
    %add3A_506 = arith.constant 6272 : i32
    %add3A_507 = arith.addi %mul3A_2, %add3A_506 : i32
    %dma_wait3A_508 = arith.constant 640 : i32
    %dma_wait3A_509 = tpu.memref_slice %arg7[%add3A_507, %dma_wait3A_508] : memref<204800x768xf32, #tpu.memory_space<hbm>> -> memref<64x128xf32, #tpu.memory_space<hbm>>
    %dma_wait3A_510 = arith.constant 640 : i32
    %dma_wait3A_511 = tpu.memref_slice %arg7[%add3A_507, %dma_wait3A_510] : memref<204800x768xf32, #tpu.memory_space<hbm>> -> memref<64x128xf32, #tpu.memory_space<hbm>>
    tpu.wait_dma2 semaphore(%arg35 : memref<!tpu.dma_semaphore, #tpu.memory_space<semaphore_mem>>) src(%arg26 : memref<64x128xf32, #tpu.memory_space<vmem>>) dst(%dma_wait3A_511 : memref<64x128xf32, #tpu.memory_space<hbm>>)
    %add3A_512 = arith.constant 6336 : i32
    %add3A_513 = arith.addi %mul3A_2, %add3A_512 : i32
    %dma_wait3A_514 = arith.constant 0 : i32
    %dma_wait3A_515 = tpu.memref_slice %arg7[%add3A_513, %dma_wait3A_514] : memref<204800x768xf32, #tpu.memory_space<hbm>> -> memref<64x128xf32, #tpu.memory_space<hbm>>
    %dma_wait3A_516 = arith.constant 0 : i32
    %dma_wait3A_517 = tpu.memref_slice %arg7[%add3A_513, %dma_wait3A_516] : memref<204800x768xf32, #tpu.memory_space<hbm>> -> memref<64x128xf32, #tpu.memory_space<hbm>>
    tpu.wait_dma2 semaphore(%arg36 : memref<!tpu.dma_semaphore, #tpu.memory_space<semaphore_mem>>) src(%arg27 : memref<64x128xf32, #tpu.memory_space<vmem>>) dst(%dma_wait3A_517 : memref<64x128xf32, #tpu.memory_space<hbm>>)
    %add3A_518 = arith.constant 6336 : i32
    %add3A_519 = arith.addi %mul3A_2, %add3A_518 : i32
    %dma_wait3A_520 = arith.constant 128 : i32
    %dma_wait3A_521 = tpu.memref_slice %arg7[%add3A_519, %dma_wait3A_520] : memref<204800x768xf32, #tpu.memory_space<hbm>> -> memref<64x128xf32, #tpu.memory_space<hbm>>
    %dma_wait3A_522 = arith.constant 128 : i32
    %dma_wait3A_523 = tpu.memref_slice %arg7[%add3A_519, %dma_wait3A_522] : memref<204800x768xf32, #tpu.memory_space<hbm>> -> memref<64x128xf32, #tpu.memory_space<hbm>>
    tpu.wait_dma2 semaphore(%arg36 : memref<!tpu.dma_semaphore, #tpu.memory_space<semaphore_mem>>) src(%arg28 : memref<64x128xf32, #tpu.memory_space<vmem>>) dst(%dma_wait3A_523 : memref<64x128xf32, #tpu.memory_space<hbm>>)
    %add3A_524 = arith.constant 6336 : i32
    %add3A_525 = arith.addi %mul3A_2, %add3A_524 : i32
    %dma_wait3A_526 = arith.constant 256 : i32
    %dma_wait3A_527 = tpu.memref_slice %arg7[%add3A_525, %dma_wait3A_526] : memref<204800x768xf32, #tpu.memory_space<hbm>> -> memref<64x128xf32, #tpu.memory_space<hbm>>
    %dma_wait3A_528 = arith.constant 256 : i32
    %dma_wait3A_529 = tpu.memref_slice %arg7[%add3A_525, %dma_wait3A_528] : memref<204800x768xf32, #tpu.memory_space<hbm>> -> memref<64x128xf32, #tpu.memory_space<hbm>>
    tpu.wait_dma2 semaphore(%arg36 : memref<!tpu.dma_semaphore, #tpu.memory_space<semaphore_mem>>) src(%arg29 : memref<64x128xf32, #tpu.memory_space<vmem>>) dst(%dma_wait3A_529 : memref<64x128xf32, #tpu.memory_space<hbm>>)
    %add3A_530 = arith.constant 6336 : i32
    %add3A_531 = arith.addi %mul3A_2, %add3A_530 : i32
    %dma_wait3A_532 = arith.constant 384 : i32
    %dma_wait3A_533 = tpu.memref_slice %arg7[%add3A_531, %dma_wait3A_532] : memref<204800x768xf32, #tpu.memory_space<hbm>> -> memref<64x128xf32, #tpu.memory_space<hbm>>
    %dma_wait3A_534 = arith.constant 384 : i32
    %dma_wait3A_535 = tpu.memref_slice %arg7[%add3A_531, %dma_wait3A_534] : memref<204800x768xf32, #tpu.memory_space<hbm>> -> memref<64x128xf32, #tpu.memory_space<hbm>>
    tpu.wait_dma2 semaphore(%arg36 : memref<!tpu.dma_semaphore, #tpu.memory_space<semaphore_mem>>) src(%arg30 : memref<64x128xf32, #tpu.memory_space<vmem>>) dst(%dma_wait3A_535 : memref<64x128xf32, #tpu.memory_space<hbm>>)
    %add3A_536 = arith.constant 6336 : i32
    %add3A_537 = arith.addi %mul3A_2, %add3A_536 : i32
    %dma_wait3A_538 = arith.constant 512 : i32
    %dma_wait3A_539 = tpu.memref_slice %arg7[%add3A_537, %dma_wait3A_538] : memref<204800x768xf32, #tpu.memory_space<hbm>> -> memref<64x128xf32, #tpu.memory_space<hbm>>
    %dma_wait3A_540 = arith.constant 512 : i32
    %dma_wait3A_541 = tpu.memref_slice %arg7[%add3A_537, %dma_wait3A_540] : memref<204800x768xf32, #tpu.memory_space<hbm>> -> memref<64x128xf32, #tpu.memory_space<hbm>>
    tpu.wait_dma2 semaphore(%arg36 : memref<!tpu.dma_semaphore, #tpu.memory_space<semaphore_mem>>) src(%arg31 : memref<64x128xf32, #tpu.memory_space<vmem>>) dst(%dma_wait3A_541 : memref<64x128xf32, #tpu.memory_space<hbm>>)
    %add3A_542 = arith.constant 6336 : i32
    %add3A_543 = arith.addi %mul3A_2, %add3A_542 : i32
    %dma_wait3A_544 = arith.constant 640 : i32
    %dma_wait3A_545 = tpu.memref_slice %arg7[%add3A_543, %dma_wait3A_544] : memref<204800x768xf32, #tpu.memory_space<hbm>> -> memref<64x128xf32, #tpu.memory_space<hbm>>
    %dma_wait3A_546 = arith.constant 640 : i32
    %dma_wait3A_547 = tpu.memref_slice %arg7[%add3A_543, %dma_wait3A_546] : memref<204800x768xf32, #tpu.memory_space<hbm>> -> memref<64x128xf32, #tpu.memory_space<hbm>>
    tpu.wait_dma2 semaphore(%arg36 : memref<!tpu.dma_semaphore, #tpu.memory_space<semaphore_mem>>) src(%arg32 : memref<64x128xf32, #tpu.memory_space<vmem>>) dst(%dma_wait3A_547 : memref<64x128xf32, #tpu.memory_space<hbm>>)
    return
  }
}

</mosaic_0001>

<sc_bundles>
// kernel: kernel.3.cloned.1.call-start
scs
__scs_entry_jumppad:
0x0: {  	(pc) =	sbr.rel $0x88, $3  }
0x1: {  	(tag) =	ssettag $0x0;
	lr =	simm.s32 $0x1  }
0x2: {  	[smem:$0x3F9C] =	sst lr;
	_ =	strace $0xD0000000  }
0x3: {  	_ = 	snop  }
0x4: {  	_ = 	snop  }
0x5: {  	_ = 	snop  }
0x6: {  	_ = 	snop  }
0x7: {  	_ = 	snop  }
__scs_overlays_trampoline_lowered:
0x8: {  	[smem:$0x3FAB] =	sst s0  }
0x9: {  	[smem:$0x3FAC] =	sst s1  }
0xa: {  	[smem:$0x3FAD] =	sst s2  }
0xb: {  	[smem:$0x3FAE] =	sst s3  }
0xc: {  	[smem:$0x3FAF] =	sst s4  }
0xd: {  	[smem:$0x3FB0] =	sst s5  }
0xe: {  	[smem:$0x3FB1] =	sst s6  }
0xf: {  	[smem:$0x3FB2] =	sst s7  }
0x10: {  	[smem:$0x3FB3] =	sst s8  }
0x11: {  	[smem:$0x3FB4] =	sst s9;
	s0 =	simm.s32 @!p0 $0x0  }
0x12: {  	s1 =	sld [smem:$0x3F9A];
	s0 =	simm.s32 @p0 $0x1  }
0x13: {  	[smem:$0x3FB5] =	sst s0;
	s0 =	simm.s32 @!p1 $0x0  }
0x14: {  	s2 =	sld [smem:$0x3F99];
	s0 =	simm.s32 @p1 $0x1  }
0x15: {  	[smem:$0x3FB6] =	sst s0;
	s0 =	simm.s32 @!p2 $0x0  }
0x16: {  	s3 =	sld [smem:$0x3FDB];
	s0 =	simm.s32 @p2 $0x1  }
0x17: {  	s4 =	simm.s32 $0x1BF5;
	[smem:$0x3FB8] =	sst s0  }
0x18: {  	s0 =	sld [smem:$0x3F9B];
	_ =	swait.ge [sflag:s4], $0x0  }
0x19: {  	s7 =	sld [smem:$0x3F9C]  }
0x1a: {  	s8 =	sadd.s32 $0xFFFFE003, lr  }
0x1b: {  	s9 =	sadd.s32 $0xFFFFFEF7, lr;
	s5 =	simm.s32 $0xFFFFFFFF;
	p2 =	slt.u32 s8, $0xFFFFF086  }
0x1c: {  	p1 =	slt.u32 s9, $0xF7A;
	s5 =	simm.s32 @!p2 $0x0  }
0x1d: {  	s5 =	simm.s32 @p1 $0x1;
	p0 =	seq.s32 s7, s2  }
0x1e: {  	s7 =	smul.u32 @!p0 $0xF7A, s2;
	p2 =	seq.s32 @!p0 s5, $0x0  }
0x1f: {  	s9 =	smul.u32 $0xF7A, s1;
	s8 =	simm.s32 @!p0 $0x1BF5;
	p2 =	por !p2, p0  }
0x20: {  	[sflag:s8] =	ssyncset.s32 @!p0 $0xFFFFF086;
	s6 =	sadd.s32 @!p0 s3, s7;
	s7 =	simm.s32 @!p0 $0x108  }
0x21: {  	s3 =	sadd.s32 s3, s9;
	s6 =	sadd.s32 @!p0 $0x88, s6;
	s7 =	simm.s32 @p2 $0x1082  }
0x22: {  	[simem:s7], [sflag:s8] =	dma.local @!p0 [hbm:s6], $0xF7A  }
0x23: {  	s9 =	sor.u32 $0xD0000000, s2;
	s6 =	simm.s32 $0x108;
	_ =	swait.ge @!p0 [sflag:s8], $0x0  }
0x24: {  	s3 =	sadd.s32 $0x88, s3;
	s6 =	simm.s32 @!p1 $0x1082;
	[sflag:s4] =	ssyncset.s32 $0xFFFFF086  }
0x25: {  	[simem:s6], [sflag:s4] =	dma.local [hbm:s3], $0xF7A  }
0x26: {  	[smem:$0x3F9C] =	sst s1;
	(tag) =	ssettag s2;
	_ =	strace s9  }
0x27: {  	s1 =	sld [smem:$0x3FAC]  }
0x28: {  	s2 =	sld [smem:$0x3FAD]  }
0x29: {  	s4 =	sld [smem:$0x3FAF]  }
0x2a: {  	p0 =	seq.s32 s5, $0x0;
	s5 =	sld [smem:$0x3FB0]  }
0x2b: {  	s6 =	sld [smem:$0x3FB1]  }
0x2c: {  	s7 =	sld [smem:$0x3FB2]  }
0x2d: {  	s3 =	simm.s32 $0x108;
	s8 =	sld [smem:$0x3FB3]  }
0x2e: {  	s3 =	simm.s32 @!p0 $0x1082;
	s9 =	sld [smem:$0x3FB4]  }
0x2f: {  	lr =	sadd.s32 s0, s3;
	s0 =	sld [smem:$0x3FAB]  }
0x30: {  	s3 =	sld [smem:$0x3FAE]  }
0x31: {  	[smem:$0x3FB7] =	sst s10  }
0x32: {  	s10 =	sld [smem:$0x3FB5];
	_ =	sdelay $0x3  }
0x33: {  	p0 =	seq.s32 s10, $0x1;
	s10 =	sld [smem:$0x3FB7];
	_ =	sdelay $0x3  }
0x34: {  	[smem:$0x3FB7] =	sst s10  }
0x35: {  	s10 =	sld [smem:$0x3FB6];
	_ =	sdelay $0x3  }
0x36: {  	p1 =	seq.s32 s10, $0x1;
	s10 =	sld [smem:$0x3FB7];
	_ =	sdelay $0x3  }
0x37: {  	[smem:$0x3FB7] =	sst s10  }
0x38: {  	s10 =	sld [smem:$0x3FB8]  }
0x39: {  	_ = 	snop;
	(pc) =	sbr.ind lr, $3  }
0x3a: {  	_ = 	snop  }
0x3b: {  	_ = 	snop  }
0x3c: {  	p2 =	seq.s32 s10, $0x1;
	s10 =	sld [smem:$0x3FB7]  }
0x3d: {  	_ =	shalt  }
0x3e: {  	_ =	shalt  }
0x3f: {  	_ =	shalt  }
0x40: {  	_ =	shalt  }
0x41: {  	_ =	shalt  }
0x42: {  	_ =	shalt  }
0x43: {  	_ =	shalt  }
0x44: {  	_ =	shalt  }
0x45: {  	_ =	shalt  }
0x46: {  	_ =	shalt  }
0x47: {  	_ =	shalt  }
0x48: {  	_ =	shalt  }
0x49: {  	_ =	shalt  }
0x4a: {  	_ =	shalt  }
0x4b: {  	_ =	shalt  }
0x4c: {  	_ =	shalt  }
0x4d: {  	_ =	shalt  }
0x4e: {  	_ =	shalt  }
0x4f: {  	_ =	shalt  }
0x50: {  	_ =	shalt  }
0x51: {  	_ =	shalt  }
0x52: {  	_ =	shalt  }
0x53: {  	_ =	shalt  }
0x54: {  	_ =	shalt  }
0x55: {  	_ =	shalt  }
0x56: {  	_ =	shalt  }
0x57: {  	_ =	shalt  }
0x58: {  	_ =	shalt  }
0x59: {  	_ =	shalt  }
0x5a: {  	_ =	shalt  }
0x5b: {  	_ =	shalt  }
0x5c: {  	_ =	shalt  }
0x5d: {  	_ =	shalt  }
0x5e: {  	_ =	shalt  }
0x5f: {  	_ =	shalt  }
0x60: {  	_ =	shalt  }
0x61: {  	_ =	shalt  }
0x62: {  	_ =	shalt  }
0x63: {  	_ =	shalt  }
0x64: {  	_ =	shalt  }
0x65: {  	_ =	shalt  }
0x66: {  	_ =	shalt  }
0x67: {  	_ =	shalt  }
0x68: {  	_ =	shalt  }
0x69: {  	_ =	shalt  }
0x6a: {  	_ =	shalt  }
0x6b: {  	_ =	shalt  }
0x6c: {  	_ =	shalt  }
0x6d: {  	_ =	shalt  }
0x6e: {  	_ =	shalt  }
0x6f: {  	_ =	shalt  }
0x70: {  	_ =	shalt  }
0x71: {  	_ =	shalt  }
0x72: {  	_ =	shalt  }
0x73: {  	_ =	shalt  }
0x74: {  	_ =	shalt  }
0x75: {  	_ =	shalt  }
0x76: {  	_ =	shalt  }
0x77: {  	_ =	shalt  }
0x78: {  	_ =	shalt  }
0x79: {  	_ =	shalt  }
0x7a: {  	_ =	shalt  }
0x7b: {  	_ =	shalt  }
0x7c: {  	_ =	shalt  }
0x7d: {  	_ =	shalt  }
0x7e: {  	_ =	shalt  }
0x7f: {  	_ =	shalt  }
0x80: {  	_ =	shalt  }
0x81: {  	_ =	shalt  }
0x82: {  	_ =	shalt  }
0x83: {  	_ =	shalt  }
0x84: {  	_ =	shalt  }
0x85: {  	_ =	shalt  }
0x86: {  	_ =	shalt  }
0x87: {  	_ =	shalt  }
.Lfunc_end0:
.L_simem_size_0:
called_computation_lowered:
.L_overlay_start_0:
0x88: {  	s2 =	sld [smem:$0x3FD9]  }
0x89: {  	s3 =	sld [smem:$0x3FFE];
	_ =	sdelay $0x1  }
0x8a: {  	s1 =	srdreg.scid  }
0x8b: {  	s0 =	sand.u32 $0x1, s1  }
0x8c: {  	s17 =	sshll.u32 s0, $0xA;
	s2 =	sadd.s32 s3, s2  }
0x8d: {  	s2 =	sadd.s32 s2, s17  }
0x8e: {  	[smem:$0x3FC3] =	sst s2  }
0x8f: {  	_ = 	snop  }
0x90: {  	s2 =	sld [smem:$0x3FC8]  }
0x91: {  	s18 =	sld [smem:$0x3FC7]  }
0x92: {  	s4 =	sld [smem:$0x3FC6]  }
0x93: {  	s5 =	sld [smem:$0x3FC5]  }
0x94: {  	s6 =	sld [smem:$0x3FD0];
	(tm) =	ssettm $0x1  }
0x95: {  	s7 =	sld [smem:$0x3FFB];
	_ =	sdelay $0x3  }
0x96: {  	_ =	strace s7  }
0x97: {  	s7 =	sld [smem:$0x3FFC];
	_ =	sdelay $0x3  }
0x98: {  	_ =	strace s7  }
0x99: {  	s7 =	sld [smem:$0x3FFD];
	_ =	sdelay $0x3  }
0x9a: {  	_ =	strace s7  }
0x9b: {  	_ =	strace $0x8FFFFFFF  }
0x9c: {  	s19 =	sld [smem:$0x3FDB];
	_ =	sdelay $0x1  }
0x9d: {  	s8 =	simm.s32 $_scs_section_size  }
0x9e: {  	s9 =	simm.s32 $_size__tile_overlayer_lowered;
	s10 =	simm.s32 $_tile_overlayer_lowered  }
0x9f: {  	s22 =	simm.s32 $0x1BFF;
	s21 =	sshll.u32 s10, $0x1;
	s7 =	sadd.s32 s8, s19  }
0xa0: {  	s11 =	simm.s32 $0x0;
	s20 =	sshll.u32 s9, $0x1;
	s9 =	sadd.s32 s21, s7  }
0xa1: {  	[timem:s11], [sflag:s22] =	dma.local [hbm:s9], s20  }
0xa2: {  	_ =	swait.ge [sflag:s22], s20  }
0xa3: {  	s8 =	ssub.s32 $0x0, s20;
	[sflag:s22] =	ssyncset.done $0x0  }
0xa4: {  	[sflag:s22] =	ssyncadd.s32 s8;
	_ =	sdelay $0x1  }
0xa5: {  	s23 =	simm.s32 $0x1B8B  }
0xa6: {  	_ =	swait.ge [sflag:s23], $0x1  }
0xa7: {  	[sflag:s23] =	ssyncset.done $0x0  }
0xa8: {  	s25 =	simm.s32 $0x1B8E;
	s24 =	sld [smem:$0x3FFE];
	[sflag:s23] =	ssyncadd.s32 $0xFFFFFFFF  }
0xa9: {  	s26 =	simm.s32 $execute0_lowered;
	[smem:$0x3FD2] =	sst s25  }
0xaa: {  	s9 =	sshll.u32 s26, $0x1;
	_ =	strace $0x80000046;
	[dreg:$0x1] =	wrdreg $0xFFFFFFFF  }
0xab: {  	s28 =	simm.s32 $_size_execute0_lowered;
	s7 =	sadd.s32 s7, s9;
	[dreg:$0x0] =	wrdreg $0x0  }
0xac: {  	s9 =	sshll.u32 s28, $0x1;
	[dreg:$0x2] =	wrdreg s7  }
0xad: {  	[dreg:$0x3] =	wrdreg s9  }
0xae: {  	[dreg:$0x4] =	wrdreg $0xC0  }
0xaf: {  	_ =	task [dreg:s11], $0x5FFFF  }
0xb0: {  	[dreg:$0x1] =	wrdreg $0xFFFFFFFF  }
0xb1: {  	[dreg:$0x0] =	wrdreg $0x60  }
0xb2: {  	[dreg:$0x2] =	wrdreg s24  }
0xb3: {  	[dreg:$0x3] =	wrdreg s2  }
0xb4: {  	[dreg:$0x4] =	wrdreg s18  }
0xb5: {  	[dreg:$0x5] =	wrdreg s4  }
0xb6: {  	[dreg:$0x6] =	wrdreg s5  }
0xb7: {  	[dreg:$0x7] =	wrdreg s6  }
0xb8: {  	[dreg:$0x8] =	wrdreg $0x188000  }
0xb9: {  	[dreg:$0x9] =	wrdreg $0x1A8000  }
0xba: {  	[dreg:$0xa] =	wrdreg $0x1C8000  }
0xbb: {  	[dreg:$0xb] =	wrdreg $0x9  }
0xbc: {  	_ =	task.clear_ibuf [dreg:s11], $0xCFFFF;
	_ =	strace $0x90000046  }
0xbd: {  	s29 =	simm.s32 $0x9;
	_ =	strace $0x80000048  }
0xbe: {  	_ =	swait.ge [sflag:s29], $0x1  }
0xbf: {  	[sflag:s29] =	ssyncadd.s32 $0xFFFFFFFF  }
0xc0: {  	_ =	strace $0x90000048  }
0xc1: {  	_ =	sfence  }
0xc2: {  	s30 =	sld [smem:$0x0];
	_ =	sdelay $0x2  }
0xc3: {  	s31 =	sshll.u32 s1, $0xD;
	s1 =	sshrl.u32 s1, $0x2  }
0xc4: {  	s3 =	sand.u32 $0x4000, s31;
	s1 =	sadd.s32 s1, s30  }
0xc5: {  	s0 =	sor.u32 s3, s0;
	s1 =	sshll.u32 s1, $0x11  }
0xc6: {  	s0 =	sor.u32 s1, s0  }
0xc7: {  	s0 =	sadd.s32 $0x8F2B, s0  }
0xc8: {  	[sflag:s0] =	ssyncadd.remote.s32 $0x1  }
0xc9: {  	_ =	sfence.sel $0xFFFF  }
0xca: {  	[dreg:$0x0] =	wrdreg $0xFFFFFFFF;
	(pc) =	sbr.abs _section_cstart, $3  }
0xcb: {  	[dreg:$0x1] =	wrdreg $0xFFFFFFFF  }
0xcc: {  	_ =	task.clear_ibuf [dreg:s11], $0x2FFFF;
	_ =	strace $0x9FFFFFFF  }
0xcd: {  	(tm) =	ssettm $0x7FFFFFFF  }
tec
execute0_lowered:
.L_overlay_start_1:
0x0: {  	(tag) =	ssettag $0x1  }
0x1: {  	s1 =	rddreg [dreg:$0x0]  }
0x2: {  	s5 =	rddreg [dreg:$0x1]  }
0x3: {  	s0 =	rddreg [dreg:$0x2]  }
0x4: {  	s7 =	rddreg [dreg:$0x3]  }
0x5: {  	s8 =	rddreg [dreg:$0x5]  }
0x6: {  	s3 =	rddreg [dreg:$0x6]  }
0x7: {  	s2 =	rddreg [dreg:$0x7]  }
0x8: {  	s4 =	rddreg [dreg:$0x8];
	s9 =	srdreg.scid  }
0x9: {  	s21 =	simm.s32 $0x0;
	s15 =	stileid.u32;
	s9 =	sand.u32 $0x1, s9  }
0xa: {  	[smem:$0x7FF] =	sst s21;
	s11 =	sshll.u32 s15, $0x1;
	s1 =	sadd.s32 $0x400, s1  }
0xb: {  	s13 =	sshll.u32 s15, $0xA;
	s14 =	sshll.u32 s15, $0xD;
	s15 =	smul.u32 $0x3200, s15  }
0xc: {  	s10 =	ssub.s32 $0x2, s9;
	_ =	strace $0x80000047;
	s5 =	sadd.s32 s5, s13  }
0xd: {  	s11 =	sor.u32 s9, s11;
	s22 =	sadd.s32 s14, s3;
	[dreg:$0xc] =	wrdreg s5  }
0xe: {  	s23 =	smul.u32 $0x1900, s9;
	s24 =	sadd.s32 s0, s13;
	[dreg:$0xd] =	wrdreg s22  }
0xf: {  	s25 =	sadd.s32 s14, s2;
	s7 =	sadd.s32 s7, s13;
	[dreg:$0xe] =	wrdreg s24  }
0x10: {  	s0 =	sadd.s32 s14, s4;
	s20 =	smul.u32 $0x1900, s11;
	[dreg:$0xf] =	wrdreg s25  }
0x11: {  	s12 =	sshrl.u32 s10, $0x1;
	[dreg:$0x10] =	wrdreg s7;
	s26 =	smul.u32 $0xC80, s11  }
0x12: {  	[dreg:$0x11] =	wrdreg s0;
	s10 =	ssub.s32 s10, s12;
	s5 =	sadd.s32 s23, s15  }
0x13: {  	s29 =	sshrl.u32 s20, $0x3;
	s2 =	sor.u32 $0xC0, s5;
	s7 =	sadd.s32 s1, s26  }
0x14: {  	s5 =	sor.u32 $0x80, s5;
	s24 =	smax.u32 s10, $0x1;
	s9 =	smul.u32 $0x300, s29  }
0x15: {  	[dreg:$0x12] =	wrdreg s7;
	s13 =	sshrl.u32 s5, $0x3;
	s5 =	sshrl.u32 s5, $0x1  }
0x16: {  	s31 =	simm.s32 $0x5;
	[dreg:$0x1d] =	wrdreg s24;
	s1 =	sadd.s32 s5, s1  }
0x17: {  	s30 =	simm.s32 $0x8800;
	s6 =	sadd.s32 s8, s9;
	[dreg:$0x1b] =	wrdreg s1  }
0x18: {  	s28 =	simm.s32 $0x16800;
	s14 =	sadd.s32 $0x80, s6;
	[dreg:$0x13] =	wrdreg s6  }
0x19: {  	s4 =	sshrl.u32 s2, $0x3;
	s15 =	sadd.s32 $0x100, s6;
	[dreg:$0x14] =	wrdreg s14  }
0x1a: {  	s7 =	smul.u32 $0x300, s4;
	s16 =	sadd.s32 $0x200, s6;
	[dreg:$0x15] =	wrdreg s15  }
0x1b: {  	s0 =	simm.s32 $0x200;
	s17 =	sadd.s32 $0x180, s6;
	[dreg:$0x16] =	wrdreg s16  }
0x1c: {  	s11 =	simm.s32 $0x2;
	s7 =	sadd.s32 s7, s8;
	[dreg:$0x17] =	wrdreg s17  }
0x1d: {  	s12 =	simm.s32 $0x400;
	s18 =	sadd.s32 $0x280, s6;
	[dreg:$0xa] =	wrdreg s7  }
0x1e: {  	s10 =	simm.s32 $0xA800;
	s20 =	sadd.s32 $0x1800, s6;
	[dreg:$0x18] =	wrdreg s18  }
0x1f: {  	s2 =	simm.s32 $0x800;
	s22 =	sadd.s32 $0x1880, s6;
	[dreg:$0x19] =	wrdreg s20  }
0x20: {  	s24 =	simm.s32 $0x380;
	s23 =	sadd.s32 $0x1900, s6;
	[dreg:$0x1a] =	wrdreg s22  }
0x21: {  	s4 =	simm.s32 $0x0;
	s25 =	sadd.s32 $0x1A00, s6;
	[dreg:$0x1c] =	wrdreg s23  }
0x22: {  	s9 =	smul.u32 $0x300, s13;
	s26 =	sadd.s32 $0x1980, s6;
	[dreg:$0x1e] =	wrdreg s25  }
0x23: {  	s1 =	simm.s32 $0x40;
	s29 =	sadd.s32 $0x1A80, s6;
	[dreg:$0x1f] =	wrdreg s26  }
0x24: {  	s13 =	simm.s32 $0x1800;
	s19 =	sadd.s32 s9, s8;
	[smem:$0x7FD] =	sst s29  }
0x25: {  	s23 =	simm.s32 $0x480;
	s16 =	simm.s32 $0x6800;
	s8 =	simm.s32 $0x280  }
0x26: {  	s18 =	simm.s32 $0x2800;
	s22 =	simm.s32 $0x300;
	s20 =	simm.s32 $0x1  }
0x27: {  	s7 =	simm.s32 $0x10800;
	s9 =	simm.s32 $0x14800;
	s14 =	simm.s32 $0x3  }
0x28: {  	s17 =	simm.s32 $0x4;
	[dreg:$0xb] =	wrdreg s19;
	s19 =	simm.s32 $0x4800  }
.LBB2_1:
0x29: {  	[smem:$0x7FC] =	sst s4  }
0x2a: {  	s5 =	rddreg [dreg:$0xc]  }
0x2b: {  	[tilespmem:s2], [sflag:$0x5] =	stream.linear.gather [hbm4b:s5+s21], $0x2000, $0x38;
	[tilespmem:$0x1E800] =	vst v63  }
0x2c: {  	_ =	swait.ge [sflag:s31], $0x2000  }
0x2d: {  	[sflag:s31] =	ssyncset.done $0x0  }
0x2e: {  	s29 =	rddreg [dreg:$0xd];
	[sflag:s31] =	ssyncadd.s32 $0xFFFFE000  }
0x2f: {  	[spmem:s29] =	stream.linear.scatter [tilespmem:s2], [sflag:$0x5], $0x2000, $0x38;
	[tilespmem:$0x1E800] =	vst v63  }
0x30: {  	_ =	swait.ge [sflag:s31], $0x2000  }
0x31: {  	[sflag:s31] =	ssyncset.done $0x0  }
0x32: {  	s4 =	rddreg [dreg:$0xe];
	[sflag:s31] =	ssyncadd.s32 $0xFFFFE000  }
0x33: {  	[tilespmem:s2], [sflag:$0x5] =	stream.linear.gather [hbm4b:s4+s21], $0x2000, $0x38;
	[tilespmem:$0x1E800] =	vst v63  }
0x34: {  	_ =	swait.ge [sflag:s31], $0x2000  }
0x35: {  	[sflag:s31] =	ssyncset.done $0x0  }
0x36: {  	s6 =	rddreg [dreg:$0xf];
	[sflag:s31] =	ssyncadd.s32 $0xFFFFE000  }
0x37: {  	[spmem:s6] =	stream.linear.scatter [tilespmem:s2], [sflag:$0x5], $0x2000, $0x38;
	[tilespmem:$0x1E800] =	vst v63  }
0x38: {  	_ =	swait.ge [sflag:s31], $0x2000  }
0x39: {  	[sflag:s31] =	ssyncset.done $0x0  }
0x3a: {  	s15 =	rddreg [dreg:$0x10];
	[sflag:s31] =	ssyncadd.s32 $0xFFFFE000  }
0x3b: {  	[tilespmem:s2], [sflag:$0x5] =	stream.linear.gather [hbm4b:s15+s21], $0x2000, $0x38;
	[tilespmem:$0x1E800] =	vst v63  }
0x3c: {  	_ =	swait.ge [sflag:s31], $0x2000  }
0x3d: {  	[sflag:s31] =	ssyncset.done $0x0  }
0x3e: {  	s25 =	rddreg [dreg:$0x11];
	[sflag:s31] =	ssyncadd.s32 $0xFFFFE000  }
0x3f: {  	[spmem:s25] =	stream.linear.scatter [tilespmem:s2], [sflag:$0x5], $0x2000, $0x38;
	[tilespmem:$0x1E800] =	vst v63  }
0x40: {  	_ =	swait.ge [sflag:s31], $0x2000  }
0x41: {  	[sflag:s31] =	ssyncset.done $0x0  }
0x42: {  	[sflag:s31] =	ssyncadd.s32 $0xFFFFE000  }
0x43: {  	[bflag:$0x0] =	sbarrier.arrive $0xFFFF  }
0x44: {  	s26 =	rddreg [dreg:$0x12]  }
0x45: {  	[tilespmem:s21], [sflag:$0x5] =	stream.linear.gather [hbm4b:s26+s21], $0x200, $0x38;
	[tilespmem:$0x1E800] =	vst v63  }
0x46: {  	_ =	swait.ge [sflag:s31], $0x200  }
0x47: {  	[sflag:s31] =	ssyncset.done $0x0  }
0x48: {  	[sflag:s31] =	ssyncadd.s32 $0xFFFFFE00  }
0x49: {  	v0 =	vld [tilespmem:$0x0]  }
0x4a: {  	v1 =	vld [tilespmem:$0x80]  }
0x4b: {  	v2 =	vld [tilespmem:$0x100]  }
0x4c: {  	v3 =	vld [tilespmem:$0x180];
	_ =	sdelay $0x1  }
0x4d: {  	v4 =	vld [tilespmem:$0x10];
	[tilespmem:$0x200] =	vst v0  }
0x4e: {  	v5 =	vld [tilespmem:$0x90];
	[tilespmem:$0x280] =	vst v1  }
0x4f: {  	[tilespmem:$0x300] =	vst v2  }
0x50: {  	[tilespmem:$0x380] =	vst v3;
	v1 =	vsub.s32 v3, v1;
	v3 =	vld [tilespmem:$0x110]  }
0x51: {  	[tilespmem:$0x400] =	vst v1;
	v1 =	vld [tilespmem:$0x190]  }
0x52: {  	[tilespmem:$0x210] =	vst v4  }
0x53: {  	v0 =	vsub.s32 v2, v0;
	[tilespmem:$0x290] =	vst v5;
	v2 =	vld [tilespmem:$0xA0]  }
0x54: {  	[tilespmem:$0x480] =	vst v0;
	v0 =	vld [tilespmem:$0x20]  }
0x55: {  	[tilespmem:$0x310] =	vst v3  }
0x56: {  	[tilespmem:$0x390] =	vst v1;
	v1 =	vsub.s32 v1, v5;
	v5 =	vld [tilespmem:$0x120]  }
0x57: {  	[tilespmem:$0x410] =	vst v1;
	v1 =	vsub.s32 v3, v4;
	v3 =	vld [tilespmem:$0x1A0]  }
0x58: {  	[tilespmem:$0x2A0] =	vst v2  }
0x59: {  	[tilespmem:$0x220] =	vst v0  }
0x5a: {  	v4 =	vld [tilespmem:$0xB0];
	[tilespmem:$0x490] =	vst v1  }
0x5b: {  	v1 =	vld [tilespmem:$0x30];
	[tilespmem:$0x320] =	vst v5  }
0x5c: {  	[tilespmem:$0x3A0] =	vst v3;
	v2 =	vsub.s32 v3, v2;
	v3 =	vld [tilespmem:$0x130]  }
0x5d: {  	v0 =	vsub.s32 v5, v0;
	[tilespmem:$0x420] =	vst v2;
	v2 =	vld [tilespmem:$0x1B0]  }
0x5e: {  	[tilespmem:$0x4A0] =	vst v0  }
0x5f: {  	[tilespmem:$0x2B0] =	vst v4  }
0x60: {  	[tilespmem:$0x230] =	vst v1  }
0x61: {  	[tilespmem:$0x330] =	vst v3  }
0x62: {  	[tilespmem:$0x3B0] =	vst v2;
	v0 =	vsub.s32 v2, v4  }
0x63: {  	[tilespmem:$0x430] =	vst v0;
	v0 =	vsub.s32 v3, v1  }
0x64: {  	s4 =	rddreg [dreg:$0x4];
	[tilespmem:$0x4B0] =	vst v0  }
0x65: {  	[tilespmem:s10], [sflag:$0x1] =	stream.indirect.gather [hbm4b:s4+s1], $0x80, s23, s1, $0xb8;
	[tilespmem:$0x1E800] =	vst v63  }
0x66: {  	s2 =	rddreg [dreg:$0x2]  }
0x67: {  	[tilespmem:s16], [sflag:$0x1] =	stream.indirect.gather [hbm4b:s2+s1], $0x80, s24, s1, $0xb8;
	[tilespmem:$0x1E800] =	vst v63  }
0x68: {  	s6 =	simm.s32 $0x800  }
0x69: {  	[tilespmem:s6], [sflag:$0x5] =	stream.indirect.gather [spmem:s3], $0x80, s0, s1, $0xb8;
	[tilespmem:$0x1E800] =	vst v63  }
0x6a: {  	_ =	swait.ge [sflag:s31], $0x2000  }
0x6b: {  	[sflag:s31] =	ssyncset.done $0x0  }
0x6c: {  	s29 =	rddreg [dreg:$0x13];
	[sflag:s31] =	ssyncadd.s32 $0xFFFFE000  }
0x6d: {  	[hbm4b:s29+s12] =	stream.strided.scatter [tilespmem:s6], [sflag:$0x3], $0x2000, s13, s12, $0x38;
	[tilespmem:$0x1E800] =	vst v63  }
0x6e: {  	s6 =	rddreg [dreg:$0x7]  }
0x6f: {  	[tilespmem:s18], [sflag:$0x5] =	stream.indirect.gather [spmem:s6], $0x80, s8, s1, $0xb8;
	[tilespmem:$0x1E800] =	vst v63  }
0x70: {  	_ =	swait.ge [sflag:s31], $0x2000  }
0x71: {  	[sflag:s31] =	ssyncset.done $0x0  }
0x72: {  	s15 =	rddreg [dreg:$0x14];
	[sflag:s31] =	ssyncadd.s32 $0xFFFFE000  }
0x73: {  	[hbm4b:s15+s12] =	stream.strided.scatter [tilespmem:s18], [sflag:$0x3], $0x2000, s13, s12, $0x38;
	[tilespmem:$0x1E800] =	vst v63  }
0x74: {  	_ = 	snop  }
0x75: {  	[tilespmem:s19], [sflag:$0x5] =	stream.indirect.gather [spmem:s3], $0x80, s22, s1, $0xb8;
	[tilespmem:$0x1E800] =	vst v63  }
0x76: {  	_ =	swait.ge [sflag:s31], $0x2000  }
0x77: {  	[sflag:s31] =	ssyncset.done $0x0  }
0x78: {  	s25 =	rddreg [dreg:$0x15];
	[sflag:s31] =	ssyncadd.s32 $0xFFFFE000  }
0x79: {  	[hbm4b:s25+s12] =	stream.strided.scatter [tilespmem:s19], [sflag:$0x3], $0x2000, s13, s12, $0x38;
	[tilespmem:$0x1E800] =	vst v63  }
0x7a: {  	s29 =	rddreg [dreg:$0x8]  }
0x7b: {  	[tilespmem:s30], [sflag:$0x5] =	stream.indirect.gather [spmem:s29], $0x80, s12, s1, $0xb8;
	[tilespmem:$0x1E800] =	vst v63  }
0x7c: {  	_ =	swait.ge [sflag:s31], $0x2000  }
0x7d: {  	[sflag:s31] =	ssyncset.done $0x0  }
0x7e: {  	s26 =	rddreg [dreg:$0x16];
	[sflag:s31] =	ssyncadd.s32 $0xFFFFE000  }
0x7f: {  	[hbm4b:s26+s12] =	stream.strided.scatter [tilespmem:s30], [sflag:$0x3], $0x2000, s13, s12, $0x38;
	[tilespmem:$0x1E800] =	vst v63  }
0x80: {  	_ =	swait.ge [sflag:s20], $0x2000  }
0x81: {  	[sflag:s20] =	ssyncset.done $0x0  }
0x82: {  	s15 =	rddreg [dreg:$0x17];
	[sflag:s20] =	ssyncadd.s32 $0xFFFFE000  }
0x83: {  	[hbm4b:s15+s12] =	stream.strided.scatter [tilespmem:s16], [sflag:$0x3], $0x2000, s13, s12, $0x38;
	[tilespmem:$0x1E800] =	vst v63  }
0x84: {  	_ =	swait.ge [sflag:s20], $0x2000  }
0x85: {  	[sflag:s20] =	ssyncset.done $0x0  }
0x86: {  	s25 =	rddreg [dreg:$0x18];
	[sflag:s20] =	ssyncadd.s32 $0xFFFFE000  }
0x87: {  	[hbm4b:s25+s12] =	stream.strided.scatter [tilespmem:s10], [sflag:$0x3], $0x2000, s13, s12, $0x38;
	[tilespmem:$0x1E800] =	vst v63  }
0x88: {  	v0 =	vld [tilespmem:$0x40]  }
0x89: {  	v1 =	vld [tilespmem:$0xC0]  }
0x8a: {  	v2 =	vld [tilespmem:$0x140]  }
0x8b: {  	v3 =	vld [tilespmem:$0x1C0];
	_ =	sdelay $0x1  }
0x8c: {  	v4 =	vld [tilespmem:$0x50];
	[tilespmem:$0x500] =	vst v0  }
0x8d: {  	v5 =	vld [tilespmem:$0xD0];
	[tilespmem:$0x580] =	vst v1  }
0x8e: {  	[tilespmem:$0x600] =	vst v2  }
0x8f: {  	[tilespmem:$0x680] =	vst v3;
	v1 =	vsub.s32 v3, v1;
	v3 =	vld [tilespmem:$0x150]  }
0x90: {  	[tilespmem:$0x700] =	vst v1;
	v1 =	vld [tilespmem:$0x1D0]  }
0x91: {  	[tilespmem:$0x510] =	vst v4  }
0x92: {  	v0 =	vsub.s32 v2, v0;
	[tilespmem:$0x590] =	vst v5;
	v2 =	vld [tilespmem:$0xE0]  }
0x93: {  	[tilespmem:$0x780] =	vst v0;
	v0 =	vld [tilespmem:$0x60]  }
0x94: {  	[tilespmem:$0x610] =	vst v3  }
0x95: {  	[tilespmem:$0x690] =	vst v1;
	v1 =	vsub.s32 v1, v5;
	v5 =	vld [tilespmem:$0x160]  }
0x96: {  	[tilespmem:$0x710] =	vst v1;
	v1 =	vsub.s32 v3, v4;
	v3 =	vld [tilespmem:$0x1E0]  }
0x97: {  	[tilespmem:$0x5A0] =	vst v2  }
0x98: {  	[tilespmem:$0x520] =	vst v0  }
0x99: {  	v4 =	vld [tilespmem:$0xF0];
	[tilespmem:$0x790] =	vst v1  }
0x9a: {  	v1 =	vld [tilespmem:$0x70];
	[tilespmem:$0x620] =	vst v5  }
0x9b: {  	[tilespmem:$0x6A0] =	vst v3;
	v2 =	vsub.s32 v3, v2;
	v3 =	vld [tilespmem:$0x170]  }
0x9c: {  	v0 =	vsub.s32 v5, v0;
	[tilespmem:$0x720] =	vst v2;
	v2 =	vld [tilespmem:$0x1F0]  }
0x9d: {  	[tilespmem:$0x7A0] =	vst v0  }
0x9e: {  	[tilespmem:$0x5B0] =	vst v4  }
0x9f: {  	[tilespmem:$0x530] =	vst v1  }
0xa0: {  	[tilespmem:$0x630] =	vst v3  }
0xa1: {  	[tilespmem:$0x6B0] =	vst v2;
	v0 =	vsub.s32 v2, v4  }
0xa2: {  	[tilespmem:$0x730] =	vst v0;
	v0 =	vsub.s32 v3, v1  }
0xa3: {  	s26 =	simm.s32 $0x780;
	s10 =	simm.s32 $0x16800;
	[tilespmem:$0x7B0] =	vst v0  }
0xa4: {  	[tilespmem:s10], [sflag:$0x2] =	stream.indirect.gather [hbm4b:s4+s1], $0x80, s26, s1, $0xb8;
	[tilespmem:$0x1E800] =	vst v63  }
0xa5: {  	s16 =	simm.s32 $0x12800;
	s15 =	simm.s32 $0x680  }
0xa6: {  	[tilespmem:s16], [sflag:$0x2] =	stream.indirect.gather [hbm4b:s2+s1], $0x80, s15, s1, $0xb8;
	[tilespmem:$0x1E800] =	vst v63  }
0xa7: {  	s25 =	simm.s32 $0x500;
	s15 =	simm.s32 $0xC800  }
0xa8: {  	[tilespmem:s15], [sflag:$0x5] =	stream.indirect.gather [spmem:s3], $0x80, s25, s1, $0xb8;
	[tilespmem:$0x1E800] =	vst v63  }
0xa9: {  	_ =	swait.ge [sflag:s31], $0x2000  }
0xaa: {  	[sflag:s31] =	ssyncset.done $0x0  }
0xab: {  	s26 =	rddreg [dreg:$0x19];
	[sflag:s31] =	ssyncadd.s32 $0xFFFFE000  }
0xac: {  	[hbm4b:s26+s12] =	stream.strided.scatter [tilespmem:s15], [sflag:$0x4], $0x2000, s13, s12, $0x38;
	[tilespmem:$0x1E800] =	vst v63  }
0xad: {  	s25 =	simm.s32 $0x580;
	s15 =	simm.s32 $0xE800  }
0xae: {  	[tilespmem:s15], [sflag:$0x5] =	stream.indirect.gather [spmem:s6], $0x80, s25, s1, $0xb8;
	[tilespmem:$0x1E800] =	vst v63  }
0xaf: {  	_ =	swait.ge [sflag:s31], $0x2000  }
0xb0: {  	[sflag:s31] =	ssyncset.done $0x0  }
0xb1: {  	s26 =	rddreg [dreg:$0x1a];
	[sflag:s31] =	ssyncadd.s32 $0xFFFFE000  }
0xb2: {  	[hbm4b:s26+s12] =	stream.strided.scatter [tilespmem:s15], [sflag:$0x4], $0x2000, s13, s12, $0x38;
	[tilespmem:$0x1E800] =	vst v63  }
0xb3: {  	s15 =	simm.s32 $0x600  }
0xb4: {  	[tilespmem:s7], [sflag:$0x5] =	stream.indirect.gather [spmem:s3], $0x80, s15, s1, $0xb8;
	[tilespmem:$0x1E800] =	vst v63  }
0xb5: {  	_ =	swait.ge [sflag:s31], $0x2000  }
0xb6: {  	[sflag:s31] =	ssyncset.done $0x0  }
0xb7: {  	s25 =	rddreg [dreg:$0x1c];
	[sflag:s31] =	ssyncadd.s32 $0xFFFFE000  }
0xb8: {  	[hbm4b:s25+s12] =	stream.strided.scatter [tilespmem:s7], [sflag:$0x4], $0x2000, s13, s12, $0x38;
	[tilespmem:$0x1E800] =	vst v63  }
0xb9: {  	s26 =	simm.s32 $0x700  }
0xba: {  	[tilespmem:s9], [sflag:$0x5] =	stream.indirect.gather [spmem:s29], $0x80, s26, s1, $0xb8;
	[tilespmem:$0x1E800] =	vst v63  }
0xbb: {  	_ =	swait.ge [sflag:s31], $0x2000  }
0xbc: {  	[sflag:s31] =	ssyncset.done $0x0  }
0xbd: {  	s15 =	rddreg [dreg:$0x1e];
	[sflag:s31] =	ssyncadd.s32 $0xFFFFE000  }
0xbe: {  	[hbm4b:s15+s12] =	stream.strided.scatter [tilespmem:s9], [sflag:$0x4], $0x2000, s13, s12, $0x38;
	[tilespmem:$0x1E800] =	vst v63  }
0xbf: {  	_ =	swait.ge [sflag:s11], $0x2000  }
0xc0: {  	[sflag:s11] =	ssyncset.done $0x0  }
0xc1: {  	s25 =	rddreg [dreg:$0x1f];
	[sflag:s11] =	ssyncadd.s32 $0xFFFFE000  }
0xc2: {  	[hbm4b:s25+s12] =	stream.strided.scatter [tilespmem:s16], [sflag:$0x4], $0x2000, s13, s12, $0x38;
	[tilespmem:$0x1E800] =	vst v63  }
0xc3: {  	_ =	swait.ge [sflag:s11], $0x2000  }
0xc4: {  	s26 =	sld [smem:$0x7FD]  }
0xc5: {  	[sflag:s11] =	ssyncset.done $0x0  }
0xc6: {  	[sflag:s11] =	ssyncadd.s32 $0xFFFFE000  }
0xc7: {  	[hbm4b:s26+s12] =	stream.strided.scatter [tilespmem:s10], [sflag:$0x4], $0x2000, s13, s12, $0x38;
	[tilespmem:$0x1E800] =	vst v63  }
0xc8: {  	_ =	swait.ge [sflag:s14], $0x2000  }
0xc9: {  	[sflag:s14] =	ssyncset.done $0x0  }
0xca: {  	[sflag:s14] =	ssyncadd.s32 $0xFFFFE000  }
0xcb: {  	_ =	swait.ge [sflag:s14], $0x2000  }
0xcc: {  	[sflag:s14] =	ssyncset.done $0x0  }
0xcd: {  	[sflag:s14] =	ssyncadd.s32 $0xFFFFE000  }
0xce: {  	_ =	swait.ge [sflag:s14], $0x2000  }
0xcf: {  	[sflag:s14] =	ssyncset.done $0x0  }
0xd0: {  	[sflag:s14] =	ssyncadd.s32 $0xFFFFE000  }
0xd1: {  	_ =	swait.ge [sflag:s14], $0x2000  }
0xd2: {  	[sflag:s14] =	ssyncset.done $0x0  }
0xd3: {  	[sflag:s14] =	ssyncadd.s32 $0xFFFFE000  }
0xd4: {  	_ =	swait.ge [sflag:s14], $0x2000  }
0xd5: {  	[sflag:s14] =	ssyncset.done $0x0  }
0xd6: {  	[sflag:s14] =	ssyncadd.s32 $0xFFFFE000  }
0xd7: {  	_ =	swait.ge [sflag:s14], $0x2000  }
0xd8: {  	[sflag:s14] =	ssyncset.done $0x0  }
0xd9: {  	s26 =	rddreg [dreg:$0x1b];
	[sflag:s14] =	ssyncadd.s32 $0xFFFFE000  }
0xda: {  	[tilespmem:s21], [sflag:$0x5] =	stream.linear.gather [hbm4b:s26+s21], $0x200, $0x38;
	[tilespmem:$0x1E800] =	vst v63  }
0xdb: {  	_ =	swait.ge [sflag:s31], $0x200  }
0xdc: {  	[sflag:s31] =	ssyncset.done $0x0  }
0xdd: {  	[sflag:s31] =	ssyncadd.s32 $0xFFFFFE00  }
0xde: {  	v0 =	vld [tilespmem:$0x1B0]  }
0xdf: {  	v1 =	vld [tilespmem:$0x110]  }
0xe0: {  	v2 =	vld [tilespmem:$0x130]  }
0xe1: {  	v3 =	vld [tilespmem:$0x10]  }
0xe2: {  	v4 =	vld [tilespmem:$0x80]  }
0xe3: {  	v5 =	vld [tilespmem:$0x100];
	[tilespmem:$0x3B0] =	vst v0  }
0xe4: {  	v6 =	vld [tilespmem:$0x0];
	[tilespmem:$0x310] =	vst v1  }
0xe5: {  	v7 =	vld [tilespmem:$0x120];
	[tilespmem:$0x330] =	vst v2  }
0xe6: {  	v8 =	vld [tilespmem:$0x20];
	[tilespmem:$0x210] =	vst v3  }
0xe7: {  	v9 =	vld [tilespmem:$0xA0];
	[tilespmem:$0x280] =	vst v4  }
0xe8: {  	v10 =	vld [tilespmem:$0x180];
	[tilespmem:$0x300] =	vst v5  }
0xe9: {  	v11 =	vld [tilespmem:$0x30];
	[tilespmem:$0x200] =	vst v6  }
0xea: {  	v62 =	vld [tilespmem:$0x90];
	[tilespmem:$0x320] =	vst v7  }
0xeb: {  	[tilespmem:$0x220] =	vst v8  }
0xec: {  	[tilespmem:$0x2A0] =	vst v9  }
0xed: {  	[tilespmem:$0x380] =	vst v10  }
0xee: {  	[tilespmem:$0x230] =	vst v11  }
0xef: {  	v7 =	vsub.s32 v7, v8;
	[tilespmem:$0x290] =	vst v62  }
0xf0: {  	v8 =	vld [tilespmem:$0x1A0];
	v4 =	vsub.s32 v10, v4;
	[tilespmem:$0x4A0] =	vst v7  }
0xf1: {  	v2 =	vsub.s32 v2, v11;
	v7 =	vld [tilespmem:$0x190];
	[tilespmem:$0x400] =	vst v4  }
0xf2: {  	v1 =	vsub.s32 v1, v3;
	[tilespmem:$0x4B0] =	vst v2  }
0xf3: {  	v4 =	vld [tilespmem:$0xB0];
	v2 =	vsub.s32 v5, v6;
	[tilespmem:$0x490] =	vst v1  }
0xf4: {  	[tilespmem:$0x480] =	vst v2  }
0xf5: {  	[tilespmem:$0x3A0] =	vst v8  }
0xf6: {  	v8 =	vsub.s32 v8, v9;
	[tilespmem:$0x390] =	vst v7  }
0xf7: {  	[tilespmem:$0x420] =	vst v8  }
0xf8: {  	v1 =	vsub.s32 v7, v62;
	[tilespmem:$0x2B0] =	vst v4  }
0xf9: {  	v0 =	vsub.s32 v0, v4;
	[tilespmem:$0x410] =	vst v1  }
0xfa: {  	s10 =	simm.s32 $0xA800;
	[tilespmem:$0x430] =	vst v0  }
0xfb: {  	[tilespmem:s10], [sflag:$0x1] =	stream.indirect.gather [hbm4b:s4+s1], $0x80, s23, s1, $0xb8;
	[tilespmem:$0x1E800] =	vst v63  }
0xfc: {  	s16 =	simm.s32 $0x6800  }
0xfd: {  	[tilespmem:s16], [sflag:$0x1] =	stream.indirect.gather [hbm4b:s2+s1], $0x80, s24, s1, $0xb8;
	[tilespmem:$0x1E800] =	vst v63  }
0xfe: {  	s5 =	simm.s32 $0x800  }
0xff: {  	[tilespmem:s5], [sflag:$0x5] =	stream.indirect.gather [spmem:s3], $0x80, s0, s1, $0xb8;
	[tilespmem:$0x1E800] =	vst v63  }
0x100: {  	_ =	swait.ge [sflag:s31], $0x2000  }
0x101: {  	s15 =	rddreg [dreg:$0xb];
	[sflag:s31] =	ssyncset.done $0x0  }
0x102: {  	[sflag:s31] =	ssyncadd.s32 $0xFFFFE000;
	s21 =	sadd.s32 $0x0, s15  }
0x103: {  	[hbm4b:s21+s12] =	stream.strided.scatter [tilespmem:s5], [sflag:$0x3], $0x2000, s13, s12, $0x38;
	[tilespmem:$0x1E800] =	vst v63  }
0x104: {  	_ = 	snop  }
0x105: {  	[tilespmem:s18], [sflag:$0x5] =	stream.indirect.gather [spmem:s6], $0x80, s8, s1, $0xb8;
	[tilespmem:$0x1E800] =	vst v63  }
0x106: {  	_ =	swait.ge [sflag:s31], $0x2000  }
0x107: {  	[sflag:s31] =	ssyncset.done $0x0  }
0x108: {  	s23 =	sadd.s32 $0x80, s21;
	[sflag:s31] =	ssyncadd.s32 $0xFFFFE000  }
0x109: {  	[hbm4b:s23+s12] =	stream.strided.scatter [tilespmem:s18], [sflag:$0x3], $0x2000, s13, s12, $0x38;
	[tilespmem:$0x1E800] =	vst v63  }
0x10a: {  	_ = 	snop  }
0x10b: {  	[tilespmem:s19], [sflag:$0x5] =	stream.indirect.gather [spmem:s3], $0x80, s22, s1, $0xb8;
	[tilespmem:$0x1E800] =	vst v63  }
0x10c: {  	_ =	swait.ge [sflag:s31], $0x2000  }
0x10d: {  	[sflag:s31] =	ssyncset.done $0x0  }
0x10e: {  	s25 =	sadd.s32 $0x100, s21;
	[sflag:s31] =	ssyncadd.s32 $0xFFFFE000  }
0x10f: {  	[hbm4b:s25+s12] =	stream.strided.scatter [tilespmem:s19], [sflag:$0x3], $0x2000, s13, s12, $0x38;
	[tilespmem:$0x1E800] =	vst v63  }
0x110: {  	_ = 	snop  }
0x111: {  	[tilespmem:s30], [sflag:$0x5] =	stream.indirect.gather [spmem:s29], $0x80, s12, s1, $0xb8;
	[tilespmem:$0x1E800] =	vst v63  }
0x112: {  	_ =	swait.ge [sflag:s31], $0x2000  }
0x113: {  	[sflag:s31] =	ssyncset.done $0x0  }
0x114: {  	s29 =	sadd.s32 $0x200, s21;
	[sflag:s31] =	ssyncadd.s32 $0xFFFFE000  }
0x115: {  	[hbm4b:s29+s12] =	stream.strided.scatter [tilespmem:s30], [sflag:$0x3], $0x2000, s13, s12, $0x38;
	[tilespmem:$0x1E800] =	vst v63  }
0x116: {  	_ =	swait.ge [sflag:s20], $0x2000  }
0x117: {  	[sflag:s20] =	ssyncset.done $0x0  }
0x118: {  	s30 =	sadd.s32 $0x180, s21;
	[sflag:s20] =	ssyncadd.s32 $0xFFFFE000  }
0x119: {  	[hbm4b:s30+s12] =	stream.strided.scatter [tilespmem:s16], [sflag:$0x3], $0x2000, s13, s12, $0x38;
	[tilespmem:$0x1E800] =	vst v63  }
0x11a: {  	_ =	swait.ge [sflag:s20], $0x2000  }
0x11b: {  	[sflag:s20] =	ssyncset.done $0x0  }
0x11c: {  	s21 =	sadd.s32 $0x280, s21;
	[sflag:s20] =	ssyncadd.s32 $0xFFFFE000  }
0x11d: {  	[hbm4b:s21+s12] =	stream.strided.scatter [tilespmem:s10], [sflag:$0x3], $0x2000, s13, s12, $0x38;
	[tilespmem:$0x1E800] =	vst v63  }
0x11e: {  	_ =	swait.ge [sflag:s17], $0x2000  }
0x11f: {  	[sflag:s17] =	ssyncset.done $0x0  }
0x120: {  	[sflag:s17] =	ssyncadd.s32 $0xFFFFE000  }
0x121: {  	_ =	swait.ge [sflag:s17], $0x2000  }
0x122: {  	[sflag:s17] =	ssyncset.done $0x0  }
0x123: {  	[sflag:s17] =	ssyncadd.s32 $0xFFFFE000  }
0x124: {  	_ =	swait.ge [sflag:s17], $0x2000  }
0x125: {  	[sflag:s17] =	ssyncset.done $0x0  }
0x126: {  	[sflag:s17] =	ssyncadd.s32 $0xFFFFE000  }
0x127: {  	_ =	swait.ge [sflag:s17], $0x2000  }
0x128: {  	[sflag:s17] =	ssyncset.done $0x0  }
0x129: {  	[sflag:s17] =	ssyncadd.s32 $0xFFFFE000  }
0x12a: {  	_ =	swait.ge [sflag:s17], $0x2000  }
0x12b: {  	[sflag:s17] =	ssyncset.done $0x0  }
0x12c: {  	[sflag:s17] =	ssyncadd.s32 $0xFFFFE000  }
0x12d: {  	_ =	swait.ge [sflag:s17], $0x2000  }
0x12e: {  	[sflag:s17] =	ssyncset.done $0x0  }
0x12f: {  	[sflag:s17] =	ssyncadd.s32 $0xFFFFE000  }
0x130: {  	v0 =	vld [tilespmem:$0x40]  }
0x131: {  	v1 =	vld [tilespmem:$0x1F0]  }
0x132: {  	v2 =	vld [tilespmem:$0x150]  }
0x133: {  	v3 =	vld [tilespmem:$0x50]  }
0x134: {  	v4 =	vld [tilespmem:$0xF0]  }
0x135: {  	v5 =	vld [tilespmem:$0x1C0];
	[tilespmem:$0x500] =	vst v0  }
0x136: {  	v6 =	vld [tilespmem:$0xC0];
	[tilespmem:$0x6B0] =	vst v1  }
0x137: {  	v7 =	vld [tilespmem:$0xE0];
	[tilespmem:$0x610] =	vst v2  }
0x138: {  	[tilespmem:$0x510] =	vst v3  }
0x139: {  	v8 =	vld [tilespmem:$0x1E0];
	[tilespmem:$0x5B0] =	vst v4  }
0x13a: {  	[tilespmem:$0x680] =	vst v5  }
0x13b: {  	[tilespmem:$0x580] =	vst v6  }
0x13c: {  	v2 =	vsub.s32 v2, v3;
	v3 =	vld [tilespmem:$0x170];
	[tilespmem:$0x5A0] =	vst v7  }
0x13d: {  	[tilespmem:$0x790] =	vst v2;
	v2 =	vld [tilespmem:$0x70]  }
0x13e: {  	v1 =	vsub.s32 v1, v4;
	v4 =	vld [tilespmem:$0x160];
	[tilespmem:$0x6A0] =	vst v8  }
0x13f: {  	v63 =	vsub.s32 v5, v6;
	[tilespmem:$0x730] =	vst v1;
	v1 =	vld [tilespmem:$0x60]  }
0x140: {  	[tilespmem:$0x700] =	vst v63  }
0x141: {  	[tilespmem:$0x630] =	vst v3  }
0x142: {  	s24 =	simm.s32 $0x3000;
	s0 =	simm.s32 $0x200;
	v5 =	vld [tilespmem:$0x140];
	[tilespmem:$0x530] =	vst v2;
	v2 =	vsub.s32 v3, v2  }
0x143: {  	s5 =	simm.s32 $0x480;
	s8 =	simm.s32 $0x280;
	s18 =	simm.s32 $0x2800;
	[tilespmem:$0x7B0] =	vst v2;
	v2 =	vld [tilespmem:$0x1D0]  }
0x144: {  	s22 =	simm.s32 $0x300;
	s19 =	simm.s32 $0x4800;
	s21 =	simm.s32 $0x0;
	v6 =	vsub.s32 v8, v7;
	[tilespmem:$0x620] =	vst v4;
	v3 =	vld [tilespmem:$0xD0];
	v4 =	vsub.s32 v4, v1  }
.LBB2_2:
0x145: {  	[tilespmem:$0x720] =	vst v6  }
0x146: {  	[tilespmem:$0x520] =	vst v1  }
0x147: {  	[tilespmem:$0x7A0] =	vst v4  }
0x148: {  	[tilespmem:$0x690] =	vst v2  }
0x149: {  	[tilespmem:$0x600] =	vst v5  }
0x14a: {  	v6 =	vsub.s32 v2, v3;
	[tilespmem:$0x590] =	vst v3  }
0x14b: {  	v0 =	vsub.s32 v5, v0;
	[tilespmem:$0x710] =	vst v6  }
0x14c: {  	s4 =	rddreg [dreg:$0x4];
	s2 =	simm.s32 $0x780;
	[tilespmem:$0x780] =	vst v0  }
0x14d: {  	[tilespmem:s28], [sflag:$0x2] =	stream.indirect.gather [hbm4b:s4+s1], $0x80, s2, s1, $0xb8;
	[tilespmem:$0x1E800] =	vst v63  }
0x14e: {  	s15 =	simm.s32 $0x12800;
	s6 =	simm.s32 $0x680;
	s2 =	rddreg [dreg:$0x2]  }
0x14f: {  	[tilespmem:s15], [sflag:$0x2] =	stream.indirect.gather [hbm4b:s2+s1], $0x80, s6, s1, $0xb8;
	[tilespmem:$0x1E800] =	vst v63  }
0x150: {  	s23 =	simm.s32 $0x500;
	s6 =	simm.s32 $0xC800  }
0x151: {  	[tilespmem:s6], [sflag:$0x5] =	stream.indirect.gather [spmem:s3], $0x80, s23, s1, $0xb8;
	[tilespmem:$0x1E800] =	vst v63  }
0x152: {  	_ =	swait.ge [sflag:s31], $0x2000  }
0x153: {  	s29 =	smov.u32 s24;
	s25 =	rddreg [dreg:$0xa];
	[sflag:s31] =	ssyncset.done $0x0  }
0x154: {  	[sflag:s31] =	ssyncadd.s32 $0xFFFFE000;
	s23 =	sadd.s32 s21, s25;
	s21 =	smov.u32 s29  }
0x155: {  	[hbm4b:s23+s12] =	stream.strided.scatter [tilespmem:s6], [sflag:$0x4], $0x2000, s13, s12, $0x38;
	[tilespmem:$0x1E800] =	vst v63  }
0x156: {  	s25 =	simm.s32 $0xE800;
	s29 =	simm.s32 $0x580;
	s6 =	rddreg [dreg:$0x7]  }
0x157: {  	[tilespmem:s25], [sflag:$0x5] =	stream.indirect.gather [spmem:s6], $0x80, s29, s1, $0xb8;
	[tilespmem:$0x1E800] =	vst v63  }
0x158: {  	_ =	swait.ge [sflag:s31], $0x2000  }
0x159: {  	[sflag:s31] =	ssyncset.done $0x0  }
0x15a: {  	s29 =	sadd.s32 $0x80, s23;
	[sflag:s31] =	ssyncadd.s32 $0xFFFFE000  }
0x15b: {  	[hbm4b:s29+s12] =	stream.strided.scatter [tilespmem:s25], [sflag:$0x4], $0x2000, s13, s12, $0x38;
	[tilespmem:$0x1E800] =	vst v63  }
0x15c: {  	s29 =	simm.s32 $0x600  }
0x15d: {  	[tilespmem:s7], [sflag:$0x5] =	stream.indirect.gather [spmem:s3], $0x80, s29, s1, $0xb8;
	[tilespmem:$0x1E800] =	vst v63  }
0x15e: {  	_ =	swait.ge [sflag:s31], $0x2000  }
0x15f: {  	[sflag:s31] =	ssyncset.done $0x0  }
0x160: {  	s25 =	sadd.s32 $0x100, s23;
	[sflag:s31] =	ssyncadd.s32 $0xFFFFE000  }
0x161: {  	[hbm4b:s25+s12] =	stream.strided.scatter [tilespmem:s7], [sflag:$0x4], $0x2000, s13, s12, $0x38;
	[tilespmem:$0x1E800] =	vst v63  }
0x162: {  	s29 =	simm.s32 $0x700;
	s30 =	rddreg [dreg:$0x8]  }
0x163: {  	[tilespmem:s9], [sflag:$0x5] =	stream.indirect.gather [spmem:s30], $0x80, s29, s1, $0xb8;
	[tilespmem:$0x1E800] =	vst v63  }
0x164: {  	_ =	swait.ge [sflag:s31], $0x2000  }
0x165: {  	[sflag:s31] =	ssyncset.done $0x0  }
0x166: {  	s29 =	sadd.s32 $0x200, s23;
	[sflag:s31] =	ssyncadd.s32 $0xFFFFE000  }
0x167: {  	[hbm4b:s29+s12] =	stream.strided.scatter [tilespmem:s9], [sflag:$0x4], $0x2000, s13, s12, $0x38;
	[tilespmem:$0x1E800] =	vst v63  }
0x168: {  	_ =	swait.ge [sflag:s11], $0x2000  }
0x169: {  	[sflag:s11] =	ssyncset.done $0x0  }
0x16a: {  	s29 =	sadd.s32 $0x180, s23;
	[sflag:s11] =	ssyncadd.s32 $0xFFFFE000  }
0x16b: {  	[hbm4b:s29+s12] =	stream.strided.scatter [tilespmem:s15], [sflag:$0x4], $0x2000, s13, s12, $0x38;
	[tilespmem:$0x1E800] =	vst v63  }
0x16c: {  	_ =	swait.ge [sflag:s11], $0x2000  }
0x16d: {  	[sflag:s11] =	ssyncset.done $0x0  }
0x16e: {  	s23 =	sadd.s32 $0x280, s23;
	[sflag:s11] =	ssyncadd.s32 $0xFFFFE000  }
0x16f: {  	[hbm4b:s23+s12] =	stream.strided.scatter [tilespmem:s28], [sflag:$0x4], $0x2000, s13, s12, $0x38;
	[tilespmem:$0x1E800] =	vst v63  }
0x170: {  	_ =	swait.ge [sflag:s14], $0x2000  }
0x171: {  	[sflag:s14] =	ssyncset.done $0x0  }
0x172: {  	[sflag:s14] =	ssyncadd.s32 $0xFFFFE000  }
0x173: {  	_ =	swait.ge [sflag:s14], $0x2000  }
0x174: {  	[sflag:s14] =	ssyncset.done $0x0  }
0x175: {  	[sflag:s14] =	ssyncadd.s32 $0xFFFFE000  }
0x176: {  	_ =	swait.ge [sflag:s14], $0x2000  }
0x177: {  	[sflag:s14] =	ssyncset.done $0x0  }
0x178: {  	[sflag:s14] =	ssyncadd.s32 $0xFFFFE000  }
0x179: {  	_ =	swait.ge [sflag:s14], $0x2000  }
0x17a: {  	[sflag:s14] =	ssyncset.done $0x0  }
0x17b: {  	[sflag:s14] =	ssyncadd.s32 $0xFFFFE000  }
0x17c: {  	_ =	swait.ge [sflag:s14], $0x2000  }
0x17d: {  	[sflag:s14] =	ssyncset.done $0x0  }
0x17e: {  	[sflag:s14] =	ssyncadd.s32 $0xFFFFE000  }
0x17f: {  	_ =	swait.ge [sflag:s14], $0x2000  }
0x180: {  	[sflag:s14] =	ssyncset.done $0x0  }
0x181: {  	s26 =	sadd.s32 $0x40, s26;
	s29 =	simm.s32 $0x0;
	[sflag:s14] =	ssyncadd.s32 $0xFFFFE000  }
0x182: {  	[tilespmem:s29], [sflag:$0x5] =	stream.linear.gather [hbm4b:s26+s29], $0x200, $0x38;
	[tilespmem:$0x1E800] =	vst v63  }
0x183: {  	_ =	swait.ge [sflag:s31], $0x200  }
0x184: {  	[sflag:s31] =	ssyncset.done $0x0  }
0x185: {  	[sflag:s31] =	ssyncadd.s32 $0xFFFFFE00  }
0x186: {  	v0 =	vld [tilespmem:$0x1B0]  }
0x187: {  	v1 =	vld [tilespmem:$0x110]  }
0x188: {  	v2 =	vld [tilespmem:$0x130]  }
0x189: {  	v3 =	vld [tilespmem:$0x10]  }
0x18a: {  	v4 =	vld [tilespmem:$0x80]  }
0x18b: {  	v5 =	vld [tilespmem:$0x100];
	[tilespmem:$0x3B0] =	vst v0  }
0x18c: {  	v6 =	vld [tilespmem:$0x0];
	[tilespmem:$0x310] =	vst v1  }
0x18d: {  	v7 =	vld [tilespmem:$0xA0];
	[tilespmem:$0x330] =	vst v2  }
0x18e: {  	v8 =	vld [tilespmem:$0x180];
	[tilespmem:$0x210] =	vst v3  }
0x18f: {  	v9 =	vld [tilespmem:$0x20];
	[tilespmem:$0x280] =	vst v4  }
0x190: {  	v11 =	vld [tilespmem:$0x190];
	[tilespmem:$0x300] =	vst v5  }
0x191: {  	v10 =	vld [tilespmem:$0xB0];
	[tilespmem:$0x200] =	vst v6  }
0x192: {  	[tilespmem:$0x2A0] =	vst v7  }
0x193: {  	[tilespmem:$0x380] =	vst v8  }
0x194: {  	[tilespmem:$0x220] =	vst v9  }
0x195: {  	[tilespmem:$0x390] =	vst v11  }
0x196: {  	v1 =	vsub.s32 v1, v3;
	v3 =	vld [tilespmem:$0x120];
	v4 =	vsub.s32 v8, v4;
	[tilespmem:$0x2B0] =	vst v10  }
0x197: {  	v5 =	vsub.s32 v5, v6;
	[tilespmem:$0x400] =	vst v4  }
0x198: {  	v6 =	vld [tilespmem:$0x30];
	[tilespmem:$0x480] =	vst v5  }
0x199: {  	v8 =	vld [tilespmem:$0x1A0];
	v0 =	vsub.s32 v0, v10;
	[tilespmem:$0x490] =	vst v1  }
0x19a: {  	[tilespmem:$0x430] =	vst v0  }
0x19b: {  	[tilespmem:$0x320] =	vst v3;
	v3 =	vsub.s32 v3, v9  }
0x19c: {  	[tilespmem:$0x4A0] =	vst v3;
	v3 =	vld [tilespmem:$0x90]  }
0x19d: {  	[tilespmem:$0x230] =	vst v6  }
0x19e: {  	v2 =	vsub.s32 v2, v6;
	[tilespmem:$0x3A0] =	vst v8  }
0x19f: {  	v4 =	vsub.s32 v8, v7;
	[tilespmem:$0x4B0] =	vst v2  }
0x1a0: {  	[tilespmem:$0x420] =	vst v4  }
0x1a1: {  	v2 =	vsub.s32 v11, v3;
	[tilespmem:$0x290] =	vst v3  }
0x1a2: {  	[tilespmem:$0x410] =	vst v2  }
0x1a3: {  	[tilespmem:s10], [sflag:$0x1] =	stream.indirect.gather [hbm4b:s4+s1], $0x80, s5, s1, $0xb8;
	[tilespmem:$0x1E800] =	vst v63  }
0x1a4: {  	s23 =	simm.s32 $0x380  }
0x1a5: {  	[tilespmem:s16], [sflag:$0x1] =	stream.indirect.gather [hbm4b:s2+s1], $0x80, s23, s1, $0xb8;
	[tilespmem:$0x1E800] =	vst v63  }
0x1a6: {  	s2 =	simm.s32 $0x800  }
0x1a7: {  	[tilespmem:s2], [sflag:$0x5] =	stream.indirect.gather [spmem:s3], $0x80, s0, s1, $0xb8;
	[tilespmem:$0x1E800] =	vst v63  }
0x1a8: {  	_ =	swait.ge [sflag:s31], $0x2000  }
0x1a9: {  	s29 =	rddreg [dreg:$0xb];
	[sflag:s31] =	ssyncset.done $0x0  }
0x1aa: {  	[sflag:s31] =	ssyncadd.s32 $0xFFFFE000;
	s23 =	sadd.s32 s21, s29  }
0x1ab: {  	[hbm4b:s23+s12] =	stream.strided.scatter [tilespmem:s2], [sflag:$0x3], $0x2000, s13, s12, $0x38;
	[tilespmem:$0x1E800] =	vst v63  }
0x1ac: {  	_ = 	snop  }
0x1ad: {  	[tilespmem:s18], [sflag:$0x5] =	stream.indirect.gather [spmem:s6], $0x80, s8, s1, $0xb8;
	[tilespmem:$0x1E800] =	vst v63  }
0x1ae: {  	_ =	swait.ge [sflag:s31], $0x2000  }
0x1af: {  	[sflag:s31] =	ssyncset.done $0x0  }
0x1b0: {  	s4 =	sadd.s32 $0x80, s23;
	[sflag:s31] =	ssyncadd.s32 $0xFFFFE000  }
0x1b1: {  	[hbm4b:s4+s12] =	stream.strided.scatter [tilespmem:s18], [sflag:$0x3], $0x2000, s13, s12, $0x38;
	[tilespmem:$0x1E800] =	vst v63  }
0x1b2: {  	_ = 	snop  }
0x1b3: {  	[tilespmem:s19], [sflag:$0x5] =	stream.indirect.gather [spmem:s3], $0x80, s22, s1, $0xb8;
	[tilespmem:$0x1E800] =	vst v63  }
0x1b4: {  	_ =	swait.ge [sflag:s31], $0x2000  }
0x1b5: {  	[sflag:s31] =	ssyncset.done $0x0  }
0x1b6: {  	s6 =	sadd.s32 $0x100, s23;
	[sflag:s31] =	ssyncadd.s32 $0xFFFFE000  }
0x1b7: {  	[hbm4b:s6+s12] =	stream.strided.scatter [tilespmem:s19], [sflag:$0x3], $0x2000, s13, s12, $0x38;
	[tilespmem:$0x1E800] =	vst v63  }
0x1b8: {  	s25 =	simm.s32 $0x8800  }
0x1b9: {  	[tilespmem:s25], [sflag:$0x5] =	stream.indirect.gather [spmem:s30], $0x80, s12, s1, $0xb8;
	[tilespmem:$0x1E800] =	vst v63  }
0x1ba: {  	_ =	swait.ge [sflag:s31], $0x2000  }
0x1bb: {  	[sflag:s31] =	ssyncset.done $0x0  }
0x1bc: {  	s15 =	sadd.s32 $0x200, s23;
	s30 =	simm.s32 $0x8800;
	[sflag:s31] =	ssyncadd.s32 $0xFFFFE000  }
0x1bd: {  	[hbm4b:s15+s12] =	stream.strided.scatter [tilespmem:s30], [sflag:$0x3], $0x2000, s13, s12, $0x38;
	[tilespmem:$0x1E800] =	vst v63  }
0x1be: {  	_ =	swait.ge [sflag:s20], $0x2000  }
0x1bf: {  	[sflag:s20] =	ssyncset.done $0x0  }
0x1c0: {  	s25 =	sadd.s32 $0x180, s23;
	[sflag:s20] =	ssyncadd.s32 $0xFFFFE000  }
0x1c1: {  	[hbm4b:s25+s12] =	stream.strided.scatter [tilespmem:s16], [sflag:$0x3], $0x2000, s13, s12, $0x38;
	[tilespmem:$0x1E800] =	vst v63  }
0x1c2: {  	_ =	swait.ge [sflag:s20], $0x2000  }
0x1c3: {  	[sflag:s20] =	ssyncset.done $0x0  }
0x1c4: {  	s23 =	sadd.s32 $0x280, s23;
	[sflag:s20] =	ssyncadd.s32 $0xFFFFE000  }
0x1c5: {  	[hbm4b:s23+s12] =	stream.strided.scatter [tilespmem:s10], [sflag:$0x3], $0x2000, s13, s12, $0x38;
	[tilespmem:$0x1E800] =	vst v63  }
0x1c6: {  	_ =	swait.ge [sflag:s17], $0x2000  }
0x1c7: {  	[sflag:s17] =	ssyncset.done $0x0  }
0x1c8: {  	[sflag:s17] =	ssyncadd.s32 $0xFFFFE000  }
0x1c9: {  	_ =	swait.ge [sflag:s17], $0x2000  }
0x1ca: {  	[sflag:s17] =	ssyncset.done $0x0  }
0x1cb: {  	[sflag:s17] =	ssyncadd.s32 $0xFFFFE000  }
0x1cc: {  	_ =	swait.ge [sflag:s17], $0x2000  }
0x1cd: {  	[sflag:s17] =	ssyncset.done $0x0  }
0x1ce: {  	[sflag:s17] =	ssyncadd.s32 $0xFFFFE000  }
0x1cf: {  	_ =	swait.ge [sflag:s17], $0x2000  }
0x1d0: {  	[sflag:s17] =	ssyncset.done $0x0  }
0x1d1: {  	[sflag:s17] =	ssyncadd.s32 $0xFFFFE000  }
0x1d2: {  	_ =	swait.ge [sflag:s17], $0x2000  }
0x1d3: {  	[sflag:s17] =	ssyncset.done $0x0  }
0x1d4: {  	[sflag:s17] =	ssyncadd.s32 $0xFFFFE000  }
0x1d5: {  	_ =	swait.ge [sflag:s17], $0x2000  }
0x1d6: {  	[sflag:s17] =	ssyncset.done $0x0  }
0x1d7: {  	[sflag:s17] =	ssyncadd.s32 $0xFFFFE000  }
0x1d8: {  	v0 =	vld [tilespmem:$0x40]  }
0x1d9: {  	v1 =	vld [tilespmem:$0x1F0]  }
0x1da: {  	v2 =	vld [tilespmem:$0x150]  }
0x1db: {  	v3 =	vld [tilespmem:$0x50]  }
0x1dc: {  	v4 =	vld [tilespmem:$0xF0]  }
0x1dd: {  	v5 =	vld [tilespmem:$0x1C0];
	[tilespmem:$0x500] =	vst v0  }
0x1de: {  	v6 =	vld [tilespmem:$0xC0];
	[tilespmem:$0x6B0] =	vst v1  }
0x1df: {  	v8 =	vld [tilespmem:$0xE0];
	[tilespmem:$0x610] =	vst v2  }
0x1e0: {  	v7 =	vld [tilespmem:$0x1E0];
	[tilespmem:$0x510] =	vst v3  }
0x1e1: {  	[tilespmem:$0x5B0] =	vst v4  }
0x1e2: {  	[tilespmem:$0x680] =	vst v5  }
0x1e3: {  	[tilespmem:$0x580] =	vst v6  }
0x1e4: {  	v2 =	vsub.s32 v2, v3;
	v3 =	vld [tilespmem:$0x170];
	[tilespmem:$0x5A0] =	vst v8  }
0x1e5: {  	v1 =	vsub.s32 v1, v4;
	v4 =	vld [tilespmem:$0x160];
	[tilespmem:$0x6A0] =	vst v7  }
0x1e6: {  	[tilespmem:$0x790] =	vst v2;
	v2 =	vld [tilespmem:$0x70]  }
0x1e7: {  	p0 =	sne.s32 s24, $0x90000;
	v63 =	vsub.s32 v5, v6;
	[tilespmem:$0x730] =	vst v1;
	v1 =	vld [tilespmem:$0x60]  }
.Ltmp0:
0x1e8: {  	[tilespmem:$0x700] =	vst v63;
	(pc) =	sbr.rel @p0 .LBB2_2-.Ltmp0, $4  }
0x1e9: {  	[tilespmem:$0x630] =	vst v3  }
0x1ea: {  	v5 =	vld [tilespmem:$0x140];
	[tilespmem:$0x620] =	vst v4  }
0x1eb: {  	[tilespmem:$0x530] =	vst v2;
	v62 =	vsub.s32 v3, v2;
	v2 =	vld [tilespmem:$0x1D0]  }
0x1ec: {  	s24 =	sadd.s32 $0x3000, s24;
	v6 =	vsub.s32 v7, v8;
	v3 =	vld [tilespmem:$0xD0];
	v4 =	vsub.s32 v4, v1;
	[tilespmem:$0x7B0] =	vst v62  }
0x1ed: {  	[tilespmem:$0x720] =	vst v6  }
0x1ee: {  	[tilespmem:$0x520] =	vst v1  }
0x1ef: {  	[tilespmem:$0x7A0] =	vst v4  }
0x1f0: {  	[tilespmem:$0x600] =	vst v5  }
0x1f1: {  	v0 =	vsub.s32 v5, v0;
	[tilespmem:$0x690] =	vst v2  }
0x1f2: {  	[tilespmem:$0x780] =	vst v0  }
0x1f3: {  	v63 =	vsub.s32 v2, v3;
	[tilespmem:$0x590] =	vst v3  }
0x1f4: {  	s0 =	rddreg [dreg:$0x4];
	s4 =	simm.s32 $0x16800;
	s5 =	simm.s32 $0x780;
	[tilespmem:$0x710] =	vst v63  }
0x1f5: {  	[tilespmem:s4], [sflag:$0x2] =	stream.indirect.gather [hbm4b:s0+s1], $0x80, s5, s1, $0xb8;
	[tilespmem:$0x1E800] =	vst v63  }
0x1f6: {  	s26 =	rddreg [dreg:$0x2];
	s29 =	simm.s32 $0x12800;
	s6 =	simm.s32 $0x680  }
0x1f7: {  	[tilespmem:s29], [sflag:$0x2] =	stream.indirect.gather [hbm4b:s26+s1], $0x80, s6, s1, $0xb8;
	[tilespmem:$0x1E800] =	vst v63  }
0x1f8: {  	s8 =	simm.s32 $0xC800;
	s10 =	simm.s32 $0x500  }
0x1f9: {  	[tilespmem:s8], [sflag:$0x5] =	stream.indirect.gather [spmem:s3], $0x80, s10, s1, $0xb8;
	[tilespmem:$0x1E800] =	vst v63  }
0x1fa: {  	_ =	swait.ge [sflag:s31], $0x2000  }
0x1fb: {  	s23 =	rddreg [dreg:$0xa];
	[sflag:s31] =	ssyncset.done $0x0  }
0x1fc: {  	[sflag:s31] =	ssyncadd.s32 $0xFFFFE000;
	s21 =	sadd.s32 s21, s23  }
0x1fd: {  	[hbm4b:s21+s12] =	stream.strided.scatter [tilespmem:s8], [sflag:$0x4], $0x2000, s13, s12, $0x38;
	[tilespmem:$0x1E800] =	vst v63  }
0x1fe: {  	s16 =	simm.s32 $0xE800;
	s15 =	rddreg [dreg:$0x7];
	s8 =	simm.s32 $0x580  }
0x1ff: {  	[tilespmem:s16], [sflag:$0x5] =	stream.indirect.gather [spmem:s15], $0x80, s8, s1, $0xb8;
	[tilespmem:$0x1E800] =	vst v63  }
0x200: {  	_ =	swait.ge [sflag:s31], $0x2000  }
0x201: {  	[sflag:s31] =	ssyncset.done $0x0  }
0x202: {  	s23 =	sadd.s32 $0x80, s21;
	[sflag:s31] =	ssyncadd.s32 $0xFFFFE000  }
0x203: {  	[hbm4b:s23+s12] =	stream.strided.scatter [tilespmem:s16], [sflag:$0x4], $0x2000, s13, s12, $0x38;
	[tilespmem:$0x1E800] =	vst v63  }
0x204: {  	s18 =	simm.s32 $0x600  }
0x205: {  	[tilespmem:s7], [sflag:$0x5] =	stream.indirect.gather [spmem:s3], $0x80, s18, s1, $0xb8;
	[tilespmem:$0x1E800] =	vst v63  }
0x206: {  	_ =	swait.ge [sflag:s31], $0x2000  }
0x207: {  	[sflag:s31] =	ssyncset.done $0x0  }
0x208: {  	s19 =	sadd.s32 $0x100, s21;
	[sflag:s31] =	ssyncadd.s32 $0xFFFFE000  }
0x209: {  	[hbm4b:s19+s12] =	stream.strided.scatter [tilespmem:s7], [sflag:$0x4], $0x2000, s13, s12, $0x38;
	[tilespmem:$0x1E800] =	vst v63  }
0x20a: {  	s23 =	simm.s32 $0x700;
	s22 =	rddreg [dreg:$0x8]  }
0x20b: {  	[tilespmem:s9], [sflag:$0x5] =	stream.indirect.gather [spmem:s22], $0x80, s23, s1, $0xb8;
	[tilespmem:$0x1E800] =	vst v63  }
0x20c: {  	_ =	swait.ge [sflag:s31], $0x2000  }
0x20d: {  	[sflag:s31] =	ssyncset.done $0x0  }
0x20e: {  	s24 =	sadd.s32 $0x200, s21;
	[sflag:s31] =	ssyncadd.s32 $0xFFFFE000  }
0x20f: {  	[hbm4b:s24+s12] =	stream.strided.scatter [tilespmem:s9], [sflag:$0x4], $0x2000, s13, s12, $0x38;
	[tilespmem:$0x1E800] =	vst v63  }
0x210: {  	_ =	swait.ge [sflag:s11], $0x2000  }
0x211: {  	[sflag:s11] =	ssyncset.done $0x0  }
0x212: {  	s25 =	sadd.s32 $0x180, s21;
	[sflag:s11] =	ssyncadd.s32 $0xFFFFE000  }
0x213: {  	[hbm4b:s25+s12] =	stream.strided.scatter [tilespmem:s29], [sflag:$0x4], $0x2000, s13, s12, $0x38;
	[tilespmem:$0x1E800] =	vst v63  }
0x214: {  	_ =	swait.ge [sflag:s11], $0x2000  }
0x215: {  	[sflag:s11] =	ssyncset.done $0x0  }
0x216: {  	s21 =	sadd.s32 $0x280, s21;
	[sflag:s11] =	ssyncadd.s32 $0xFFFFE000  }
0x217: {  	[hbm4b:s21+s12] =	stream.strided.scatter [tilespmem:s4], [sflag:$0x4], $0x2000, s13, s12, $0x38;
	[tilespmem:$0x1E800] =	vst v63  }
0x218: {  	_ =	swait.ge [sflag:s14], $0x2000  }
0x219: {  	[sflag:s14] =	ssyncset.done $0x0  }
0x21a: {  	[sflag:s14] =	ssyncadd.s32 $0xFFFFE000  }
0x21b: {  	_ =	swait.ge [sflag:s14], $0x2000  }
0x21c: {  	[sflag:s14] =	ssyncset.done $0x0  }
0x21d: {  	[sflag:s14] =	ssyncadd.s32 $0xFFFFE000  }
0x21e: {  	_ =	swait.ge [sflag:s14], $0x2000  }
0x21f: {  	[sflag:s14] =	ssyncset.done $0x0  }
0x220: {  	[sflag:s14] =	ssyncadd.s32 $0xFFFFE000  }
0x221: {  	_ =	swait.ge [sflag:s14], $0x2000  }
0x222: {  	[sflag:s14] =	ssyncset.done $0x0  }
0x223: {  	[sflag:s14] =	ssyncadd.s32 $0xFFFFE000  }
0x224: {  	_ =	swait.ge [sflag:s14], $0x2000  }
0x225: {  	[sflag:s14] =	ssyncset.done $0x0  }
0x226: {  	[sflag:s14] =	ssyncadd.s32 $0xFFFFE000  }
0x227: {  	_ =	swait.ge [sflag:s14], $0x2000  }
0x228: {  	[sflag:s14] =	ssyncset.done $0x0  }
0x229: {  	[sflag:s14] =	ssyncadd.s32 $0xFFFFE000  }
0x22a: {  	_ =	swait.ge [sflag:s17], $0x2000  }
0x22b: {  	[sflag:s17] =	ssyncset.done $0x0  }
0x22c: {  	[sflag:s17] =	ssyncadd.s32 $0xFFFFE000  }
0x22d: {  	_ =	swait.ge [sflag:s17], $0x2000  }
0x22e: {  	[sflag:s17] =	ssyncset.done $0x0  }
0x22f: {  	[sflag:s17] =	ssyncadd.s32 $0xFFFFE000  }
0x230: {  	_ =	swait.ge [sflag:s17], $0x2000  }
0x231: {  	[sflag:s17] =	ssyncset.done $0x0  }
0x232: {  	[sflag:s17] =	ssyncadd.s32 $0xFFFFE000  }
0x233: {  	_ =	swait.ge [sflag:s17], $0x2000  }
0x234: {  	[sflag:s17] =	ssyncset.done $0x0  }
0x235: {  	[sflag:s17] =	ssyncadd.s32 $0xFFFFE000  }
0x236: {  	_ =	swait.ge [sflag:s17], $0x2000  }
0x237: {  	[sflag:s17] =	ssyncset.done $0x0  }
0x238: {  	[sflag:s17] =	ssyncadd.s32 $0xFFFFE000  }
0x239: {  	_ =	swait.ge [sflag:s17], $0x2000  }
0x23a: {  	s26 =	sld [smem:$0x7FC];
	_ =	sdelay $0x2  }
0x23b: {  	s29 =	rddreg [dreg:$0x1d];
	s4 =	sadd.s32 $0x1, s26  }
0x23c: {  	p0 =	sne.s32 s4, s29  }
.Ltmp1:
0x23d: {  	_ = 	snop;
	(pc) =	sbr.rel @p0 .LBB2_1-.Ltmp1, $4  }
0x23e: {  	s0 =	simm.s32 $0x200;
	s10 =	simm.s32 $0xA800;
	s8 =	simm.s32 $0x280  }
0x23f: {  	s16 =	simm.s32 $0x6800;
	s18 =	simm.s32 $0x2800;
	s19 =	simm.s32 $0x4800  }
0x240: {  	s23 =	simm.s32 $0x480;
	s22 =	simm.s32 $0x300;
	[sflag:s17] =	ssyncset.done $0x0  }
0x241: {  	s24 =	simm.s32 $0x380;
	s21 =	simm.s32 $0x0;
	[sflag:s17] =	ssyncadd.s32 $0xFFFFE000  }
0x242: {  	_ =	sfence.sel $0x180000  }
0x243: {  	[bflag:$0x0] =	sbarrier.arrive $0xFFFF  }
0x244: {  	_ =	strace $0x90000047  }
0x245: {  	s0 =	stileid.u32;
	[bflag:$0x2] =	sbarrier.arrive $0xFFFF  }
0x246: {  	p0 =	sne.s32 s0, $0x0;
	s0 =	rddreg [dreg:$0x9]  }
0x247: {  	s0 =	sadd.s32 @!p0 $0x100000, s0  }
0x248: {  	[sflag:s0] =	ssyncadd.tile.s32 @!p0 $0x1;
	_ =	shalt  }
.Lfunc_end2:
_tile_overlayer_lowered:
.L_overlay_start_2:
0x249: {  	(tag) =	ssettag $0x2  }
0x24a: {  	s0 =	rddreg [dreg:$0x0];
	s2 =	stileid.u32  }
0x24b: {  	s1 =	rddreg [dreg:$0x1];
	p0 =	sne.s32 s2, $0x0  }
0x24c: {  	s3 =	rddreg [dreg:$0x2];
	[bflag:$0x3] =	sbarrier.arrive $0xFFFF;
	s2 =	simm.s32 @!p0 $0x1C05  }
0x24d: {  	[timem:s3], [sflag:s2] =	dma.local @!p0 [hbm:s0], s1  }
0x24e: {  	s0 =	simm.s32 @!p0 $0x5  }
0x24f: {  	_ =	swait.ge @!p0 [sflag:s0], s1  }
0x250: {  	s1 =	ssub.s32 @!p0 $0x0, s1;
	[sflag:s0] =	ssyncset.done @!p0 $0x0  }
0x251: {  	[sflag:s0] =	ssyncadd.s32 @!p0 s1  }
0x252: {  	[bflag:$0x3] =	sbarrier.arrive $0xFFFF  }
0x253: {  	_ =	shalt  }

</sc_bundles>
